<compile_context>
chip_gen: v7x
topology: tpu7x:2x2x1
jax: 0.10.2.dev20260603
libtpu: 0.0.44.dev20260713+nightly
codegen_flags: <defaults>
</compile_context>

<pallas_src>
import functools

import jax
import jax.numpy as jnp
from jax import lax
from jax.experimental import pallas as pl
from jax.experimental.pallas import tpu as pltpu
from jax.experimental.pallas import tpu_sc as plsc

_K = 8
_DD = 16
_NC, _NS = 2, 16
_NW = _NC * _NS
_ITERS = 6
_LOG2E = 1.4426950408889634


def _seg_matrix(d, dtype):
    lane = lax.broadcasted_iota(jnp.int32, (d, _K), 0)
    cap = lax.broadcasted_iota(jnp.int32, (d, _K), 1)
    return (lane // _DD == cap).astype(dtype)


def _seg2(d, lo, dtype):
    lane = lax.broadcasted_iota(jnp.int32, (d, 2 * _K), 0)
    col = lax.broadcasted_iota(jnp.int32, (d, 2 * _K), 1)
    cap = (lane % 64) // _DD + (0 if lo else _K // 2) + _K * (lane // 64)
    return (cap == col).astype(dtype)


def _unpack_lo(v):
    return lax.bitcast_convert_type(v << 16, jnp.float32)


def _unpack_hi(v):
    return lax.bitcast_convert_type(v & jnp.int32(-65536), jnp.float32)


def _rne_bf16_bits(f):
    b = lax.bitcast_convert_type(f, jnp.int32)
    return (b + 0x7FFF + ((b >> 16) & 1)) >> 16


def _prep_body(x_ref, nbr_ref, t_ref, nt_ref):
    x = x_ref[...]
    d = x.shape[-1]
    s_mat = _seg_matrix(d, x.dtype)
    sq = jnp.dot(x * x, s_mat, preferred_element_type=jnp.float32)
    scale = lax.rsqrt(jnp.maximum(sq, 1e-24))
    xn = x * jnp.dot(scale, s_mat.T, preferred_element_type=jnp.float32)
    lo = _rne_bf16_bits(xn[:, : d // 2])
    hi = _rne_bf16_bits(xn[:, d // 2:])
    t_ref[...] = (hi << 16) | (lo & 0xFFFF)

    @pl.when(pl.program_id(0) == 0)
    def _():
        nt_ref[...] = nbr_ref[...].T


def _routing_body(z_ref, x_ref, o_ref):
    z32 = z_ref[...]
    x32 = x_ref[...]
    m, bh, d = z32.shape
    z_lo, z_hi = _unpack_lo(z32), _unpack_hi(z32)
    x_lo, x_hi = _unpack_lo(x32), _unpack_hi(x32)
    s_lo = _seg2(d, True, jnp.float32)
    s_hi = _seg2(d, False, jnp.float32)
    s16_lo = s_lo.astype(jnp.bfloat16)
    s16_hi = s_hi.astype(jnp.bfloat16)
    sl16_lo = (s_lo * _LOG2E).astype(jnp.bfloat16)
    sl16_hi = (s_hi * _LOG2E).astype(jnp.bfloat16)
    r16 = lax.broadcasted_iota(jnp.int32, (2 * _K, 2 * _K), 0)
    c16 = lax.broadcasted_iota(jnp.int32, (2 * _K, 2 * _K), 1)
    b16 = (r16 // _K == c16 // _K).astype(jnp.float32)
    zf_lo = z_lo.reshape(m * bh, d)
    zf_hi = z_hi.reshape(m * bh, d)

    def cap_norm(u_lo, u_hi):
        sq = (jnp.dot(u_lo * u_lo, s_lo, preferred_element_type=jnp.float32)
              + jnp.dot(u_hi * u_hi, s_hi, preferred_element_type=jnp.float32))
        scale = lax.rsqrt(jnp.maximum(sq, 1e-24))
        return (u_lo * jnp.dot(scale, s_lo.T,
                               preferred_element_type=jnp.float32),
                u_hi * jnp.dot(scale, s_hi.T,
                               preferred_element_type=jnp.float32))

    u_lo = jnp.sum(z_lo, axis=0) * (1.0 / _K) + x_lo
    u_hi = jnp.sum(z_hi, axis=0) * (1.0 / _K) + x_hi
    u_lo, u_hi = cap_norm(u_lo, u_hi)
    for it in range(1, _ITERS):
        t_lo = (z_lo * u_lo[None, :, :]).reshape(m * bh, d).astype(jnp.bfloat16)
        t_hi = (z_hi * u_hi[None, :, :]).reshape(m * bh, d).astype(jnp.bfloat16)
        p = (jnp.dot(t_lo, sl16_lo, preferred_element_type=jnp.float32)
             + jnp.dot(t_hi, sl16_hi, preferred_element_type=jnp.float32))
        e = jnp.exp2(p)
        den = jnp.dot(e, b16, preferred_element_type=jnp.float32)
        pn = (e / den).astype(jnp.bfloat16)
        pe_lo = jnp.dot(pn, s16_lo.T, preferred_element_type=jnp.float32)
        pe_hi = jnp.dot(pn, s16_hi.T, preferred_element_type=jnp.float32)
        u_lo = jnp.sum((zf_lo * pe_lo).reshape(m, bh, d), axis=0) + x_lo
        u_hi = jnp.sum((zf_hi * pe_hi).reshape(m, bh, d), axis=0) + x_hi
        if it < _ITERS - 1:
            u_lo, u_hi = cap_norm(u_lo, u_hi)
    h = d // 2
    o_ref[...] = jnp.concatenate(
        [u_lo[:, :h], u_hi[:, :h], u_lo[:, h:], u_hi[:, h:]], axis=1)


def _prep_call(x, nbr2):
    n, d = x.shape
    m = nbr2.shape[1]
    bn = 2000
    return pl.pallas_call(
        _prep_body,
        grid=(n // bn,),
        in_specs=[pl.BlockSpec((bn, d), lambda i: (i, 0)),
                  pl.BlockSpec((n, m), lambda i: (0, 0))],
        out_specs=[pl.BlockSpec((bn, d // 2), lambda i: (i, 0)),
                   pl.BlockSpec((m, n), lambda i: (0, 0))],
        out_shape=[jax.ShapeDtypeStruct((n, d // 2), jnp.int32),
                   jax.ShapeDtypeStruct((m, n), nbr2.dtype)],
    )(x, nbr2)


def _routing_call(z32v, x32v):
    m, n2, d = z32v.shape
    bh = 200
    return pl.pallas_call(
        _routing_body,
        grid=(n2 // bh,),
        in_specs=[
            pl.BlockSpec((m, bh, d), lambda i: (0, i, 0)),
            pl.BlockSpec((bh, d), lambda i: (i, 0)),
        ],
        out_specs=pl.BlockSpec((bh, 2 * d), lambda i: (i, 0)),
        out_shape=jax.ShapeDtypeStruct((n2, 2 * d), jnp.float32),
        compiler_params=pltpu.CompilerParams(
            vmem_limit_bytes=120 * 1024 * 1024),
    )(z32v, x32v)


def _gather_call(table, idx, chunk):
    e_total = idx.shape[0]
    per_w = e_total // _NW
    steps = per_w // chunk
    d = table.shape[1]
    mesh = plsc.VectorSubcoreMesh(core_axis_name="c", subcore_axis_name="s")

    @functools.partial(
        pl.kernel,
        out_type=jax.ShapeDtypeStruct((e_total, d), table.dtype),
        mesh=mesh,
        scratch_types=[
            pltpu.VMEM((chunk,), jnp.int32),
            pltpu.VMEM((chunk,), jnp.int32),
            pltpu.VMEM((chunk, d), table.dtype),
            pltpu.VMEM((chunk, d), table.dtype),
            pltpu.SemaphoreType.DMA,
            pltpu.SemaphoreType.DMA,
        ],
        compiler_params=pltpu.CompilerParams(use_tc_tiling_on_sc=False),
    )
    def gather_kernel(table_hbm, idx_hbm, out_hbm,
                      idx_v0, idx_v1, rows_v0, rows_v1, sem0, sem1):
        wid = lax.axis_index("s") * _NC + lax.axis_index("c")
        base = wid * per_w
        idx_b, rows_b, sem_b = (idx_v0, idx_v1), (rows_v0, rows_v1), (sem0, sem1)

        def start(i):
            b = i % 2
            pltpu.sync_copy(idx_hbm.at[pl.ds(base + i * chunk, chunk)],
                            idx_b[b])
            return pltpu.async_copy(table_hbm.at[idx_b[b]], rows_b[b], sem_b[b])

        pending = start(0)
        for i in range(steps):
            nxt = start(i + 1) if i + 1 < steps else None
            pending.wait()
            pltpu.sync_copy(rows_b[i % 2],
                            out_hbm.at[pl.ds(base + i * chunk, chunk)])
            pending = nxt

    return gather_kernel(table, idx)


def kernel(x, neighbors, max_iter, last_layer):
    del max_iter, last_layer
    n, d = x.shape
    m = neighbors.shape[0] // n
    table_body, nbr_t = _prep_call(x, neighbors.reshape(n, m))
    table = jnp.concatenate(
        [table_body, jnp.zeros((8, d // 2), dtype=jnp.int32)], axis=0)
    na = 1600
    x32 = table_body.reshape(n // 2, d)
    us = []
    for lo, hi, chunk in ((0, na, 800), (na, n, 840)):
        nbr_c = nbr_t[:, lo:hi].reshape(m * (hi - lo))
        z32 = _gather_call(table, nbr_c, chunk)
        z32v = z32.reshape(m, (hi - lo) // 2, d)
        us.append(_routing_call(z32v, x32[lo // 2: hi // 2]))
    return jnp.concatenate(us, axis=0).reshape(n, d)

# --- scband reference (transcript-rebuilt; emitter-appended) ---
"""Pipeline reference for scband-routing-layer-2173253452540 (READ-ONLY COPY).

The authoritative reference and input builder live on the scoring server;
editing this copy changes nothing except your own understanding.
"""

import jax, jax.numpy as jnp
import numpy as np


def _normalize(x, axis):
    nrm = jnp.linalg.norm(x, axis=axis, keepdims=True)
    return x / jnp.maximum(nrm, 1e-12)


def setup_inputs(seed: int = 0) -> dict:
    key = jax.random.key(seed)
    k1, k2 = jax.random.split(key)
    n, d, m = 10000, 128, 32
    x = jax.random.normal(k1, (n, d), dtype=jnp.float32)
    neighbors = jax.random.randint(k2, (n * m,), 0, n).astype(jnp.int32)
    return {"x": x, "neighbors": neighbors, "max_iter": 6, "last_layer": False}


def reference(x, neighbors, max_iter, last_layer):
    # Faithful JAX port of RoutingLayer.forward with last_layer == False
    n, d = x.shape
    m = neighbors.shape[0] // n
    k = 8
    delta_d = d // k
    # F.normalize over capsule sub-vectors
    x = _normalize(x.reshape(n, k, delta_d), 2).reshape(n, d)
    # append a zero row for padding index n (cache_zero_d)
    z_full = jnp.concatenate([x, jnp.zeros((1, d), dtype=x.dtype)], axis=0)
    z = jnp.take(z_full, neighbors, axis=0).reshape(n, m, k, delta_d)
    max_iter_static = 6
    u = None
    p = None
    for clus_iter in range(max_iter_static):
        if u is None:
            p = jnp.zeros((n, m, k), dtype=x.dtype)
        else:
            p = jnp.sum(z * u.reshape(n, 1, k, delta_d), axis=3)
        p = jax.nn.softmax(p, axis=2)
        u = jnp.sum(z * p.reshape(n, m, k, 1), axis=1)
        u = u + x.reshape(n, k, delta_d)
        if clus_iter < max_iter_static - 1:
            u = _normalize(u, 2)
    zero = (jnp.asarray(max_iter, dtype=x.dtype) * 0
            + jnp.asarray(last_layer, dtype=x.dtype) * 0)
    return u.reshape(n, d) + zero

if __name__ == "__main__":
    import jax
    _d = setup_inputs()
    print(jax.jit(kernel)(*tuple(_d.values())))

</pallas_src>

<mosaic_0001>
#map = affine_map<(d0, d1) -> (0, 0)>
#map1 = affine_map<(d0, d1) -> (0)>
module attributes {stable_mosaic.version = 14 : i64} {
  func.func @gather_kernel(%arg0: i32, %arg1: i32, %arg2: memref<10008x64xi32, #tpu.memory_space<hbm>>, %arg3: memref<51200xi32, #tpu.memory_space<hbm>>, %arg4: memref<51200x64xi32, #tpu.memory_space<hbm>>, %arg5: memref<800xi32, #tpu.memory_space<vmem>>, %arg6: memref<800xi32, #tpu.memory_space<vmem>>, %arg7: memref<800x64xi32, #tpu.memory_space<vmem>>, %arg8: memref<800x64xi32, #tpu.memory_space<vmem>>, %arg9: memref<!tpu.dma_semaphore, #tpu.memory_space<semaphore_mem>>, %arg10: memref<!tpu.dma_semaphore, #tpu.memory_space<semaphore_mem>>) attributes {dimension_semantics = [#tpu.dimension_semantics<core_parallel>, #tpu.dimension_semantics<subcore_parallel>], iteration_bounds = array<i64: 2, 16>, scalar_prefetch = 0 : i64, scratch_operands = 6 : i64, tpu.core_type = #tpu.core_type<sc_vector_subcore>, window_params = [{transform_indices = #map}, {transform_indices = #map1}, {transform_indices = #map}]} {
    %mul3A = arith.constant 2 : i32
    %mul3A_0 = arith.muli %arg1, %mul3A : i32
    %add3A = arith.addi %mul3A_0, %arg0 : i32
    %mul3A_1 = arith.constant 1600 : i32
    %mul3A_2 = arith.muli %add3A, %mul3A_1 : i32
    %add3A_3 = arith.constant 0 : i32
    %add3A_4 = arith.addi %mul3A_2, %add3A_3 : i32
    "tpu.region"() ({
      %run_scoped3A = tpu.sem_alloc : memref<!tpu.dma_semaphore, #tpu.memory_space<semaphore_mem>>
      %dma_start3A_21 = tpu.memref_slice %arg3[%add3A_4] : memref<51200xi32, #tpu.memory_space<hbm>> -> memref<800xi32, #tpu.memory_space<hbm>>
      %dma_start3A_22 = tpu.memref_slice %arg3[%add3A_4] : memref<51200xi32, #tpu.memory_space<hbm>> -> memref<800xi32, #tpu.memory_space<hbm>>
      tpu.enqueue_dma source(%dma_start3A_22 : memref<800xi32, #tpu.memory_space<hbm>>) target(%arg5 : memref<800xi32, #tpu.memory_space<vmem>>) target_semaphore(%run_scoped3A : memref<!tpu.dma_semaphore, #tpu.memory_space<semaphore_mem>>)
      %dma_wait3A_23 = tpu.memref_slice %arg3[%add3A_4] : memref<51200xi32, #tpu.memory_space<hbm>> -> memref<800xi32, #tpu.memory_space<hbm>>
      %dma_wait3A_24 = tpu.memref_slice %arg3[%add3A_4] : memref<51200xi32, #tpu.memory_space<hbm>> -> memref<800xi32, #tpu.memory_space<hbm>>
      tpu.wait_dma2 semaphore(%run_scoped3A : memref<!tpu.dma_semaphore, #tpu.memory_space<semaphore_mem>>) src(%dma_wait3A_24 : memref<800xi32, #tpu.memory_space<hbm>>) dst(%arg5 : memref<800xi32, #tpu.memory_space<vmem>>)
      tpu.yield
    }) : () -> ()
    %dma_start3A = arith.constant 0 : i32
    %dma_start3A_5 = arith.constant 0 : i32
    %dma_start3A_6 = tpu.memref_slice %arg2[%dma_start3A, %dma_start3A_5] : memref<10008x64xi32, #tpu.memory_space<hbm>> -> memref<10008x64xi32, #tpu.memory_space<hbm>>
    tpu.enqueue_indirect_dma source(%dma_start3A_6 : memref<10008x64xi32, #tpu.memory_space<hbm>>) target(%arg7 : memref<800x64xi32, #tpu.memory_space<vmem>>) offsets(%arg5 : memref<800xi32, #tpu.memory_space<vmem>>) semaphore(%arg9 : memref<!tpu.dma_semaphore, #tpu.memory_space<semaphore_mem>>)
    %add3A_7 = arith.constant 800 : i32
    %add3A_8 = arith.addi %mul3A_2, %add3A_7 : i32
    "tpu.region"() ({
      %run_scoped3A = tpu.sem_alloc : memref<!tpu.dma_semaphore, #tpu.memory_space<semaphore_mem>>
      %dma_start3A_21 = tpu.memref_slice %arg3[%add3A_8] : memref<51200xi32, #tpu.memory_space<hbm>> -> memref<800xi32, #tpu.memory_space<hbm>>
      %dma_start3A_22 = tpu.memref_slice %arg3[%add3A_8] : memref<51200xi32, #tpu.memory_space<hbm>> -> memref<800xi32, #tpu.memory_space<hbm>>
      tpu.enqueue_dma source(%dma_start3A_22 : memref<800xi32, #tpu.memory_space<hbm>>) target(%arg6 : memref<800xi32, #tpu.memory_space<vmem>>) target_semaphore(%run_scoped3A : memref<!tpu.dma_semaphore, #tpu.memory_space<semaphore_mem>>)
      %dma_wait3A_23 = tpu.memref_slice %arg3[%add3A_8] : memref<51200xi32, #tpu.memory_space<hbm>> -> memref<800xi32, #tpu.memory_space<hbm>>
      %dma_wait3A_24 = tpu.memref_slice %arg3[%add3A_8] : memref<51200xi32, #tpu.memory_space<hbm>> -> memref<800xi32, #tpu.memory_space<hbm>>
      tpu.wait_dma2 semaphore(%run_scoped3A : memref<!tpu.dma_semaphore, #tpu.memory_space<semaphore_mem>>) src(%dma_wait3A_24 : memref<800xi32, #tpu.memory_space<hbm>>) dst(%arg6 : memref<800xi32, #tpu.memory_space<vmem>>)
      tpu.yield
    }) : () -> ()
    %dma_start3A_9 = arith.constant 0 : i32
    %dma_start3A_10 = arith.constant 0 : i32
    %dma_start3A_11 = tpu.memref_slice %arg2[%dma_start3A_9, %dma_start3A_10] : memref<10008x64xi32, #tpu.memory_space<hbm>> -> memref<10008x64xi32, #tpu.memory_space<hbm>>
    tpu.enqueue_indirect_dma source(%dma_start3A_11 : memref<10008x64xi32, #tpu.memory_space<hbm>>) target(%arg8 : memref<800x64xi32, #tpu.memory_space<vmem>>) offsets(%arg6 : memref<800xi32, #tpu.memory_space<vmem>>) semaphore(%arg10 : memref<!tpu.dma_semaphore, #tpu.memory_space<semaphore_mem>>)
    %dma_wait3A = arith.constant 0 : i32
    %dma_wait3A_12 = arith.constant 0 : i32
    %dma_wait3A_13 = tpu.memref_slice %arg2[%dma_wait3A, %dma_wait3A_12] : memref<10008x64xi32, #tpu.memory_space<hbm>> -> memref<10008x64xi32, #tpu.memory_space<hbm>>
    tpu.wait_indirect_dma semaphore(%arg9 : memref<!tpu.dma_semaphore, #tpu.memory_space<semaphore_mem>>) src(%dma_wait3A_13 : memref<10008x64xi32, #tpu.memory_space<hbm>>) dst(%arg7 : memref<800x64xi32, #tpu.memory_space<vmem>>)
    %add3A_14 = arith.constant 0 : i32
    %add3A_15 = arith.addi %mul3A_2, %add3A_14 : i32
    "tpu.region"() ({
      %run_scoped3A = tpu.sem_alloc : memref<!tpu.dma_semaphore, #tpu.memory_space<semaphore_mem>>
      %dma_start3A_21 = arith.constant 0 : i32
      %dma_start3A_22 = tpu.memref_slice %arg4[%add3A_15, %dma_start3A_21] : memref<51200x64xi32, #tpu.memory_space<hbm>> -> memref<800x64xi32, #tpu.memory_space<hbm>>
      %dma_start3A_23 = arith.constant 0 : i32
      %dma_start3A_24 = tpu.memref_slice %arg4[%add3A_15, %dma_start3A_23] : memref<51200x64xi32, #tpu.memory_space<hbm>> -> memref<800x64xi32, #tpu.memory_space<hbm>>
      tpu.enqueue_dma source(%arg7 : memref<800x64xi32, #tpu.memory_space<vmem>>) target(%dma_start3A_24 : memref<800x64xi32, #tpu.memory_space<hbm>>) target_semaphore(%run_scoped3A : memref<!tpu.dma_semaphore, #tpu.memory_space<semaphore_mem>>)
      %dma_wait3A_25 = arith.constant 0 : i32
      %dma_wait3A_26 = tpu.memref_slice %arg4[%add3A_15, %dma_wait3A_25] : memref<51200x64xi32, #tpu.memory_space<hbm>> -> memref<800x64xi32, #tpu.memory_space<hbm>>
      %dma_wait3A_27 = arith.constant 0 : i32
      %dma_wait3A_28 = tpu.memref_slice %arg4[%add3A_15, %dma_wait3A_27] : memref<51200x64xi32, #tpu.memory_space<hbm>> -> memref<800x64xi32, #tpu.memory_space<hbm>>
      tpu.wait_dma2 semaphore(%run_scoped3A : memref<!tpu.dma_semaphore, #tpu.memory_space<semaphore_mem>>) src(%arg7 : memref<800x64xi32, #tpu.memory_space<vmem>>) dst(%dma_wait3A_28 : memref<800x64xi32, #tpu.memory_space<hbm>>)
      tpu.yield
    }) : () -> ()
    %dma_wait3A_16 = arith.constant 0 : i32
    %dma_wait3A_17 = arith.constant 0 : i32
    %dma_wait3A_18 = tpu.memref_slice %arg2[%dma_wait3A_16, %dma_wait3A_17] : memref<10008x64xi32, #tpu.memory_space<hbm>> -> memref<10008x64xi32, #tpu.memory_space<hbm>>
    tpu.wait_indirect_dma semaphore(%arg10 : memref<!tpu.dma_semaphore, #tpu.memory_space<semaphore_mem>>) src(%dma_wait3A_18 : memref<10008x64xi32, #tpu.memory_space<hbm>>) dst(%arg8 : memref<800x64xi32, #tpu.memory_space<vmem>>)
    %add3A_19 = arith.constant 800 : i32
    %add3A_20 = arith.addi %mul3A_2, %add3A_19 : i32
    "tpu.region"() ({
      %run_scoped3A = tpu.sem_alloc : memref<!tpu.dma_semaphore, #tpu.memory_space<semaphore_mem>>
      %dma_start3A_21 = arith.constant 0 : i32
      %dma_start3A_22 = tpu.memref_slice %arg4[%add3A_20, %dma_start3A_21] : memref<51200x64xi32, #tpu.memory_space<hbm>> -> memref<800x64xi32, #tpu.memory_space<hbm>>
      %dma_start3A_23 = arith.constant 0 : i32
      %dma_start3A_24 = tpu.memref_slice %arg4[%add3A_20, %dma_start3A_23] : memref<51200x64xi32, #tpu.memory_space<hbm>> -> memref<800x64xi32, #tpu.memory_space<hbm>>
      tpu.enqueue_dma source(%arg8 : memref<800x64xi32, #tpu.memory_space<vmem>>) target(%dma_start3A_24 : memref<800x64xi32, #tpu.memory_space<hbm>>) target_semaphore(%run_scoped3A : memref<!tpu.dma_semaphore, #tpu.memory_space<semaphore_mem>>)
      %dma_wait3A_25 = arith.constant 0 : i32
      %dma_wait3A_26 = tpu.memref_slice %arg4[%add3A_20, %dma_wait3A_25] : memref<51200x64xi32, #tpu.memory_space<hbm>> -> memref<800x64xi32, #tpu.memory_space<hbm>>
      %dma_wait3A_27 = arith.constant 0 : i32
      %dma_wait3A_28 = tpu.memref_slice %arg4[%add3A_20, %dma_wait3A_27] : memref<51200x64xi32, #tpu.memory_space<hbm>> -> memref<800x64xi32, #tpu.memory_space<hbm>>
      tpu.wait_dma2 semaphore(%run_scoped3A : memref<!tpu.dma_semaphore, #tpu.memory_space<semaphore_mem>>) src(%arg8 : memref<800x64xi32, #tpu.memory_space<vmem>>) dst(%dma_wait3A_28 : memref<800x64xi32, #tpu.memory_space<hbm>>)
      tpu.yield
    }) : () -> ()
    return
  }
}

#map = affine_map<(d0, d1) -> (0, 0)>
#map1 = affine_map<(d0, d1) -> (0)>
module attributes {stable_mosaic.version = 14 : i64} {
  func.func @gather_kernel(%arg0: i32, %arg1: i32, %arg2: memref<10008x64xi32, #tpu.memory_space<hbm>>, %arg3: memref<268800xi32, #tpu.memory_space<hbm>>, %arg4: memref<268800x64xi32, #tpu.memory_space<hbm>>, %arg5: memref<840xi32, #tpu.memory_space<vmem>>, %arg6: memref<840xi32, #tpu.memory_space<vmem>>, %arg7: memref<840x64xi32, #tpu.memory_space<vmem>>, %arg8: memref<840x64xi32, #tpu.memory_space<vmem>>, %arg9: memref<!tpu.dma_semaphore, #tpu.memory_space<semaphore_mem>>, %arg10: memref<!tpu.dma_semaphore, #tpu.memory_space<semaphore_mem>>) attributes {dimension_semantics = [#tpu.dimension_semantics<core_parallel>, #tpu.dimension_semantics<subcore_parallel>], iteration_bounds = array<i64: 2, 16>, scalar_prefetch = 0 : i64, scratch_operands = 6 : i64, tpu.core_type = #tpu.core_type<sc_vector_subcore>, window_params = [{transform_indices = #map}, {transform_indices = #map1}, {transform_indices = #map}]} {
    %mul3A = arith.constant 2 : i32
    %mul3A_0 = arith.muli %arg1, %mul3A : i32
    %add3A = arith.addi %mul3A_0, %arg0 : i32
    %mul3A_1 = arith.constant 8400 : i32
    %mul3A_2 = arith.muli %add3A, %mul3A_1 : i32
    %add3A_3 = arith.constant 0 : i32
    %add3A_4 = arith.addi %mul3A_2, %add3A_3 : i32
    "tpu.region"() ({
      %run_scoped3A = tpu.sem_alloc : memref<!tpu.dma_semaphore, #tpu.memory_space<semaphore_mem>>
      %dma_start3A_101 = tpu.memref_slice %arg3[%add3A_4] : memref<268800xi32, #tpu.memory_space<hbm>> -> memref<840xi32, #tpu.memory_space<hbm>>
      %dma_start3A_102 = tpu.memref_slice %arg3[%add3A_4] : memref<268800xi32, #tpu.memory_space<hbm>> -> memref<840xi32, #tpu.memory_space<hbm>>
      tpu.enqueue_dma source(%dma_start3A_102 : memref<840xi32, #tpu.memory_space<hbm>>) target(%arg5 : memref<840xi32, #tpu.memory_space<vmem>>) target_semaphore(%run_scoped3A : memref<!tpu.dma_semaphore, #tpu.memory_space<semaphore_mem>>)
      %dma_wait3A_103 = tpu.memref_slice %arg3[%add3A_4] : memref<268800xi32, #tpu.memory_space<hbm>> -> memref<840xi32, #tpu.memory_space<hbm>>
      %dma_wait3A_104 = tpu.memref_slice %arg3[%add3A_4] : memref<268800xi32, #tpu.memory_space<hbm>> -> memref<840xi32, #tpu.memory_space<hbm>>
      tpu.wait_dma2 semaphore(%run_scoped3A : memref<!tpu.dma_semaphore, #tpu.memory_space<semaphore_mem>>) src(%dma_wait3A_104 : memref<840xi32, #tpu.memory_space<hbm>>) dst(%arg5 : memref<840xi32, #tpu.memory_space<vmem>>)
      tpu.yield
    }) : () -> ()
    %dma_start3A = arith.constant 0 : i32
    %dma_start3A_5 = arith.constant 0 : i32
    %dma_start3A_6 = tpu.memref_slice %arg2[%dma_start3A, %dma_start3A_5] : memref<10008x64xi32, #tpu.memory_space<hbm>> -> memref<10008x64xi32, #tpu.memory_space<hbm>>
    tpu.enqueue_indirect_dma source(%dma_start3A_6 : memref<10008x64xi32, #tpu.memory_space<hbm>>) target(%arg7 : memref<840x64xi32, #tpu.memory_space<vmem>>) offsets(%arg5 : memref<840xi32, #tpu.memory_space<vmem>>) semaphore(%arg9 : memref<!tpu.dma_semaphore, #tpu.memory_space<semaphore_mem>>)
    %add3A_7 = arith.constant 840 : i32
    %add3A_8 = arith.addi %mul3A_2, %add3A_7 : i32
    "tpu.region"() ({
      %run_scoped3A = tpu.sem_alloc : memref<!tpu.dma_semaphore, #tpu.memory_space<semaphore_mem>>
      %dma_start3A_101 = tpu.memref_slice %arg3[%add3A_8] : memref<268800xi32, #tpu.memory_space<hbm>> -> memref<840xi32, #tpu.memory_space<hbm>>
      %dma_start3A_102 = tpu.memref_slice %arg3[%add3A_8] : memref<268800xi32, #tpu.memory_space<hbm>> -> memref<840xi32, #tpu.memory_space<hbm>>
      tpu.enqueue_dma source(%dma_start3A_102 : memref<840xi32, #tpu.memory_space<hbm>>) target(%arg6 : memref<840xi32, #tpu.memory_space<vmem>>) target_semaphore(%run_scoped3A : memref<!tpu.dma_semaphore, #tpu.memory_space<semaphore_mem>>)
      %dma_wait3A_103 = tpu.memref_slice %arg3[%add3A_8] : memref<268800xi32, #tpu.memory_space<hbm>> -> memref<840xi32, #tpu.memory_space<hbm>>
      %dma_wait3A_104 = tpu.memref_slice %arg3[%add3A_8] : memref<268800xi32, #tpu.memory_space<hbm>> -> memref<840xi32, #tpu.memory_space<hbm>>
      tpu.wait_dma2 semaphore(%run_scoped3A : memref<!tpu.dma_semaphore, #tpu.memory_space<semaphore_mem>>) src(%dma_wait3A_104 : memref<840xi32, #tpu.memory_space<hbm>>) dst(%arg6 : memref<840xi32, #tpu.memory_space<vmem>>)
      tpu.yield
    }) : () -> ()
    %dma_start3A_9 = arith.constant 0 : i32
    %dma_start3A_10 = arith.constant 0 : i32
    %dma_start3A_11 = tpu.memref_slice %arg2[%dma_start3A_9, %dma_start3A_10] : memref<10008x64xi32, #tpu.memory_space<hbm>> -> memref<10008x64xi32, #tpu.memory_space<hbm>>
    tpu.enqueue_indirect_dma source(%dma_start3A_11 : memref<10008x64xi32, #tpu.memory_space<hbm>>) target(%arg8 : memref<840x64xi32, #tpu.memory_space<vmem>>) offsets(%arg6 : memref<840xi32, #tpu.memory_space<vmem>>) semaphore(%arg10 : memref<!tpu.dma_semaphore, #tpu.memory_space<semaphore_mem>>)
    %dma_wait3A = arith.constant 0 : i32
    %dma_wait3A_12 = arith.constant 0 : i32
    %dma_wait3A_13 = tpu.memref_slice %arg2[%dma_wait3A, %dma_wait3A_12] : memref<10008x64xi32, #tpu.memory_space<hbm>> -> memref<10008x64xi32, #tpu.memory_space<hbm>>
    tpu.wait_indirect_dma semaphore(%arg9 : memref<!tpu.dma_semaphore, #tpu.memory_space<semaphore_mem>>) src(%dma_wait3A_13 : memref<10008x64xi32, #tpu.memory_space<hbm>>) dst(%arg7 : memref<840x64xi32, #tpu.memory_space<vmem>>)
    %add3A_14 = arith.constant 0 : i32
    %add3A_15 = arith.addi %mul3A_2, %add3A_14 : i32
    "tpu.region"() ({
      %run_scoped3A = tpu.sem_alloc : memref<!tpu.dma_semaphore, #tpu.memory_space<semaphore_mem>>
      %dma_start3A_101 = arith.constant 0 : i32
      %dma_start3A_102 = tpu.memref_slice %arg4[%add3A_15, %dma_start3A_101] : memref<268800x64xi32, #tpu.memory_space<hbm>> -> memref<840x64xi32, #tpu.memory_space<hbm>>
      %dma_start3A_103 = arith.constant 0 : i32
      %dma_start3A_104 = tpu.memref_slice %arg4[%add3A_15, %dma_start3A_103] : memref<268800x64xi32, #tpu.memory_space<hbm>> -> memref<840x64xi32, #tpu.memory_space<hbm>>
      tpu.enqueue_dma source(%arg7 : memref<840x64xi32, #tpu.memory_space<vmem>>) target(%dma_start3A_104 : memref<840x64xi32, #tpu.memory_space<hbm>>) target_semaphore(%run_scoped3A : memref<!tpu.dma_semaphore, #tpu.memory_space<semaphore_mem>>)
      %dma_wait3A_105 = arith.constant 0 : i32
      %dma_wait3A_106 = tpu.memref_slice %arg4[%add3A_15, %dma_wait3A_105] : memref<268800x64xi32, #tpu.memory_space<hbm>> -> memref<840x64xi32, #tpu.memory_space<hbm>>
      %dma_wait3A_107 = arith.constant 0 : i32
      %dma_wait3A_108 = tpu.memref_slice %arg4[%add3A_15, %dma_wait3A_107] : memref<268800x64xi32, #tpu.memory_space<hbm>> -> memref<840x64xi32, #tpu.memory_space<hbm>>
      tpu.wait_dma2 semaphore(%run_scoped3A : memref<!tpu.dma_semaphore, #tpu.memory_space<semaphore_mem>>) src(%arg7 : memref<840x64xi32, #tpu.memory_space<vmem>>) dst(%dma_wait3A_108 : memref<840x64xi32, #tpu.memory_space<hbm>>)
      tpu.yield
    }) : () -> ()
    %add3A_16 = arith.constant 1680 : i32
    %add3A_17 = arith.addi %mul3A_2, %add3A_16 : i32
    "tpu.region"() ({
      %run_scoped3A = tpu.sem_alloc : memref<!tpu.dma_semaphore, #tpu.memory_space<semaphore_mem>>
      %dma_start3A_101 = tpu.memref_slice %arg3[%add3A_17] : memref<268800xi32, #tpu.memory_space<hbm>> -> memref<840xi32, #tpu.memory_space<hbm>>
      %dma_start3A_102 = tpu.memref_slice %arg3[%add3A_17] : memref<268800xi32, #tpu.memory_space<hbm>> -> memref<840xi32, #tpu.memory_space<hbm>>
      tpu.enqueue_dma source(%dma_start3A_102 : memref<840xi32, #tpu.memory_space<hbm>>) target(%arg5 : memref<840xi32, #tpu.memory_space<vmem>>) target_semaphore(%run_scoped3A : memref<!tpu.dma_semaphore, #tpu.memory_space<semaphore_mem>>)
      %dma_wait3A_103 = tpu.memref_slice %arg3[%add3A_17] : memref<268800xi32, #tpu.memory_space<hbm>> -> memref<840xi32, #tpu.memory_space<hbm>>
      %dma_wait3A_104 = tpu.memref_slice %arg3[%add3A_17] : memref<268800xi32, #tpu.memory_space<hbm>> -> memref<840xi32, #tpu.memory_space<hbm>>
      tpu.wait_dma2 semaphore(%run_scoped3A : memref<!tpu.dma_semaphore, #tpu.memory_space<semaphore_mem>>) src(%dma_wait3A_104 : memref<840xi32, #tpu.memory_space<hbm>>) dst(%arg5 : memref<840xi32, #tpu.memory_space<vmem>>)
      tpu.yield
    }) : () -> ()
    %dma_start3A_18 = arith.constant 0 : i32
    %dma_start3A_19 = arith.constant 0 : i32
    %dma_start3A_20 = tpu.memref_slice %arg2[%dma_start3A_18, %dma_start3A_19] : memref<10008x64xi32, #tpu.memory_space<hbm>> -> memref<10008x64xi32, #tpu.memory_space<hbm>>
    tpu.enqueue_indirect_dma source(%dma_start3A_20 : memref<10008x64xi32, #tpu.memory_space<hbm>>) target(%arg7 : memref<840x64xi32, #tpu.memory_space<vmem>>) offsets(%arg5 : memref<840xi32, #tpu.memory_space<vmem>>) semaphore(%arg9 : memref<!tpu.dma_semaphore, #tpu.memory_space<semaphore_mem>>)
    %dma_wait3A_21 = arith.constant 0 : i32
    %dma_wait3A_22 = arith.constant 0 : i32
    %dma_wait3A_23 = tpu.memref_slice %arg2[%dma_wait3A_21, %dma_wait3A_22] : memref<10008x64xi32, #tpu.memory_space<hbm>> -> memref<10008x64xi32, #tpu.memory_space<hbm>>
    tpu.wait_indirect_dma semaphore(%arg10 : memref<!tpu.dma_semaphore, #tpu.memory_space<semaphore_mem>>) src(%dma_wait3A_23 : memref<10008x64xi32, #tpu.memory_space<hbm>>) dst(%arg8 : memref<840x64xi32, #tpu.memory_space<vmem>>)
    %add3A_24 = arith.constant 840 : i32
    %add3A_25 = arith.addi %mul3A_2, %add3A_24 : i32
    "tpu.region"() ({
      %run_scoped3A = tpu.sem_alloc : memref<!tpu.dma_semaphore, #tpu.memory_space<semaphore_mem>>
      %dma_start3A_101 = arith.constant 0 : i32
      %dma_start3A_102 = tpu.memref_slice %arg4[%add3A_25, %dma_start3A_101] : memref<268800x64xi32, #tpu.memory_space<hbm>> -> memref<840x64xi32, #tpu.memory_space<hbm>>
      %dma_start3A_103 = arith.constant 0 : i32
      %dma_start3A_104 = tpu.memref_slice %arg4[%add3A_25, %dma_start3A_103] : memref<268800x64xi32, #tpu.memory_space<hbm>> -> memref<840x64xi32, #tpu.memory_space<hbm>>
      tpu.enqueue_dma source(%arg8 : memref<840x64xi32, #tpu.memory_space<vmem>>) target(%dma_start3A_104 : memref<840x64xi32, #tpu.memory_space<hbm>>) target_semaphore(%run_scoped3A : memref<!tpu.dma_semaphore, #tpu.memory_space<semaphore_mem>>)
      %dma_wait3A_105 = arith.constant 0 : i32
      %dma_wait3A_106 = tpu.memref_slice %arg4[%add3A_25, %dma_wait3A_105] : memref<268800x64xi32, #tpu.memory_space<hbm>> -> memref<840x64xi32, #tpu.memory_space<hbm>>
      %dma_wait3A_107 = arith.constant 0 : i32
      %dma_wait3A_108 = tpu.memref_slice %arg4[%add3A_25, %dma_wait3A_107] : memref<268800x64xi32, #tpu.memory_space<hbm>> -> memref<840x64xi32, #tpu.memory_space<hbm>>
      tpu.wait_dma2 semaphore(%run_scoped3A : memref<!tpu.dma_semaphore, #tpu.memory_space<semaphore_mem>>) src(%arg8 : memref<840x64xi32, #tpu.memory_space<vmem>>) dst(%dma_wait3A_108 : memref<840x64xi32, #tpu.memory_space<hbm>>)
      tpu.yield
    }) : () -> ()
    %add3A_26 = arith.constant 2520 : i32
    %add3A_27 = arith.addi %mul3A_2, %add3A_26 : i32
    "tpu.region"() ({
      %run_scoped3A = tpu.sem_alloc : memref<!tpu.dma_semaphore, #tpu.memory_space<semaphore_mem>>
      %dma_start3A_101 = tpu.memref_slice %arg3[%add3A_27] : memref<268800xi32, #tpu.memory_space<hbm>> -> memref<840xi32, #tpu.memory_space<hbm>>
      %dma_start3A_102 = tpu.memref_slice %arg3[%add3A_27] : memref<268800xi32, #tpu.memory_space<hbm>> -> memref<840xi32, #tpu.memory_space<hbm>>
      tpu.enqueue_dma source(%dma_start3A_102 : memref<840xi32, #tpu.memory_space<hbm>>) target(%arg6 : memref<840xi32, #tpu.memory_space<vmem>>) target_semaphore(%run_scoped3A : memref<!tpu.dma_semaphore, #tpu.memory_space<semaphore_mem>>)
      %dma_wait3A_103 = tpu.memref_slice %arg3[%add3A_27] : memref<268800xi32, #tpu.memory_space<hbm>> -> memref<840xi32, #tpu.memory_space<hbm>>
      %dma_wait3A_104 = tpu.memref_slice %arg3[%add3A_27] : memref<268800xi32, #tpu.memory_space<hbm>> -> memref<840xi32, #tpu.memory_space<hbm>>
      tpu.wait_dma2 semaphore(%run_scoped3A : memref<!tpu.dma_semaphore, #tpu.memory_space<semaphore_mem>>) src(%dma_wait3A_104 : memref<840xi32, #tpu.memory_space<hbm>>) dst(%arg6 : memref<840xi32, #tpu.memory_space<vmem>>)
      tpu.yield
    }) : () -> ()
    %dma_start3A_28 = arith.constant 0 : i32
    %dma_start3A_29 = arith.constant 0 : i32
    %dma_start3A_30 = tpu.memref_slice %arg2[%dma_start3A_28, %dma_start3A_29] : memref<10008x64xi32, #tpu.memory_space<hbm>> -> memref<10008x64xi32, #tpu.memory_space<hbm>>
    tpu.enqueue_indirect_dma source(%dma_start3A_30 : memref<10008x64xi32, #tpu.memory_space<hbm>>) target(%arg8 : memref<840x64xi32, #tpu.memory_space<vmem>>) offsets(%arg6 : memref<840xi32, #tpu.memory_space<vmem>>) semaphore(%arg10 : memref<!tpu.dma_semaphore, #tpu.memory_space<semaphore_mem>>)
    %dma_wait3A_31 = arith.constant 0 : i32
    %dma_wait3A_32 = arith.constant 0 : i32
    %dma_wait3A_33 = tpu.memref_slice %arg2[%dma_wait3A_31, %dma_wait3A_32] : memref<10008x64xi32, #tpu.memory_space<hbm>> -> memref<10008x64xi32, #tpu.memory_space<hbm>>
    tpu.wait_indirect_dma semaphore(%arg9 : memref<!tpu.dma_semaphore, #tpu.memory_space<semaphore_mem>>) src(%dma_wait3A_33 : memref<10008x64xi32, #tpu.memory_space<hbm>>) dst(%arg7 : memref<840x64xi32, #tpu.memory_space<vmem>>)
    %add3A_34 = arith.constant 1680 : i32
    %add3A_35 = arith.addi %mul3A_2, %add3A_34 : i32
    "tpu.region"() ({
      %run_scoped3A = tpu.sem_alloc : memref<!tpu.dma_semaphore, #tpu.memory_space<semaphore_mem>>
      %dma_start3A_101 = arith.constant 0 : i32
      %dma_start3A_102 = tpu.memref_slice %arg4[%add3A_35, %dma_start3A_101] : memref<268800x64xi32, #tpu.memory_space<hbm>> -> memref<840x64xi32, #tpu.memory_space<hbm>>
      %dma_start3A_103 = arith.constant 0 : i32
      %dma_start3A_104 = tpu.memref_slice %arg4[%add3A_35, %dma_start3A_103] : memref<268800x64xi32, #tpu.memory_space<hbm>> -> memref<840x64xi32, #tpu.memory_space<hbm>>
      tpu.enqueue_dma source(%arg7 : memref<840x64xi32, #tpu.memory_space<vmem>>) target(%dma_start3A_104 : memref<840x64xi32, #tpu.memory_space<hbm>>) target_semaphore(%run_scoped3A : memref<!tpu.dma_semaphore, #tpu.memory_space<semaphore_mem>>)
      %dma_wait3A_105 = arith.constant 0 : i32
      %dma_wait3A_106 = tpu.memref_slice %arg4[%add3A_35, %dma_wait3A_105] : memref<268800x64xi32, #tpu.memory_space<hbm>> -> memref<840x64xi32, #tpu.memory_space<hbm>>
      %dma_wait3A_107 = arith.constant 0 : i32
      %dma_wait3A_108 = tpu.memref_slice %arg4[%add3A_35, %dma_wait3A_107] : memref<268800x64xi32, #tpu.memory_space<hbm>> -> memref<840x64xi32, #tpu.memory_space<hbm>>
      tpu.wait_dma2 semaphore(%run_scoped3A : memref<!tpu.dma_semaphore, #tpu.memory_space<semaphore_mem>>) src(%arg7 : memref<840x64xi32, #tpu.memory_space<vmem>>) dst(%dma_wait3A_108 : memref<840x64xi32, #tpu.memory_space<hbm>>)
      tpu.yield
    }) : () -> ()
    %add3A_36 = arith.constant 3360 : i32
    %add3A_37 = arith.addi %mul3A_2, %add3A_36 : i32
    "tpu.region"() ({
      %run_scoped3A = tpu.sem_alloc : memref<!tpu.dma_semaphore, #tpu.memory_space<semaphore_mem>>
      %dma_start3A_101 = tpu.memref_slice %arg3[%add3A_37] : memref<268800xi32, #tpu.memory_space<hbm>> -> memref<840xi32, #tpu.memory_space<hbm>>
      %dma_start3A_102 = tpu.memref_slice %arg3[%add3A_37] : memref<268800xi32, #tpu.memory_space<hbm>> -> memref<840xi32, #tpu.memory_space<hbm>>
      tpu.enqueue_dma source(%dma_start3A_102 : memref<840xi32, #tpu.memory_space<hbm>>) target(%arg5 : memref<840xi32, #tpu.memory_space<vmem>>) target_semaphore(%run_scoped3A : memref<!tpu.dma_semaphore, #tpu.memory_space<semaphore_mem>>)
      %dma_wait3A_103 = tpu.memref_slice %arg3[%add3A_37] : memref<268800xi32, #tpu.memory_space<hbm>> -> memref<840xi32, #tpu.memory_space<hbm>>
      %dma_wait3A_104 = tpu.memref_slice %arg3[%add3A_37] : memref<268800xi32, #tpu.memory_space<hbm>> -> memref<840xi32, #tpu.memory_space<hbm>>
      tpu.wait_dma2 semaphore(%run_scoped3A : memref<!tpu.dma_semaphore, #tpu.memory_space<semaphore_mem>>) src(%dma_wait3A_104 : memref<840xi32, #tpu.memory_space<hbm>>) dst(%arg5 : memref<840xi32, #tpu.memory_space<vmem>>)
      tpu.yield
    }) : () -> ()
    %dma_start3A_38 = arith.constant 0 : i32
    %dma_start3A_39 = arith.constant 0 : i32
    %dma_start3A_40 = tpu.memref_slice %arg2[%dma_start3A_38, %dma_start3A_39] : memref<10008x64xi32, #tpu.memory_space<hbm>> -> memref<10008x64xi32, #tpu.memory_space<hbm>>
    tpu.enqueue_indirect_dma source(%dma_start3A_40 : memref<10008x64xi32, #tpu.memory_space<hbm>>) target(%arg7 : memref<840x64xi32, #tpu.memory_space<vmem>>) offsets(%arg5 : memref<840xi32, #tpu.memory_space<vmem>>) semaphore(%arg9 : memref<!tpu.dma_semaphore, #tpu.memory_space<semaphore_mem>>)
    %dma_wait3A_41 = arith.constant 0 : i32
    %dma_wait3A_42 = arith.constant 0 : i32
    %dma_wait3A_43 = tpu.memref_slice %arg2[%dma_wait3A_41, %dma_wait3A_42] : memref<10008x64xi32, #tpu.memory_space<hbm>> -> memref<10008x64xi32, #tpu.memory_space<hbm>>
    tpu.wait_indirect_dma semaphore(%arg10 : memref<!tpu.dma_semaphore, #tpu.memory_space<semaphore_mem>>) src(%dma_wait3A_43 : memref<10008x64xi32, #tpu.memory_space<hbm>>) dst(%arg8 : memref<840x64xi32, #tpu.memory_space<vmem>>)
    %add3A_44 = arith.constant 2520 : i32
    %add3A_45 = arith.addi %mul3A_2, %add3A_44 : i32
    "tpu.region"() ({
      %run_scoped3A = tpu.sem_alloc : memref<!tpu.dma_semaphore, #tpu.memory_space<semaphore_mem>>
      %dma_start3A_101 = arith.constant 0 : i32
      %dma_start3A_102 = tpu.memref_slice %arg4[%add3A_45, %dma_start3A_101] : memref<268800x64xi32, #tpu.memory_space<hbm>> -> memref<840x64xi32, #tpu.memory_space<hbm>>
      %dma_start3A_103 = arith.constant 0 : i32
      %dma_start3A_104 = tpu.memref_slice %arg4[%add3A_45, %dma_start3A_103] : memref<268800x64xi32, #tpu.memory_space<hbm>> -> memref<840x64xi32, #tpu.memory_space<hbm>>
      tpu.enqueue_dma source(%arg8 : memref<840x64xi32, #tpu.memory_space<vmem>>) target(%dma_start3A_104 : memref<840x64xi32, #tpu.memory_space<hbm>>) target_semaphore(%run_scoped3A : memref<!tpu.dma_semaphore, #tpu.memory_space<semaphore_mem>>)
      %dma_wait3A_105 = arith.constant 0 : i32
      %dma_wait3A_106 = tpu.memref_slice %arg4[%add3A_45, %dma_wait3A_105] : memref<268800x64xi32, #tpu.memory_space<hbm>> -> memref<840x64xi32, #tpu.memory_space<hbm>>
      %dma_wait3A_107 = arith.constant 0 : i32
      %dma_wait3A_108 = tpu.memref_slice %arg4[%add3A_45, %dma_wait3A_107] : memref<268800x64xi32, #tpu.memory_space<hbm>> -> memref<840x64xi32, #tpu.memory_space<hbm>>
      tpu.wait_dma2 semaphore(%run_scoped3A : memref<!tpu.dma_semaphore, #tpu.memory_space<semaphore_mem>>) src(%arg8 : memref<840x64xi32, #tpu.memory_space<vmem>>) dst(%dma_wait3A_108 : memref<840x64xi32, #tpu.memory_space<hbm>>)
      tpu.yield
    }) : () -> ()
    %add3A_46 = arith.constant 4200 : i32
    %add3A_47 = arith.addi %mul3A_2, %add3A_46 : i32
    "tpu.region"() ({
      %run_scoped3A = tpu.sem_alloc : memref<!tpu.dma_semaphore, #tpu.memory_space<semaphore_mem>>
      %dma_start3A_101 = tpu.memref_slice %arg3[%add3A_47] : memref<268800xi32, #tpu.memory_space<hbm>> -> memref<840xi32, #tpu.memory_space<hbm>>
      %dma_start3A_102 = tpu.memref_slice %arg3[%add3A_47] : memref<268800xi32, #tpu.memory_space<hbm>> -> memref<840xi32, #tpu.memory_space<hbm>>
      tpu.enqueue_dma source(%dma_start3A_102 : memref<840xi32, #tpu.memory_space<hbm>>) target(%arg6 : memref<840xi32, #tpu.memory_space<vmem>>) target_semaphore(%run_scoped3A : memref<!tpu.dma_semaphore, #tpu.memory_space<semaphore_mem>>)
      %dma_wait3A_103 = tpu.memref_slice %arg3[%add3A_47] : memref<268800xi32, #tpu.memory_space<hbm>> -> memref<840xi32, #tpu.memory_space<hbm>>
      %dma_wait3A_104 = tpu.memref_slice %arg3[%add3A_47] : memref<268800xi32, #tpu.memory_space<hbm>> -> memref<840xi32, #tpu.memory_space<hbm>>
      tpu.wait_dma2 semaphore(%run_scoped3A : memref<!tpu.dma_semaphore, #tpu.memory_space<semaphore_mem>>) src(%dma_wait3A_104 : memref<840xi32, #tpu.memory_space<hbm>>) dst(%arg6 : memref<840xi32, #tpu.memory_space<vmem>>)
      tpu.yield
    }) : () -> ()
    %dma_start3A_48 = arith.constant 0 : i32
    %dma_start3A_49 = arith.constant 0 : i32
    %dma_start3A_50 = tpu.memref_slice %arg2[%dma_start3A_48, %dma_start3A_49] : memref<10008x64xi32, #tpu.memory_space<hbm>> -> memref<10008x64xi32, #tpu.memory_space<hbm>>
    tpu.enqueue_indirect_dma source(%dma_start3A_50 : memref<10008x64xi32, #tpu.memory_space<hbm>>) target(%arg8 : memref<840x64xi32, #tpu.memory_space<vmem>>) offsets(%arg6 : memref<840xi32, #tpu.memory_space<vmem>>) semaphore(%arg10 : memref<!tpu.dma_semaphore, #tpu.memory_space<semaphore_mem>>)
    %dma_wait3A_51 = arith.constant 0 : i32
    %dma_wait3A_52 = arith.constant 0 : i32
    %dma_wait3A_53 = tpu.memref_slice %arg2[%dma_wait3A_51, %dma_wait3A_52] : memref<10008x64xi32, #tpu.memory_space<hbm>> -> memref<10008x64xi32, #tpu.memory_space<hbm>>
    tpu.wait_indirect_dma semaphore(%arg9 : memref<!tpu.dma_semaphore, #tpu.memory_space<semaphore_mem>>) src(%dma_wait3A_53 : memref<10008x64xi32, #tpu.memory_space<hbm>>) dst(%arg7 : memref<840x64xi32, #tpu.memory_space<vmem>>)
    %add3A_54 = arith.constant 3360 : i32
    %add3A_55 = arith.addi %mul3A_2, %add3A_54 : i32
    "tpu.region"() ({
      %run_scoped3A = tpu.sem_alloc : memref<!tpu.dma_semaphore, #tpu.memory_space<semaphore_mem>>
      %dma_start3A_101 = arith.constant 0 : i32
      %dma_start3A_102 = tpu.memref_slice %arg4[%add3A_55, %dma_start3A_101] : memref<268800x64xi32, #tpu.memory_space<hbm>> -> memref<840x64xi32, #tpu.memory_space<hbm>>
      %dma_start3A_103 = arith.constant 0 : i32
      %dma_start3A_104 = tpu.memref_slice %arg4[%add3A_55, %dma_start3A_103] : memref<268800x64xi32, #tpu.memory_space<hbm>> -> memref<840x64xi32, #tpu.memory_space<hbm>>
      tpu.enqueue_dma source(%arg7 : memref<840x64xi32, #tpu.memory_space<vmem>>) target(%dma_start3A_104 : memref<840x64xi32, #tpu.memory_space<hbm>>) target_semaphore(%run_scoped3A : memref<!tpu.dma_semaphore, #tpu.memory_space<semaphore_mem>>)
      %dma_wait3A_105 = arith.constant 0 : i32
      %dma_wait3A_106 = tpu.memref_slice %arg4[%add3A_55, %dma_wait3A_105] : memref<268800x64xi32, #tpu.memory_space<hbm>> -> memref<840x64xi32, #tpu.memory_space<hbm>>
      %dma_wait3A_107 = arith.constant 0 : i32
      %dma_wait3A_108 = tpu.memref_slice %arg4[%add3A_55, %dma_wait3A_107] : memref<268800x64xi32, #tpu.memory_space<hbm>> -> memref<840x64xi32, #tpu.memory_space<hbm>>
      tpu.wait_dma2 semaphore(%run_scoped3A : memref<!tpu.dma_semaphore, #tpu.memory_space<semaphore_mem>>) src(%arg7 : memref<840x64xi32, #tpu.memory_space<vmem>>) dst(%dma_wait3A_108 : memref<840x64xi32, #tpu.memory_space<hbm>>)
      tpu.yield
    }) : () -> ()
    %add3A_56 = arith.constant 5040 : i32
    %add3A_57 = arith.addi %mul3A_2, %add3A_56 : i32
    "tpu.region"() ({
      %run_scoped3A = tpu.sem_alloc : memref<!tpu.dma_semaphore, #tpu.memory_space<semaphore_mem>>
      %dma_start3A_101 = tpu.memref_slice %arg3[%add3A_57] : memref<268800xi32, #tpu.memory_space<hbm>> -> memref<840xi32, #tpu.memory_space<hbm>>
      %dma_start3A_102 = tpu.memref_slice %arg3[%add3A_57] : memref<268800xi32, #tpu.memory_space<hbm>> -> memref<840xi32, #tpu.memory_space<hbm>>
      tpu.enqueue_dma source(%dma_start3A_102 : memref<840xi32, #tpu.memory_space<hbm>>) target(%arg5 : memref<840xi32, #tpu.memory_space<vmem>>) target_semaphore(%run_scoped3A : memref<!tpu.dma_semaphore, #tpu.memory_space<semaphore_mem>>)
      %dma_wait3A_103 = tpu.memref_slice %arg3[%add3A_57] : memref<268800xi32, #tpu.memory_space<hbm>> -> memref<840xi32, #tpu.memory_space<hbm>>
      %dma_wait3A_104 = tpu.memref_slice %arg3[%add3A_57] : memref<268800xi32, #tpu.memory_space<hbm>> -> memref<840xi32, #tpu.memory_space<hbm>>
      tpu.wait_dma2 semaphore(%run_scoped3A : memref<!tpu.dma_semaphore, #tpu.memory_space<semaphore_mem>>) src(%dma_wait3A_104 : memref<840xi32, #tpu.memory_space<hbm>>) dst(%arg5 : memref<840xi32, #tpu.memory_space<vmem>>)
      tpu.yield
    }) : () -> ()
    %dma_start3A_58 = arith.constant 0 : i32
    %dma_start3A_59 = arith.constant 0 : i32
    %dma_start3A_60 = tpu.memref_slice %arg2[%dma_start3A_58, %dma_start3A_59] : memref<10008x64xi32, #tpu.memory_space<hbm>> -> memref<10008x64xi32, #tpu.memory_space<hbm>>
    tpu.enqueue_indirect_dma source(%dma_start3A_60 : memref<10008x64xi32, #tpu.memory_space<hbm>>) target(%arg7 : memref<840x64xi32, #tpu.memory_space<vmem>>) offsets(%arg5 : memref<840xi32, #tpu.memory_space<vmem>>) semaphore(%arg9 : memref<!tpu.dma_semaphore, #tpu.memory_space<semaphore_mem>>)
    %dma_wait3A_61 = arith.constant 0 : i32
    %dma_wait3A_62 = arith.constant 0 : i32
    %dma_wait3A_63 = tpu.memref_slice %arg2[%dma_wait3A_61, %dma_wait3A_62] : memref<10008x64xi32, #tpu.memory_space<hbm>> -> memref<10008x64xi32, #tpu.memory_space<hbm>>
    tpu.wait_indirect_dma semaphore(%arg10 : memref<!tpu.dma_semaphore, #tpu.memory_space<semaphore_mem>>) src(%dma_wait3A_63 : memref<10008x64xi32, #tpu.memory_space<hbm>>) dst(%arg8 : memref<840x64xi32, #tpu.memory_space<vmem>>)
    %add3A_64 = arith.constant 4200 : i32
    %add3A_65 = arith.addi %mul3A_2, %add3A_64 : i32
    "tpu.region"() ({
      %run_scoped3A = tpu.sem_alloc : memref<!tpu.dma_semaphore, #tpu.memory_space<semaphore_mem>>
      %dma_start3A_101 = arith.constant 0 : i32
      %dma_start3A_102 = tpu.memref_slice %arg4[%add3A_65, %dma_start3A_101] : memref<268800x64xi32, #tpu.memory_space<hbm>> -> memref<840x64xi32, #tpu.memory_space<hbm>>
      %dma_start3A_103 = arith.constant 0 : i32
      %dma_start3A_104 = tpu.memref_slice %arg4[%add3A_65, %dma_start3A_103] : memref<268800x64xi32, #tpu.memory_space<hbm>> -> memref<840x64xi32, #tpu.memory_space<hbm>>
      tpu.enqueue_dma source(%arg8 : memref<840x64xi32, #tpu.memory_space<vmem>>) target(%dma_start3A_104 : memref<840x64xi32, #tpu.memory_space<hbm>>) target_semaphore(%run_scoped3A : memref<!tpu.dma_semaphore, #tpu.memory_space<semaphore_mem>>)
      %dma_wait3A_105 = arith.constant 0 : i32
      %dma_wait3A_106 = tpu.memref_slice %arg4[%add3A_65, %dma_wait3A_105] : memref<268800x64xi32, #tpu.memory_space<hbm>> -> memref<840x64xi32, #tpu.memory_space<hbm>>
      %dma_wait3A_107 = arith.constant 0 : i32
      %dma_wait3A_108 = tpu.memref_slice %arg4[%add3A_65, %dma_wait3A_107] : memref<268800x64xi32, #tpu.memory_space<hbm>> -> memref<840x64xi32, #tpu.memory_space<hbm>>
      tpu.wait_dma2 semaphore(%run_scoped3A : memref<!tpu.dma_semaphore, #tpu.memory_space<semaphore_mem>>) src(%arg8 : memref<840x64xi32, #tpu.memory_space<vmem>>) dst(%dma_wait3A_108 : memref<840x64xi32, #tpu.memory_space<hbm>>)
      tpu.yield
    }) : () -> ()
    %add3A_66 = arith.constant 5880 : i32
    %add3A_67 = arith.addi %mul3A_2, %add3A_66 : i32
    "tpu.region"() ({
      %run_scoped3A = tpu.sem_alloc : memref<!tpu.dma_semaphore, #tpu.memory_space<semaphore_mem>>
      %dma_start3A_101 = tpu.memref_slice %arg3[%add3A_67] : memref<268800xi32, #tpu.memory_space<hbm>> -> memref<840xi32, #tpu.memory_space<hbm>>
      %dma_start3A_102 = tpu.memref_slice %arg3[%add3A_67] : memref<268800xi32, #tpu.memory_space<hbm>> -> memref<840xi32, #tpu.memory_space<hbm>>
      tpu.enqueue_dma source(%dma_start3A_102 : memref<840xi32, #tpu.memory_space<hbm>>) target(%arg6 : memref<840xi32, #tpu.memory_space<vmem>>) target_semaphore(%run_scoped3A : memref<!tpu.dma_semaphore, #tpu.memory_space<semaphore_mem>>)
      %dma_wait3A_103 = tpu.memref_slice %arg3[%add3A_67] : memref<268800xi32, #tpu.memory_space<hbm>> -> memref<840xi32, #tpu.memory_space<hbm>>
      %dma_wait3A_104 = tpu.memref_slice %arg3[%add3A_67] : memref<268800xi32, #tpu.memory_space<hbm>> -> memref<840xi32, #tpu.memory_space<hbm>>
      tpu.wait_dma2 semaphore(%run_scoped3A : memref<!tpu.dma_semaphore, #tpu.memory_space<semaphore_mem>>) src(%dma_wait3A_104 : memref<840xi32, #tpu.memory_space<hbm>>) dst(%arg6 : memref<840xi32, #tpu.memory_space<vmem>>)
      tpu.yield
    }) : () -> ()
    %dma_start3A_68 = arith.constant 0 : i32
    %dma_start3A_69 = arith.constant 0 : i32
    %dma_start3A_70 = tpu.memref_slice %arg2[%dma_start3A_68, %dma_start3A_69] : memref<10008x64xi32, #tpu.memory_space<hbm>> -> memref<10008x64xi32, #tpu.memory_space<hbm>>
    tpu.enqueue_indirect_dma source(%dma_start3A_70 : memref<10008x64xi32, #tpu.memory_space<hbm>>) target(%arg8 : memref<840x64xi32, #tpu.memory_space<vmem>>) offsets(%arg6 : memref<840xi32, #tpu.memory_space<vmem>>) semaphore(%arg10 : memref<!tpu.dma_semaphore, #tpu.memory_space<semaphore_mem>>)
    %dma_wait3A_71 = arith.constant 0 : i32
    %dma_wait3A_72 = arith.constant 0 : i32
    %dma_wait3A_73 = tpu.memref_slice %arg2[%dma_wait3A_71, %dma_wait3A_72] : memref<10008x64xi32, #tpu.memory_space<hbm>> -> memref<10008x64xi32, #tpu.memory_space<hbm>>
    tpu.wait_indirect_dma semaphore(%arg9 : memref<!tpu.dma_semaphore, #tpu.memory_space<semaphore_mem>>) src(%dma_wait3A_73 : memref<10008x64xi32, #tpu.memory_space<hbm>>) dst(%arg7 : memref<840x64xi32, #tpu.memory_space<vmem>>)
    %add3A_74 = arith.constant 5040 : i32
    %add3A_75 = arith.addi %mul3A_2, %add3A_74 : i32
    "tpu.region"() ({
      %run_scoped3A = tpu.sem_alloc : memref<!tpu.dma_semaphore, #tpu.memory_space<semaphore_mem>>
      %dma_start3A_101 = arith.constant 0 : i32
      %dma_start3A_102 = tpu.memref_slice %arg4[%add3A_75, %dma_start3A_101] : memref<268800x64xi32, #tpu.memory_space<hbm>> -> memref<840x64xi32, #tpu.memory_space<hbm>>
      %dma_start3A_103 = arith.constant 0 : i32
      %dma_start3A_104 = tpu.memref_slice %arg4[%add3A_75, %dma_start3A_103] : memref<268800x64xi32, #tpu.memory_space<hbm>> -> memref<840x64xi32, #tpu.memory_space<hbm>>
      tpu.enqueue_dma source(%arg7 : memref<840x64xi32, #tpu.memory_space<vmem>>) target(%dma_start3A_104 : memref<840x64xi32, #tpu.memory_space<hbm>>) target_semaphore(%run_scoped3A : memref<!tpu.dma_semaphore, #tpu.memory_space<semaphore_mem>>)
      %dma_wait3A_105 = arith.constant 0 : i32
      %dma_wait3A_106 = tpu.memref_slice %arg4[%add3A_75, %dma_wait3A_105] : memref<268800x64xi32, #tpu.memory_space<hbm>> -> memref<840x64xi32, #tpu.memory_space<hbm>>
      %dma_wait3A_107 = arith.constant 0 : i32
      %dma_wait3A_108 = tpu.memref_slice %arg4[%add3A_75, %dma_wait3A_107] : memref<268800x64xi32, #tpu.memory_space<hbm>> -> memref<840x64xi32, #tpu.memory_space<hbm>>
      tpu.wait_dma2 semaphore(%run_scoped3A : memref<!tpu.dma_semaphore, #tpu.memory_space<semaphore_mem>>) src(%arg7 : memref<840x64xi32, #tpu.memory_space<vmem>>) dst(%dma_wait3A_108 : memref<840x64xi32, #tpu.memory_space<hbm>>)
      tpu.yield
    }) : () -> ()
    %add3A_76 = arith.constant 6720 : i32
    %add3A_77 = arith.addi %mul3A_2, %add3A_76 : i32
    "tpu.region"() ({
      %run_scoped3A = tpu.sem_alloc : memref<!tpu.dma_semaphore, #tpu.memory_space<semaphore_mem>>
      %dma_start3A_101 = tpu.memref_slice %arg3[%add3A_77] : memref<268800xi32, #tpu.memory_space<hbm>> -> memref<840xi32, #tpu.memory_space<hbm>>
      %dma_start3A_102 = tpu.memref_slice %arg3[%add3A_77] : memref<268800xi32, #tpu.memory_space<hbm>> -> memref<840xi32, #tpu.memory_space<hbm>>
      tpu.enqueue_dma source(%dma_start3A_102 : memref<840xi32, #tpu.memory_space<hbm>>) target(%arg5 : memref<840xi32, #tpu.memory_space<vmem>>) target_semaphore(%run_scoped3A : memref<!tpu.dma_semaphore, #tpu.memory_space<semaphore_mem>>)
      %dma_wait3A_103 = tpu.memref_slice %arg3[%add3A_77] : memref<268800xi32, #tpu.memory_space<hbm>> -> memref<840xi32, #tpu.memory_space<hbm>>
      %dma_wait3A_104 = tpu.memref_slice %arg3[%add3A_77] : memref<268800xi32, #tpu.memory_space<hbm>> -> memref<840xi32, #tpu.memory_space<hbm>>
      tpu.wait_dma2 semaphore(%run_scoped3A : memref<!tpu.dma_semaphore, #tpu.memory_space<semaphore_mem>>) src(%dma_wait3A_104 : memref<840xi32, #tpu.memory_space<hbm>>) dst(%arg5 : memref<840xi32, #tpu.memory_space<vmem>>)
      tpu.yield
    }) : () -> ()
    %dma_start3A_78 = arith.constant 0 : i32
    %dma_start3A_79 = arith.constant 0 : i32
    %dma_start3A_80 = tpu.memref_slice %arg2[%dma_start3A_78, %dma_start3A_79] : memref<10008x64xi32, #tpu.memory_space<hbm>> -> memref<10008x64xi32, #tpu.memory_space<hbm>>
    tpu.enqueue_indirect_dma source(%dma_start3A_80 : memref<10008x64xi32, #tpu.memory_space<hbm>>) target(%arg7 : memref<840x64xi32, #tpu.memory_space<vmem>>) offsets(%arg5 : memref<840xi32, #tpu.memory_space<vmem>>) semaphore(%arg9 : memref<!tpu.dma_semaphore, #tpu.memory_space<semaphore_mem>>)
    %dma_wait3A_81 = arith.constant 0 : i32
    %dma_wait3A_82 = arith.constant 0 : i32
    %dma_wait3A_83 = tpu.memref_slice %arg2[%dma_wait3A_81, %dma_wait3A_82] : memref<10008x64xi32, #tpu.memory_space<hbm>> -> memref<10008x64xi32, #tpu.memory_space<hbm>>
    tpu.wait_indirect_dma semaphore(%arg10 : memref<!tpu.dma_semaphore, #tpu.memory_space<semaphore_mem>>) src(%dma_wait3A_83 : memref<10008x64xi32, #tpu.memory_space<hbm>>) dst(%arg8 : memref<840x64xi32, #tpu.memory_space<vmem>>)
    %add3A_84 = arith.constant 5880 : i32
    %add3A_85 = arith.addi %mul3A_2, %add3A_84 : i32
    "tpu.region"() ({
      %run_scoped3A = tpu.sem_alloc : memref<!tpu.dma_semaphore, #tpu.memory_space<semaphore_mem>>
      %dma_start3A_101 = arith.constant 0 : i32
      %dma_start3A_102 = tpu.memref_slice %arg4[%add3A_85, %dma_start3A_101] : memref<268800x64xi32, #tpu.memory_space<hbm>> -> memref<840x64xi32, #tpu.memory_space<hbm>>
      %dma_start3A_103 = arith.constant 0 : i32
      %dma_start3A_104 = tpu.memref_slice %arg4[%add3A_85, %dma_start3A_103] : memref<268800x64xi32, #tpu.memory_space<hbm>> -> memref<840x64xi32, #tpu.memory_space<hbm>>
      tpu.enqueue_dma source(%arg8 : memref<840x64xi32, #tpu.memory_space<vmem>>) target(%dma_start3A_104 : memref<840x64xi32, #tpu.memory_space<hbm>>) target_semaphore(%run_scoped3A : memref<!tpu.dma_semaphore, #tpu.memory_space<semaphore_mem>>)
      %dma_wait3A_105 = arith.constant 0 : i32
      %dma_wait3A_106 = tpu.memref_slice %arg4[%add3A_85, %dma_wait3A_105] : memref<268800x64xi32, #tpu.memory_space<hbm>> -> memref<840x64xi32, #tpu.memory_space<hbm>>
      %dma_wait3A_107 = arith.constant 0 : i32
      %dma_wait3A_108 = tpu.memref_slice %arg4[%add3A_85, %dma_wait3A_107] : memref<268800x64xi32, #tpu.memory_space<hbm>> -> memref<840x64xi32, #tpu.memory_space<hbm>>
      tpu.wait_dma2 semaphore(%run_scoped3A : memref<!tpu.dma_semaphore, #tpu.memory_space<semaphore_mem>>) src(%arg8 : memref<840x64xi32, #tpu.memory_space<vmem>>) dst(%dma_wait3A_108 : memref<840x64xi32, #tpu.memory_space<hbm>>)
      tpu.yield
    }) : () -> ()
    %add3A_86 = arith.constant 7560 : i32
    %add3A_87 = arith.addi %mul3A_2, %add3A_86 : i32
    "tpu.region"() ({
      %run_scoped3A = tpu.sem_alloc : memref<!tpu.dma_semaphore, #tpu.memory_space<semaphore_mem>>
      %dma_start3A_101 = tpu.memref_slice %arg3[%add3A_87] : memref<268800xi32, #tpu.memory_space<hbm>> -> memref<840xi32, #tpu.memory_space<hbm>>
      %dma_start3A_102 = tpu.memref_slice %arg3[%add3A_87] : memref<268800xi32, #tpu.memory_space<hbm>> -> memref<840xi32, #tpu.memory_space<hbm>>
      tpu.enqueue_dma source(%dma_start3A_102 : memref<840xi32, #tpu.memory_space<hbm>>) target(%arg6 : memref<840xi32, #tpu.memory_space<vmem>>) target_semaphore(%run_scoped3A : memref<!tpu.dma_semaphore, #tpu.memory_space<semaphore_mem>>)
      %dma_wait3A_103 = tpu.memref_slice %arg3[%add3A_87] : memref<268800xi32, #tpu.memory_space<hbm>> -> memref<840xi32, #tpu.memory_space<hbm>>
      %dma_wait3A_104 = tpu.memref_slice %arg3[%add3A_87] : memref<268800xi32, #tpu.memory_space<hbm>> -> memref<840xi32, #tpu.memory_space<hbm>>
      tpu.wait_dma2 semaphore(%run_scoped3A : memref<!tpu.dma_semaphore, #tpu.memory_space<semaphore_mem>>) src(%dma_wait3A_104 : memref<840xi32, #tpu.memory_space<hbm>>) dst(%arg6 : memref<840xi32, #tpu.memory_space<vmem>>)
      tpu.yield
    }) : () -> ()
    %dma_start3A_88 = arith.constant 0 : i32
    %dma_start3A_89 = arith.constant 0 : i32
    %dma_start3A_90 = tpu.memref_slice %arg2[%dma_start3A_88, %dma_start3A_89] : memref<10008x64xi32, #tpu.memory_space<hbm>> -> memref<10008x64xi32, #tpu.memory_space<hbm>>
    tpu.enqueue_indirect_dma source(%dma_start3A_90 : memref<10008x64xi32, #tpu.memory_space<hbm>>) target(%arg8 : memref<840x64xi32, #tpu.memory_space<vmem>>) offsets(%arg6 : memref<840xi32, #tpu.memory_space<vmem>>) semaphore(%arg10 : memref<!tpu.dma_semaphore, #tpu.memory_space<semaphore_mem>>)
    %dma_wait3A_91 = arith.constant 0 : i32
    %dma_wait3A_92 = arith.constant 0 : i32
    %dma_wait3A_93 = tpu.memref_slice %arg2[%dma_wait3A_91, %dma_wait3A_92] : memref<10008x64xi32, #tpu.memory_space<hbm>> -> memref<10008x64xi32, #tpu.memory_space<hbm>>
    tpu.wait_indirect_dma semaphore(%arg9 : memref<!tpu.dma_semaphore, #tpu.memory_space<semaphore_mem>>) src(%dma_wait3A_93 : memref<10008x64xi32, #tpu.memory_space<hbm>>) dst(%arg7 : memref<840x64xi32, #tpu.memory_space<vmem>>)
    %add3A_94 = arith.constant 6720 : i32
    %add3A_95 = arith.addi %mul3A_2, %add3A_94 : i32
    "tpu.region"() ({
      %run_scoped3A = tpu.sem_alloc : memref<!tpu.dma_semaphore, #tpu.memory_space<semaphore_mem>>
      %dma_start3A_101 = arith.constant 0 : i32
      %dma_start3A_102 = tpu.memref_slice %arg4[%add3A_95, %dma_start3A_101] : memref<268800x64xi32, #tpu.memory_space<hbm>> -> memref<840x64xi32, #tpu.memory_space<hbm>>
      %dma_start3A_103 = arith.constant 0 : i32
      %dma_start3A_104 = tpu.memref_slice %arg4[%add3A_95, %dma_start3A_103] : memref<268800x64xi32, #tpu.memory_space<hbm>> -> memref<840x64xi32, #tpu.memory_space<hbm>>
      tpu.enqueue_dma source(%arg7 : memref<840x64xi32, #tpu.memory_space<vmem>>) target(%dma_start3A_104 : memref<840x64xi32, #tpu.memory_space<hbm>>) target_semaphore(%run_scoped3A : memref<!tpu.dma_semaphore, #tpu.memory_space<semaphore_mem>>)
      %dma_wait3A_105 = arith.constant 0 : i32
      %dma_wait3A_106 = tpu.memref_slice %arg4[%add3A_95, %dma_wait3A_105] : memref<268800x64xi32, #tpu.memory_space<hbm>> -> memref<840x64xi32, #tpu.memory_space<hbm>>
      %dma_wait3A_107 = arith.constant 0 : i32
      %dma_wait3A_108 = tpu.memref_slice %arg4[%add3A_95, %dma_wait3A_107] : memref<268800x64xi32, #tpu.memory_space<hbm>> -> memref<840x64xi32, #tpu.memory_space<hbm>>
      tpu.wait_dma2 semaphore(%run_scoped3A : memref<!tpu.dma_semaphore, #tpu.memory_space<semaphore_mem>>) src(%arg7 : memref<840x64xi32, #tpu.memory_space<vmem>>) dst(%dma_wait3A_108 : memref<840x64xi32, #tpu.memory_space<hbm>>)
      tpu.yield
    }) : () -> ()
    %dma_wait3A_96 = arith.constant 0 : i32
    %dma_wait3A_97 = arith.constant 0 : i32
    %dma_wait3A_98 = tpu.memref_slice %arg2[%dma_wait3A_96, %dma_wait3A_97] : memref<10008x64xi32, #tpu.memory_space<hbm>> -> memref<10008x64xi32, #tpu.memory_space<hbm>>
    tpu.wait_indirect_dma semaphore(%arg10 : memref<!tpu.dma_semaphore, #tpu.memory_space<semaphore_mem>>) src(%dma_wait3A_98 : memref<10008x64xi32, #tpu.memory_space<hbm>>) dst(%arg8 : memref<840x64xi32, #tpu.memory_space<vmem>>)
    %add3A_99 = arith.constant 7560 : i32
    %add3A_100 = arith.addi %mul3A_2, %add3A_99 : i32
    "tpu.region"() ({
      %run_scoped3A = tpu.sem_alloc : memref<!tpu.dma_semaphore, #tpu.memory_space<semaphore_mem>>
      %dma_start3A_101 = arith.constant 0 : i32
      %dma_start3A_102 = tpu.memref_slice %arg4[%add3A_100, %dma_start3A_101] : memref<268800x64xi32, #tpu.memory_space<hbm>> -> memref<840x64xi32, #tpu.memory_space<hbm>>
      %dma_start3A_103 = arith.constant 0 : i32
      %dma_start3A_104 = tpu.memref_slice %arg4[%add3A_100, %dma_start3A_103] : memref<268800x64xi32, #tpu.memory_space<hbm>> -> memref<840x64xi32, #tpu.memory_space<hbm>>
      tpu.enqueue_dma source(%arg8 : memref<840x64xi32, #tpu.memory_space<vmem>>) target(%dma_start3A_104 : memref<840x64xi32, #tpu.memory_space<hbm>>) target_semaphore(%run_scoped3A : memref<!tpu.dma_semaphore, #tpu.memory_space<semaphore_mem>>)
      %dma_wait3A_105 = arith.constant 0 : i32
      %dma_wait3A_106 = tpu.memref_slice %arg4[%add3A_100, %dma_wait3A_105] : memref<268800x64xi32, #tpu.memory_space<hbm>> -> memref<840x64xi32, #tpu.memory_space<hbm>>
      %dma_wait3A_107 = arith.constant 0 : i32
      %dma_wait3A_108 = tpu.memref_slice %arg4[%add3A_100, %dma_wait3A_107] : memref<268800x64xi32, #tpu.memory_space<hbm>> -> memref<840x64xi32, #tpu.memory_space<hbm>>
      tpu.wait_dma2 semaphore(%run_scoped3A : memref<!tpu.dma_semaphore, #tpu.memory_space<semaphore_mem>>) src(%arg8 : memref<840x64xi32, #tpu.memory_space<vmem>>) dst(%dma_wait3A_108 : memref<840x64xi32, #tpu.memory_space<hbm>>)
      tpu.yield
    }) : () -> ()
    return
  }
}

module attributes {stable_mosaic.version = 14 : i64} {
  func.func @_prep_body(%arg0: i32, %arg1: memref<2000x128xf32, #tpu.memory_space<vmem>>, %arg2: memref<10000x32xi32, #tpu.memory_space<vmem>>, %arg3: memref<2000x64xi32, #tpu.memory_space<vmem>>, %arg4: memref<32x10000xi32, #tpu.memory_space<vmem>>) attributes {dimension_semantics = [#tpu.dimension_semantics<arbitrary>], iteration_bounds = array<i64: 5>, scalar_prefetch = 0 : i64, scratch_operands = 0 : i64, tpu.core_type = #tpu.core_type<tc>, window_params = [{transform_indices = @transform_0, window_bounds = array<i64: 2000, 128>}, {pipeline_mode = #tpu.pipeline_mode<synchronous>, transform_indices = @transform_1, window_bounds = array<i64: 10000, 32>}, {transform_indices = @transform_2, window_bounds = array<i64: 2000, 64>}, {pipeline_mode = #tpu.pipeline_mode<synchronous>, transform_indices = @transform_3, window_bounds = array<i64: 32, 10000>}]} {
    %get3A = arith.constant 0 : index
    %get3A_0 = arith.constant 0 : index
    %get3A_1 = vector.load %arg1[%get3A, %get3A_0] : memref<2000x128xf32, #tpu.memory_space<vmem>>, vector<2000x128xf32>
    %iota3A = tpu.iota {dimensions = array<i32: 0>} : vector<128x8xi32>
    %iota3A_2 = tpu.iota {dimensions = array<i32: 1>} : vector<128x8xi32>
    %jit3A = arith.constant 16 : i32
    %div3A = vector.broadcast %jit3A : i32 to vector<128x8xi32>
    %div3A_3 = arith.divsi %iota3A, %div3A : vector<128x8xi32>
    %sign3A = arith.constant 0 : i32
    %sign3A_4 = vector.broadcast %sign3A : i32 to vector<128x8xi32>
    %sign3A_5 = arith.cmpi sgt, %iota3A, %sign3A_4 : vector<128x8xi32>
    %sign3A_6 = arith.extui %sign3A_5 : vector<128x8xi1> to vector<128x8xi32>
    %sign3A_7 = arith.constant 0 : i32
    %sign3A_8 = vector.broadcast %sign3A_7 : i32 to vector<128x8xi32>
    %sign3A_9 = arith.cmpi slt, %iota3A, %sign3A_8 : vector<128x8xi32>
    %sign3A_10 = arith.extui %sign3A_9 : vector<128x8xi1> to vector<128x8xi32>
    %sign3A_11 = arith.subi %sign3A_6, %sign3A_10 : vector<128x8xi32>
    %sign3A_12 = arith.constant 0 : i32
    %sign3A_13 = arith.cmpi sgt, %jit3A, %sign3A_12 : i32
    %sign3A_14 = arith.extui %sign3A_13 : i1 to i32
    %sign3A_15 = arith.constant 0 : i32
    %sign3A_16 = arith.cmpi slt, %jit3A, %sign3A_15 : i32
    %sign3A_17 = arith.extui %sign3A_16 : i1 to i32
    %sign3A_18 = arith.subi %sign3A_14, %sign3A_17 : i32
    %ne3A = vector.broadcast %sign3A_18 : i32 to vector<128x8xi32>
    %ne3A_19 = arith.cmpi ne, %sign3A_11, %ne3A : vector<128x8xi32>
    %rem3A = vector.broadcast %jit3A : i32 to vector<128x8xi32>
    %rem3A_20 = arith.remsi %iota3A, %rem3A : vector<128x8xi32>
    %ne3A_21 = arith.constant 0 : i32
    %ne3A_22 = vector.broadcast %ne3A_21 : i32 to vector<128x8xi32>
    %ne3A_23 = arith.cmpi ne, %rem3A_20, %ne3A_22 : vector<128x8xi32>
    %and3A = arith.andi %ne3A_19, %ne3A_23 : vector<128x8xi1>
    %sub3A = arith.constant 1 : i32
    %sub3A_24 = vector.broadcast %sub3A : i32 to vector<128x8xi32>
    %sub3A_25 = arith.subi %div3A_3, %sub3A_24 : vector<128x8xi32>
    %select_n3A = arith.select %and3A, %sub3A_25, %div3A_3 : vector<128x8xi1>, vector<128x8xi32>
    %eq3A = arith.cmpi eq, %select_n3A, %iota3A_2 : vector<128x8xi32>
    %convert_element_type3A = arith.extui %eq3A : vector<128x8xi1> to vector<128x8xi32>
    %convert_element_type3A_26 = arith.sitofp %convert_element_type3A : vector<128x8xi32> to vector<128x8xf32>
    %mul3A = arith.mulf %get3A_1, %get3A_1 : vector<2000x128xf32>
    %dot_general3A = arith.constant dense<0.000000e+00> : vector<2000x8xf32>
    %dot_general3A_27 = tpu.matmul %mul3A, %convert_element_type3A_26, %dot_general3A {dimension_numbers = #tpu.dot_dimension_numbers<[1], [0], [0], [1], [0, 0, 1, 1], [], []>, transpose_lhs_hint = false} : vector<2000x128xf32>, vector<128x8xf32>, vector<2000x8xf32> -> vector<2000x8xf32>
    %max3A = arith.constant 1.000000e-24 : f32
    %max3A_28 = vector.broadcast %max3A : f32 to vector<2000x8xf32>
    %max3A_29 = arith.maximumf %dot_general3A_27, %max3A_28 : vector<2000x8xf32>
    %rsqrt3A = math.rsqrt %max3A_29 : vector<2000x8xf32>
    %transpose3A = tpu.transpose %convert_element_type3A_26, [1, 0] : vector<128x8xf32> -> vector<8x128xf32>
    %dot_general3A_30 = arith.constant dense<0.000000e+00> : vector<2000x128xf32>
    %dot_general3A_31 = tpu.matmul %rsqrt3A, %transpose3A, %dot_general3A_30 {dimension_numbers = #tpu.dot_dimension_numbers<[1], [0], [0], [1], [0, 0, 1, 1], [], []>, transpose_lhs_hint = false} : vector<2000x8xf32>, vector<8x128xf32>, vector<2000x128xf32> -> vector<2000x128xf32>
    %mul3A_32 = arith.mulf %get3A_1, %dot_general3A_31 : vector<2000x128xf32>
    %slice3A = vector.extract_strided_slice %mul3A_32 {offsets = [0, 0], sizes = [2000, 64], strides = [1, 1]} : vector<2000x128xf32> to vector<2000x64xf32>
    %bitcast_convert_type3A = tpu.bitcast %slice3A : vector<2000x64xf32> -> vector<2000x64xi32>
    %add3A = arith.constant 32767 : i32
    %add3A_33 = vector.broadcast %add3A : i32 to vector<2000x64xi32>
    %add3A_34 = arith.addi %bitcast_convert_type3A, %add3A_33 : vector<2000x64xi32>
    %shift_right_arithmetic3A = arith.constant 16 : i32
    %shift_right_arithmetic3A_35 = vector.broadcast %shift_right_arithmetic3A : i32 to vector<2000x64xi32>
    %shift_right_arithmetic3A_36 = arith.shrsi %bitcast_convert_type3A, %shift_right_arithmetic3A_35 : vector<2000x64xi32>
    %and3A_37 = arith.constant 1 : i32
    %and3A_38 = vector.broadcast %and3A_37 : i32 to vector<2000x64xi32>
    %and3A_39 = arith.andi %shift_right_arithmetic3A_36, %and3A_38 : vector<2000x64xi32>
    %add3A_40 = arith.addi %add3A_34, %and3A_39 : vector<2000x64xi32>
    %shift_right_arithmetic3A_41 = arith.constant 16 : i32
    %shift_right_arithmetic3A_42 = vector.broadcast %shift_right_arithmetic3A_41 : i32 to vector<2000x64xi32>
    %shift_right_arithmetic3A_43 = arith.shrsi %add3A_40, %shift_right_arithmetic3A_42 : vector<2000x64xi32>
    %slice3A_44 = vector.extract_strided_slice %mul3A_32 {offsets = [0, 64], sizes = [2000, 64], strides = [1, 1]} : vector<2000x128xf32> to vector<2000x64xf32>
    %bitcast_convert_type3A_45 = tpu.bitcast %slice3A_44 : vector<2000x64xf32> -> vector<2000x64xi32>
    %add3A_46 = arith.constant 32767 : i32
    %add3A_47 = vector.broadcast %add3A_46 : i32 to vector<2000x64xi32>
    %add3A_48 = arith.addi %bitcast_convert_type3A_45, %add3A_47 : vector<2000x64xi32>
    %shift_right_arithmetic3A_49 = arith.constant 16 : i32
    %shift_right_arithmetic3A_50 = vector.broadcast %shift_right_arithmetic3A_49 : i32 to vector<2000x64xi32>
    %shift_right_arithmetic3A_51 = arith.shrsi %bitcast_convert_type3A_45, %shift_right_arithmetic3A_50 : vector<2000x64xi32>
    %and3A_52 = arith.constant 1 : i32
    %and3A_53 = vector.broadcast %and3A_52 : i32 to vector<2000x64xi32>
    %and3A_54 = arith.andi %shift_right_arithmetic3A_51, %and3A_53 : vector<2000x64xi32>
    %add3A_55 = arith.addi %add3A_48, %and3A_54 : vector<2000x64xi32>
    %shift_right_arithmetic3A_56 = arith.constant 16 : i32
    %shift_right_arithmetic3A_57 = vector.broadcast %shift_right_arithmetic3A_56 : i32 to vector<2000x64xi32>
    %shift_right_arithmetic3A_58 = arith.shrsi %add3A_55, %shift_right_arithmetic3A_57 : vector<2000x64xi32>
    %shift_left3A = arith.constant 16 : i32
    %shift_left3A_59 = vector.broadcast %shift_left3A : i32 to vector<2000x64xi32>
    %shift_left3A_60 = arith.shli %shift_right_arithmetic3A_58, %shift_left3A_59 : vector<2000x64xi32>
    %and3A_61 = arith.constant 65535 : i32
    %and3A_62 = vector.broadcast %and3A_61 : i32 to vector<2000x64xi32>
    %and3A_63 = arith.andi %shift_right_arithmetic3A_43, %and3A_62 : vector<2000x64xi32>
    %or3A = arith.ori %shift_left3A_60, %and3A_63 : vector<2000x64xi32>
    %swap3A = arith.constant 0 : index
    %swap3A_64 = arith.constant 0 : index
    %swap3A_65 = vector.load %arg3[%swap3A, %swap3A_64] : memref<2000x64xi32, #tpu.memory_space<vmem>>, vector<2000x64xi32>
    tpu.vector_store %arg3[%swap3A, %swap3A_64], %or3A {strides = array<i32>} : memref<2000x64xi32, #tpu.memory_space<vmem>>, vector<2000x64xi32>,
    %eq3A_66 = arith.constant 0 : i32
    %eq3A_67 = arith.cmpi eq, %arg0, %eq3A_66 : i32
    %convert_element_type3A_68 = arith.extui %eq3A_67 : i1 to i32
    %cond3A = arith.constant 0 : i32
    %cond3A_69 = arith.cmpi ne, %convert_element_type3A_68, %cond3A : i32
    scf.if %cond3A_69 {
      %get3A_70 = arith.constant 0 : index
      %get3A_71 = arith.constant 0 : index
      %get3A_72 = vector.load %arg2[%get3A_70, %get3A_71] : memref<10000x32xi32, #tpu.memory_space<vmem>>, vector<10000x32xi32>
      %transpose3A_73 = tpu.transpose %get3A_72, [1, 0] : vector<10000x32xi32> -> vector<32x10000xi32>
      %swap3A_74 = arith.constant 0 : index
      %swap3A_75 = arith.constant 0 : index
      %swap3A_76 = vector.load %arg4[%swap3A_74, %swap3A_75] : memref<32x10000xi32, #tpu.memory_space<vmem>>, vector<32x10000xi32>
      tpu.vector_store %arg4[%swap3A_74, %swap3A_75], %transpose3A_73 {strides = array<i32>} : memref<32x10000xi32, #tpu.memory_space<vmem>>, vector<32x10000xi32>,
    } else {
    }
    return
  }
  func.func @transform_0(%arg0: i32) -> (i32, i32) {
    %c0_i32 = arith.constant 0 : i32
    %c0_i32_0 = arith.constant 0 : i32
    return %arg0, %c0_i32 : i32, i32
  }
  func.func @transform_1(%arg0: i32) -> (i32, i32) {
    %c0_i32 = arith.constant 0 : i32
    %c0_i32_0 = arith.constant 0 : i32
    %c0_i32_1 = arith.constant 0 : i32
    return %c0_i32, %c0_i32_0 : i32, i32
  }
  func.func @transform_2(%arg0: i32) -> (i32, i32) {
    %c0_i32 = arith.constant 0 : i32
    %c0_i32_0 = arith.constant 0 : i32
    return %arg0, %c0_i32 : i32, i32
  }
  func.func @transform_3(%arg0: i32) -> (i32, i32) {
    %c0_i32 = arith.constant 0 : i32
    %c0_i32_0 = arith.constant 0 : i32
    %c0_i32_1 = arith.constant 0 : i32
    return %c0_i32, %c0_i32_0 : i32, i32
  }
}

module attributes {stable_mosaic.version = 14 : i64} {
  func.func @_routing_body(%arg0: i32, %arg1: memref<32x200x128xi32, #tpu.memory_space<vmem>>, %arg2: memref<200x128xi32, #tpu.memory_space<vmem>>, %arg3: memref<200x256xf32, #tpu.memory_space<vmem>>) attributes {dimension_semantics = [#tpu.dimension_semantics<arbitrary>], iteration_bounds = array<i64: 21>, scalar_prefetch = 0 : i64, scratch_operands = 0 : i64, tpu.core_type = #tpu.core_type<tc>, window_params = [{transform_indices = @transform_0, window_bounds = array<i64: 32, 200, 128>}, {transform_indices = @transform_1, window_bounds = array<i64: 200, 128>}, {transform_indices = @transform_2, window_bounds = array<i64: 200, 256>}]} {
    %get3A = arith.constant 0 : index
    %get3A_0 = arith.constant 0 : index
    %get3A_1 = arith.constant 0 : index
    %get3A_2 = vector.load %arg1[%get3A, %get3A_0, %get3A_1] : memref<32x200x128xi32, #tpu.memory_space<vmem>>, vector<32x200x128xi32>
    %get3A_3 = arith.constant 0 : index
    %get3A_4 = arith.constant 0 : index
    %get3A_5 = vector.load %arg2[%get3A_3, %get3A_4] : memref<200x128xi32, #tpu.memory_space<vmem>>, vector<200x128xi32>
    %shift_left3A = arith.constant 16 : i32
    %shift_left3A_6 = vector.broadcast %shift_left3A : i32 to vector<32x200x128xi32>
    %shift_left3A_7 = arith.shli %get3A_2, %shift_left3A_6 : vector<32x200x128xi32>
    %bitcast_convert_type3A = tpu.bitcast %shift_left3A_7 : vector<32x200x128xi32> -> vector<32x200x128xf32>
    %and3A = arith.constant -65536 : i32
    %and3A_8 = vector.broadcast %and3A : i32 to vector<32x200x128xi32>
    %and3A_9 = arith.andi %get3A_2, %and3A_8 : vector<32x200x128xi32>
    %bitcast_convert_type3A_10 = tpu.bitcast %and3A_9 : vector<32x200x128xi32> -> vector<32x200x128xf32>
    %shift_left3A_11 = arith.constant 16 : i32
    %shift_left3A_12 = vector.broadcast %shift_left3A_11 : i32 to vector<200x128xi32>
    %shift_left3A_13 = arith.shli %get3A_5, %shift_left3A_12 : vector<200x128xi32>
    %bitcast_convert_type3A_14 = tpu.bitcast %shift_left3A_13 : vector<200x128xi32> -> vector<200x128xf32>
    %and3A_15 = arith.constant -65536 : i32
    %and3A_16 = vector.broadcast %and3A_15 : i32 to vector<200x128xi32>
    %and3A_17 = arith.andi %get3A_5, %and3A_16 : vector<200x128xi32>
    %bitcast_convert_type3A_18 = tpu.bitcast %and3A_17 : vector<200x128xi32> -> vector<200x128xf32>
    %iota3A = tpu.iota {dimensions = array<i32: 0>} : vector<128x16xi32>
    %iota3A_19 = tpu.iota {dimensions = array<i32: 1>} : vector<128x16xi32>
    %jit3A = arith.constant 64 : i32
    %eq3A = arith.constant 0 : i32
    %eq3A_20 = arith.cmpi eq, %jit3A, %eq3A : i32
    %jit3A_21 = arith.constant 1 : i32
    %select_n3A = arith.select %eq3A_20, %jit3A_21, %jit3A : i32
    %rem3A = vector.broadcast %select_n3A : i32 to vector<128x16xi32>
    %rem3A_22 = arith.remsi %iota3A, %rem3A : vector<128x16xi32>
    %ne3A = arith.constant 0 : i32
    %ne3A_23 = vector.broadcast %ne3A : i32 to vector<128x16xi32>
    %ne3A_24 = arith.cmpi ne, %rem3A_22, %ne3A_23 : vector<128x16xi32>
    %lt3A = arith.constant 0 : i32
    %lt3A_25 = vector.broadcast %lt3A : i32 to vector<128x16xi32>
    %lt3A_26 = arith.cmpi slt, %rem3A_22, %lt3A_25 : vector<128x16xi32>
    %lt3A_27 = arith.constant 0 : i32
    %lt3A_28 = arith.cmpi slt, %select_n3A, %lt3A_27 : i32
    %ne3A_29 = vector.broadcast %lt3A_28 : i1 to vector<128x16xi1>
    %ne3A_30 = vector.broadcast %ne3A_29 : vector<128x16xi1> to vector<128x16xi1>
    %ne3A_31 = arith.xori %lt3A_26, %ne3A_30 : vector<128x16xi1>
    %and3A_32 = arith.andi %ne3A_31, %ne3A_24 : vector<128x16xi1>
    %add3A = vector.broadcast %select_n3A : i32 to vector<128x16xi32>
    %add3A_33 = arith.addi %rem3A_22, %add3A : vector<128x16xi32>
    %select_n3A_34 = arith.select %and3A_32, %add3A_33, %rem3A_22 : vector<128x16xi1>, vector<128x16xi32>
    %jit3A_35 = arith.constant 16 : i32
    %div3A = vector.broadcast %jit3A_35 : i32 to vector<128x16xi32>
    %div3A_36 = arith.divsi %select_n3A_34, %div3A : vector<128x16xi32>
    %sign3A = arith.constant 0 : i32
    %sign3A_37 = vector.broadcast %sign3A : i32 to vector<128x16xi32>
    %sign3A_38 = arith.cmpi sgt, %select_n3A_34, %sign3A_37 : vector<128x16xi32>
    %sign3A_39 = arith.extui %sign3A_38 : vector<128x16xi1> to vector<128x16xi32>
    %sign3A_40 = arith.constant 0 : i32
    %sign3A_41 = vector.broadcast %sign3A_40 : i32 to vector<128x16xi32>
    %sign3A_42 = arith.cmpi slt, %select_n3A_34, %sign3A_41 : vector<128x16xi32>
    %sign3A_43 = arith.extui %sign3A_42 : vector<128x16xi1> to vector<128x16xi32>
    %sign3A_44 = arith.subi %sign3A_39, %sign3A_43 : vector<128x16xi32>
    %sign3A_45 = arith.constant 0 : i32
    %sign3A_46 = arith.cmpi sgt, %jit3A_35, %sign3A_45 : i32
    %sign3A_47 = arith.extui %sign3A_46 : i1 to i32
    %sign3A_48 = arith.constant 0 : i32
    %sign3A_49 = arith.cmpi slt, %jit3A_35, %sign3A_48 : i32
    %sign3A_50 = arith.extui %sign3A_49 : i1 to i32
    %sign3A_51 = arith.subi %sign3A_47, %sign3A_50 : i32
    %ne3A_52 = vector.broadcast %sign3A_51 : i32 to vector<128x16xi32>
    %ne3A_53 = arith.cmpi ne, %sign3A_44, %ne3A_52 : vector<128x16xi32>
    %rem3A_54 = vector.broadcast %jit3A_35 : i32 to vector<128x16xi32>
    %rem3A_55 = arith.remsi %select_n3A_34, %rem3A_54 : vector<128x16xi32>
    %ne3A_56 = arith.constant 0 : i32
    %ne3A_57 = vector.broadcast %ne3A_56 : i32 to vector<128x16xi32>
    %ne3A_58 = arith.cmpi ne, %rem3A_55, %ne3A_57 : vector<128x16xi32>
    %and3A_59 = arith.andi %ne3A_53, %ne3A_58 : vector<128x16xi1>
    %sub3A = arith.constant 1 : i32
    %sub3A_60 = vector.broadcast %sub3A : i32 to vector<128x16xi32>
    %sub3A_61 = arith.subi %div3A_36, %sub3A_60 : vector<128x16xi32>
    %select_n3A_62 = arith.select %and3A_59, %sub3A_61, %div3A_36 : vector<128x16xi1>, vector<128x16xi32>
    %add3A_63 = arith.constant 0 : i32
    %add3A_64 = vector.broadcast %add3A_63 : i32 to vector<128x16xi32>
    %add3A_65 = arith.addi %select_n3A_62, %add3A_64 : vector<128x16xi32>
    %jit3A_66 = arith.constant 64 : i32
    %div3A_67 = vector.broadcast %jit3A_66 : i32 to vector<128x16xi32>
    %div3A_68 = arith.divsi %iota3A, %div3A_67 : vector<128x16xi32>
    %sign3A_69 = arith.constant 0 : i32
    %sign3A_70 = vector.broadcast %sign3A_69 : i32 to vector<128x16xi32>
    %sign3A_71 = arith.cmpi sgt, %iota3A, %sign3A_70 : vector<128x16xi32>
    %sign3A_72 = arith.extui %sign3A_71 : vector<128x16xi1> to vector<128x16xi32>
    %sign3A_73 = arith.constant 0 : i32
    %sign3A_74 = vector.broadcast %sign3A_73 : i32 to vector<128x16xi32>
    %sign3A_75 = arith.cmpi slt, %iota3A, %sign3A_74 : vector<128x16xi32>
    %sign3A_76 = arith.extui %sign3A_75 : vector<128x16xi1> to vector<128x16xi32>
    %sign3A_77 = arith.subi %sign3A_72, %sign3A_76 : vector<128x16xi32>
    %sign3A_78 = arith.constant 0 : i32
    %sign3A_79 = arith.cmpi sgt, %jit3A_66, %sign3A_78 : i32
    %sign3A_80 = arith.extui %sign3A_79 : i1 to i32
    %sign3A_81 = arith.constant 0 : i32
    %sign3A_82 = arith.cmpi slt, %jit3A_66, %sign3A_81 : i32
    %sign3A_83 = arith.extui %sign3A_82 : i1 to i32
    %sign3A_84 = arith.subi %sign3A_80, %sign3A_83 : i32
    %ne3A_85 = vector.broadcast %sign3A_84 : i32 to vector<128x16xi32>
    %ne3A_86 = arith.cmpi ne, %sign3A_77, %ne3A_85 : vector<128x16xi32>
    %rem3A_87 = vector.broadcast %jit3A_66 : i32 to vector<128x16xi32>
    %rem3A_88 = arith.remsi %iota3A, %rem3A_87 : vector<128x16xi32>
    %ne3A_89 = arith.constant 0 : i32
    %ne3A_90 = vector.broadcast %ne3A_89 : i32 to vector<128x16xi32>
    %ne3A_91 = arith.cmpi ne, %rem3A_88, %ne3A_90 : vector<128x16xi32>
    %and3A_92 = arith.andi %ne3A_86, %ne3A_91 : vector<128x16xi1>
    %sub3A_93 = arith.constant 1 : i32
    %sub3A_94 = vector.broadcast %sub3A_93 : i32 to vector<128x16xi32>
    %sub3A_95 = arith.subi %div3A_68, %sub3A_94 : vector<128x16xi32>
    %select_n3A_96 = arith.select %and3A_92, %sub3A_95, %div3A_68 : vector<128x16xi1>, vector<128x16xi32>
    %mul3A = arith.constant 8 : i32
    %mul3A_97 = vector.broadcast %mul3A : i32 to vector<128x16xi32>
    %mul3A_98 = arith.muli %mul3A_97, %select_n3A_96 : vector<128x16xi32>
    %add3A_99 = arith.addi %add3A_65, %mul3A_98 : vector<128x16xi32>
    %eq3A_100 = arith.cmpi eq, %add3A_99, %iota3A_19 : vector<128x16xi32>
    %convert_element_type3A = arith.extui %eq3A_100 : vector<128x16xi1> to vector<128x16xi32>
    %convert_element_type3A_101 = arith.sitofp %convert_element_type3A : vector<128x16xi32> to vector<128x16xf32>
    %iota3A_102 = tpu.iota {dimensions = array<i32: 0>} : vector<128x16xi32>
    %iota3A_103 = tpu.iota {dimensions = array<i32: 1>} : vector<128x16xi32>
    %jit3A_104 = arith.constant 64 : i32
    %eq3A_105 = arith.constant 0 : i32
    %eq3A_106 = arith.cmpi eq, %jit3A_104, %eq3A_105 : i32
    %jit3A_107 = arith.constant 1 : i32
    %select_n3A_108 = arith.select %eq3A_106, %jit3A_107, %jit3A_104 : i32
    %rem3A_109 = vector.broadcast %select_n3A_108 : i32 to vector<128x16xi32>
    %rem3A_110 = arith.remsi %iota3A_102, %rem3A_109 : vector<128x16xi32>
    %ne3A_111 = arith.constant 0 : i32
    %ne3A_112 = vector.broadcast %ne3A_111 : i32 to vector<128x16xi32>
    %ne3A_113 = arith.cmpi ne, %rem3A_110, %ne3A_112 : vector<128x16xi32>
    %lt3A_114 = arith.constant 0 : i32
    %lt3A_115 = vector.broadcast %lt3A_114 : i32 to vector<128x16xi32>
    %lt3A_116 = arith.cmpi slt, %rem3A_110, %lt3A_115 : vector<128x16xi32>
    %lt3A_117 = arith.constant 0 : i32
    %lt3A_118 = arith.cmpi slt, %select_n3A_108, %lt3A_117 : i32
    %ne3A_119 = vector.broadcast %lt3A_118 : i1 to vector<128x16xi1>
    %ne3A_120 = vector.broadcast %ne3A_119 : vector<128x16xi1> to vector<128x16xi1>
    %ne3A_121 = arith.xori %lt3A_116, %ne3A_120 : vector<128x16xi1>
    %and3A_122 = arith.andi %ne3A_121, %ne3A_113 : vector<128x16xi1>
    %add3A_123 = vector.broadcast %select_n3A_108 : i32 to vector<128x16xi32>
    %add3A_124 = arith.addi %rem3A_110, %add3A_123 : vector<128x16xi32>
    %select_n3A_125 = arith.select %and3A_122, %add3A_124, %rem3A_110 : vector<128x16xi1>, vector<128x16xi32>
    %jit3A_126 = arith.constant 16 : i32
    %div3A_127 = vector.broadcast %jit3A_126 : i32 to vector<128x16xi32>
    %div3A_128 = arith.divsi %select_n3A_125, %div3A_127 : vector<128x16xi32>
    %sign3A_129 = arith.constant 0 : i32
    %sign3A_130 = vector.broadcast %sign3A_129 : i32 to vector<128x16xi32>
    %sign3A_131 = arith.cmpi sgt, %select_n3A_125, %sign3A_130 : vector<128x16xi32>
    %sign3A_132 = arith.extui %sign3A_131 : vector<128x16xi1> to vector<128x16xi32>
    %sign3A_133 = arith.constant 0 : i32
    %sign3A_134 = vector.broadcast %sign3A_133 : i32 to vector<128x16xi32>
    %sign3A_135 = arith.cmpi slt, %select_n3A_125, %sign3A_134 : vector<128x16xi32>
    %sign3A_136 = arith.extui %sign3A_135 : vector<128x16xi1> to vector<128x16xi32>
    %sign3A_137 = arith.subi %sign3A_132, %sign3A_136 : vector<128x16xi32>
    %sign3A_138 = arith.constant 0 : i32
    %sign3A_139 = arith.cmpi sgt, %jit3A_126, %sign3A_138 : i32
    %sign3A_140 = arith.extui %sign3A_139 : i1 to i32
    %sign3A_141 = arith.constant 0 : i32
    %sign3A_142 = arith.cmpi slt, %jit3A_126, %sign3A_141 : i32
    %sign3A_143 = arith.extui %sign3A_142 : i1 to i32
    %sign3A_144 = arith.subi %sign3A_140, %sign3A_143 : i32
    %ne3A_145 = vector.broadcast %sign3A_144 : i32 to vector<128x16xi32>
    %ne3A_146 = arith.cmpi ne, %sign3A_137, %ne3A_145 : vector<128x16xi32>
    %rem3A_147 = vector.broadcast %jit3A_126 : i32 to vector<128x16xi32>
    %rem3A_148 = arith.remsi %select_n3A_125, %rem3A_147 : vector<128x16xi32>
    %ne3A_149 = arith.constant 0 : i32
    %ne3A_150 = vector.broadcast %ne3A_149 : i32 to vector<128x16xi32>
    %ne3A_151 = arith.cmpi ne, %rem3A_148, %ne3A_150 : vector<128x16xi32>
    %and3A_152 = arith.andi %ne3A_146, %ne3A_151 : vector<128x16xi1>
    %sub3A_153 = arith.constant 1 : i32
    %sub3A_154 = vector.broadcast %sub3A_153 : i32 to vector<128x16xi32>
    %sub3A_155 = arith.subi %div3A_128, %sub3A_154 : vector<128x16xi32>
    %select_n3A_156 = arith.select %and3A_152, %sub3A_155, %div3A_128 : vector<128x16xi1>, vector<128x16xi32>
    %add3A_157 = arith.constant 4 : i32
    %add3A_158 = vector.broadcast %add3A_157 : i32 to vector<128x16xi32>
    %add3A_159 = arith.addi %select_n3A_156, %add3A_158 : vector<128x16xi32>
    %jit3A_160 = arith.constant 64 : i32
    %div3A_161 = vector.broadcast %jit3A_160 : i32 to vector<128x16xi32>
    %div3A_162 = arith.divsi %iota3A_102, %div3A_161 : vector<128x16xi32>
    %sign3A_163 = arith.constant 0 : i32
    %sign3A_164 = vector.broadcast %sign3A_163 : i32 to vector<128x16xi32>
    %sign3A_165 = arith.cmpi sgt, %iota3A_102, %sign3A_164 : vector<128x16xi32>
    %sign3A_166 = arith.extui %sign3A_165 : vector<128x16xi1> to vector<128x16xi32>
    %sign3A_167 = arith.constant 0 : i32
    %sign3A_168 = vector.broadcast %sign3A_167 : i32 to vector<128x16xi32>
    %sign3A_169 = arith.cmpi slt, %iota3A_102, %sign3A_168 : vector<128x16xi32>
    %sign3A_170 = arith.extui %sign3A_169 : vector<128x16xi1> to vector<128x16xi32>
    %sign3A_171 = arith.subi %sign3A_166, %sign3A_170 : vector<128x16xi32>
    %sign3A_172 = arith.constant 0 : i32
    %sign3A_173 = arith.cmpi sgt, %jit3A_160, %sign3A_172 : i32
    %sign3A_174 = arith.extui %sign3A_173 : i1 to i32
    %sign3A_175 = arith.constant 0 : i32
    %sign3A_176 = arith.cmpi slt, %jit3A_160, %sign3A_175 : i32
    %sign3A_177 = arith.extui %sign3A_176 : i1 to i32
    %sign3A_178 = arith.subi %sign3A_174, %sign3A_177 : i32
    %ne3A_179 = vector.broadcast %sign3A_178 : i32 to vector<128x16xi32>
    %ne3A_180 = arith.cmpi ne, %sign3A_171, %ne3A_179 : vector<128x16xi32>
    %rem3A_181 = vector.broadcast %jit3A_160 : i32 to vector<128x16xi32>
    %rem3A_182 = arith.remsi %iota3A_102, %rem3A_181 : vector<128x16xi32>
    %ne3A_183 = arith.constant 0 : i32
    %ne3A_184 = vector.broadcast %ne3A_183 : i32 to vector<128x16xi32>
    %ne3A_185 = arith.cmpi ne, %rem3A_182, %ne3A_184 : vector<128x16xi32>
    %and3A_186 = arith.andi %ne3A_180, %ne3A_185 : vector<128x16xi1>
    %sub3A_187 = arith.constant 1 : i32
    %sub3A_188 = vector.broadcast %sub3A_187 : i32 to vector<128x16xi32>
    %sub3A_189 = arith.subi %div3A_162, %sub3A_188 : vector<128x16xi32>
    %select_n3A_190 = arith.select %and3A_186, %sub3A_189, %div3A_162 : vector<128x16xi1>, vector<128x16xi32>
    %mul3A_191 = arith.constant 8 : i32
    %mul3A_192 = vector.broadcast %mul3A_191 : i32 to vector<128x16xi32>
    %mul3A_193 = arith.muli %mul3A_192, %select_n3A_190 : vector<128x16xi32>
    %add3A_194 = arith.addi %add3A_159, %mul3A_193 : vector<128x16xi32>
    %eq3A_195 = arith.cmpi eq, %add3A_194, %iota3A_103 : vector<128x16xi32>
    %convert_element_type3A_196 = arith.extui %eq3A_195 : vector<128x16xi1> to vector<128x16xi32>
    %convert_element_type3A_197 = arith.sitofp %convert_element_type3A_196 : vector<128x16xi32> to vector<128x16xf32>
    %convert_element_type3A_198 = arith.truncf %convert_element_type3A_101 : vector<128x16xf32> to vector<128x16xbf16>
    %convert_element_type3A_199 = arith.truncf %convert_element_type3A_197 : vector<128x16xf32> to vector<128x16xbf16>
    %mul3A_200 = arith.constant 1.44269502 : f32
    %mul3A_201 = vector.broadcast %mul3A_200 : f32 to vector<128x16xf32>
    %mul3A_202 = arith.mulf %convert_element_type3A_101, %mul3A_201 : vector<128x16xf32>
    %convert_element_type3A_203 = arith.truncf %mul3A_202 : vector<128x16xf32> to vector<128x16xbf16>
    %mul3A_204 = arith.constant 1.44269502 : f32
    %mul3A_205 = vector.broadcast %mul3A_204 : f32 to vector<128x16xf32>
    %mul3A_206 = arith.mulf %convert_element_type3A_197, %mul3A_205 : vector<128x16xf32>
    %convert_element_type3A_207 = arith.truncf %mul3A_206 : vector<128x16xf32> to vector<128x16xbf16>
    %iota3A_208 = tpu.iota {dimensions = array<i32: 0>} : vector<16x16xi32>
    %iota3A_209 = tpu.iota {dimensions = array<i32: 1>} : vector<16x16xi32>
    %jit3A_210 = arith.constant 8 : i32
    %div3A_211 = vector.broadcast %jit3A_210 : i32 to vector<16x16xi32>
    %div3A_212 = arith.divsi %iota3A_208, %div3A_211 : vector<16x16xi32>
    %sign3A_213 = arith.constant 0 : i32
    %sign3A_214 = vector.broadcast %sign3A_213 : i32 to vector<16x16xi32>
    %sign3A_215 = arith.cmpi sgt, %iota3A_208, %sign3A_214 : vector<16x16xi32>
    %sign3A_216 = arith.extui %sign3A_215 : vector<16x16xi1> to vector<16x16xi32>
    %sign3A_217 = arith.constant 0 : i32
    %sign3A_218 = vector.broadcast %sign3A_217 : i32 to vector<16x16xi32>
    %sign3A_219 = arith.cmpi slt, %iota3A_208, %sign3A_218 : vector<16x16xi32>
    %sign3A_220 = arith.extui %sign3A_219 : vector<16x16xi1> to vector<16x16xi32>
    %sign3A_221 = arith.subi %sign3A_216, %sign3A_220 : vector<16x16xi32>
    %sign3A_222 = arith.constant 0 : i32
    %sign3A_223 = arith.cmpi sgt, %jit3A_210, %sign3A_222 : i32
    %sign3A_224 = arith.extui %sign3A_223 : i1 to i32
    %sign3A_225 = arith.constant 0 : i32
    %sign3A_226 = arith.cmpi slt, %jit3A_210, %sign3A_225 : i32
    %sign3A_227 = arith.extui %sign3A_226 : i1 to i32
    %sign3A_228 = arith.subi %sign3A_224, %sign3A_227 : i32
    %ne3A_229 = vector.broadcast %sign3A_228 : i32 to vector<16x16xi32>
    %ne3A_230 = arith.cmpi ne, %sign3A_221, %ne3A_229 : vector<16x16xi32>
    %rem3A_231 = vector.broadcast %jit3A_210 : i32 to vector<16x16xi32>
    %rem3A_232 = arith.remsi %iota3A_208, %rem3A_231 : vector<16x16xi32>
    %ne3A_233 = arith.constant 0 : i32
    %ne3A_234 = vector.broadcast %ne3A_233 : i32 to vector<16x16xi32>
    %ne3A_235 = arith.cmpi ne, %rem3A_232, %ne3A_234 : vector<16x16xi32>
    %and3A_236 = arith.andi %ne3A_230, %ne3A_235 : vector<16x16xi1>
    %sub3A_237 = arith.constant 1 : i32
    %sub3A_238 = vector.broadcast %sub3A_237 : i32 to vector<16x16xi32>
    %sub3A_239 = arith.subi %div3A_212, %sub3A_238 : vector<16x16xi32>
    %select_n3A_240 = arith.select %and3A_236, %sub3A_239, %div3A_212 : vector<16x16xi1>, vector<16x16xi32>
    %jit3A_241 = arith.constant 8 : i32
    %div3A_242 = vector.broadcast %jit3A_241 : i32 to vector<16x16xi32>
    %div3A_243 = arith.divsi %iota3A_209, %div3A_242 : vector<16x16xi32>
    %sign3A_244 = arith.constant 0 : i32
    %sign3A_245 = vector.broadcast %sign3A_244 : i32 to vector<16x16xi32>
    %sign3A_246 = arith.cmpi sgt, %iota3A_209, %sign3A_245 : vector<16x16xi32>
    %sign3A_247 = arith.extui %sign3A_246 : vector<16x16xi1> to vector<16x16xi32>
    %sign3A_248 = arith.constant 0 : i32
    %sign3A_249 = vector.broadcast %sign3A_248 : i32 to vector<16x16xi32>
    %sign3A_250 = arith.cmpi slt, %iota3A_209, %sign3A_249 : vector<16x16xi32>
    %sign3A_251 = arith.extui %sign3A_250 : vector<16x16xi1> to vector<16x16xi32>
    %sign3A_252 = arith.subi %sign3A_247, %sign3A_251 : vector<16x16xi32>
    %sign3A_253 = arith.constant 0 : i32
    %sign3A_254 = arith.cmpi sgt, %jit3A_241, %sign3A_253 : i32
    %sign3A_255 = arith.extui %sign3A_254 : i1 to i32
    %sign3A_256 = arith.constant 0 : i32
    %sign3A_257 = arith.cmpi slt, %jit3A_241, %sign3A_256 : i32
    %sign3A_258 = arith.extui %sign3A_257 : i1 to i32
    %sign3A_259 = arith.subi %sign3A_255, %sign3A_258 : i32
    %ne3A_260 = vector.broadcast %sign3A_259 : i32 to vector<16x16xi32>
    %ne3A_261 = arith.cmpi ne, %sign3A_252, %ne3A_260 : vector<16x16xi32>
    %rem3A_262 = vector.broadcast %jit3A_241 : i32 to vector<16x16xi32>
    %rem3A_263 = arith.remsi %iota3A_209, %rem3A_262 : vector<16x16xi32>
    %ne3A_264 = arith.constant 0 : i32
    %ne3A_265 = vector.broadcast %ne3A_264 : i32 to vector<16x16xi32>
    %ne3A_266 = arith.cmpi ne, %rem3A_263, %ne3A_265 : vector<16x16xi32>
    %and3A_267 = arith.andi %ne3A_261, %ne3A_266 : vector<16x16xi1>
    %sub3A_268 = arith.constant 1 : i32
    %sub3A_269 = vector.broadcast %sub3A_268 : i32 to vector<16x16xi32>
    %sub3A_270 = arith.subi %div3A_243, %sub3A_269 : vector<16x16xi32>
    %select_n3A_271 = arith.select %and3A_267, %sub3A_270, %div3A_243 : vector<16x16xi1>, vector<16x16xi32>
    %eq3A_272 = arith.cmpi eq, %select_n3A_240, %select_n3A_271 : vector<16x16xi32>
    %convert_element_type3A_273 = arith.extui %eq3A_272 : vector<16x16xi1> to vector<16x16xi32>
    %convert_element_type3A_274 = arith.sitofp %convert_element_type3A_273 : vector<16x16xi32> to vector<16x16xf32>
    %reshape3A = vector.shape_cast %bitcast_convert_type3A : vector<32x200x128xf32> to vector<6400x128xf32>
    %reshape3A_275 = vector.shape_cast %bitcast_convert_type3A_10 : vector<32x200x128xf32> to vector<6400x128xf32>
    %reduce_sum3A = arith.constant dense<0.000000e+00> : vector<200x128xf32>
    %reduce_sum3A_276 = vector.multi_reduction <add>, %bitcast_convert_type3A, %reduce_sum3A [0] : vector<32x200x128xf32> to vector<200x128xf32>
    %mul3A_277 = arith.constant 1.250000e-01 : f32
    %mul3A_278 = vector.broadcast %mul3A_277 : f32 to vector<200x128xf32>
    %mul3A_279 = arith.mulf %reduce_sum3A_276, %mul3A_278 : vector<200x128xf32>
    %add3A_280 = arith.addf %mul3A_279, %bitcast_convert_type3A_14 : vector<200x128xf32>
    %reduce_sum3A_281 = arith.constant dense<0.000000e+00> : vector<200x128xf32>
    %reduce_sum3A_282 = vector.multi_reduction <add>, %bitcast_convert_type3A_10, %reduce_sum3A_281 [0] : vector<32x200x128xf32> to vector<200x128xf32>
    %mul3A_283 = arith.constant 1.250000e-01 : f32
    %mul3A_284 = vector.broadcast %mul3A_283 : f32 to vector<200x128xf32>
    %mul3A_285 = arith.mulf %reduce_sum3A_282, %mul3A_284 : vector<200x128xf32>
    %add3A_286 = arith.addf %mul3A_285, %bitcast_convert_type3A_18 : vector<200x128xf32>
    %mul3A_287 = arith.mulf %add3A_280, %add3A_280 : vector<200x128xf32>
    %dot_general3A = arith.constant dense<0.000000e+00> : vector<200x16xf32>
    %dot_general3A_288 = tpu.matmul %mul3A_287, %convert_element_type3A_101, %dot_general3A {dimension_numbers = #tpu.dot_dimension_numbers<[1], [0], [0], [1], [0, 0, 1, 1], [], []>, transpose_lhs_hint = false} : vector<200x128xf32>, vector<128x16xf32>, vector<200x16xf32> -> vector<200x16xf32>
    %mul3A_289 = arith.mulf %add3A_286, %add3A_286 : vector<200x128xf32>
    %dot_general3A_290 = arith.constant dense<0.000000e+00> : vector<200x16xf32>
    %dot_general3A_291 = tpu.matmul %mul3A_289, %convert_element_type3A_197, %dot_general3A_290 {dimension_numbers = #tpu.dot_dimension_numbers<[1], [0], [0], [1], [0, 0, 1, 1], [], []>, transpose_lhs_hint = false} : vector<200x128xf32>, vector<128x16xf32>, vector<200x16xf32> -> vector<200x16xf32>
    %add3A_292 = arith.addf %dot_general3A_288, %dot_general3A_291 : vector<200x16xf32>
    %max3A = arith.constant 1.000000e-24 : f32
    %max3A_293 = vector.broadcast %max3A : f32 to vector<200x16xf32>
    %max3A_294 = arith.maximumf %add3A_292, %max3A_293 : vector<200x16xf32>
    %rsqrt3A = math.rsqrt %max3A_294 : vector<200x16xf32>
    %transpose3A = tpu.transpose %convert_element_type3A_101, [1, 0] : vector<128x16xf32> -> vector<16x128xf32>
    %dot_general3A_295 = arith.constant dense<0.000000e+00> : vector<200x128xf32>
    %dot_general3A_296 = tpu.matmul %rsqrt3A, %transpose3A, %dot_general3A_295 {dimension_numbers = #tpu.dot_dimension_numbers<[1], [0], [0], [1], [0, 0, 1, 1], [], []>, transpose_lhs_hint = false} : vector<200x16xf32>, vector<16x128xf32>, vector<200x128xf32> -> vector<200x128xf32>
    %mul3A_297 = arith.mulf %add3A_280, %dot_general3A_296 : vector<200x128xf32>
    %transpose3A_298 = tpu.transpose %convert_element_type3A_197, [1, 0] : vector<128x16xf32> -> vector<16x128xf32>
    %dot_general3A_299 = arith.constant dense<0.000000e+00> : vector<200x128xf32>
    %dot_general3A_300 = tpu.matmul %rsqrt3A, %transpose3A_298, %dot_general3A_299 {dimension_numbers = #tpu.dot_dimension_numbers<[1], [0], [0], [1], [0, 0, 1, 1], [], []>, transpose_lhs_hint = false} : vector<200x16xf32>, vector<16x128xf32>, vector<200x128xf32> -> vector<200x128xf32>
    %mul3A_301 = arith.mulf %add3A_286, %dot_general3A_300 : vector<200x128xf32>
    %broadcast_in_dim3A = vector.shape_cast %mul3A_297 : vector<200x128xf32> to vector<1x200x128xf32>
    %mul3A_302 = vector.broadcast %broadcast_in_dim3A : vector<1x200x128xf32> to vector<32x200x128xf32>
    %mul3A_303 = arith.mulf %bitcast_convert_type3A, %mul3A_302 : vector<32x200x128xf32>
    %reshape3A_304 = vector.shape_cast %mul3A_303 : vector<32x200x128xf32> to vector<6400x128xf32>
    %convert_element_type3A_305 = arith.truncf %reshape3A_304 : vector<6400x128xf32> to vector<6400x128xbf16>
    %broadcast_in_dim3A_306 = vector.shape_cast %mul3A_301 : vector<200x128xf32> to vector<1x200x128xf32>
    %mul3A_307 = vector.broadcast %broadcast_in_dim3A_306 : vector<1x200x128xf32> to vector<32x200x128xf32>
    %mul3A_308 = arith.mulf %bitcast_convert_type3A_10, %mul3A_307 : vector<32x200x128xf32>
    %reshape3A_309 = vector.shape_cast %mul3A_308 : vector<32x200x128xf32> to vector<6400x128xf32>
    %convert_element_type3A_310 = arith.truncf %reshape3A_309 : vector<6400x128xf32> to vector<6400x128xbf16>
    %dot_general3A_311 = arith.constant dense<0.000000e+00> : vector<6400x16xf32>
    %dot_general3A_312 = tpu.matmul %convert_element_type3A_305, %convert_element_type3A_203, %dot_general3A_311 {dimension_numbers = #tpu.dot_dimension_numbers<[1], [0], [0], [1], [0, 0, 1, 1], [], []>, transpose_lhs_hint = false} : vector<6400x128xbf16>, vector<128x16xbf16>, vector<6400x16xf32> -> vector<6400x16xf32>
    %dot_general3A_313 = arith.constant dense<0.000000e+00> : vector<6400x16xf32>
    %dot_general3A_314 = tpu.matmul %convert_element_type3A_310, %convert_element_type3A_207, %dot_general3A_313 {dimension_numbers = #tpu.dot_dimension_numbers<[1], [0], [0], [1], [0, 0, 1, 1], [], []>, transpose_lhs_hint = false} : vector<6400x128xbf16>, vector<128x16xbf16>, vector<6400x16xf32> -> vector<6400x16xf32>
    %add3A_315 = arith.addf %dot_general3A_312, %dot_general3A_314 : vector<6400x16xf32>
    %exp23A = math.exp2 %add3A_315 : vector<6400x16xf32>
    %dot_general3A_316 = arith.constant dense<0.000000e+00> : vector<6400x16xf32>
    %dot_general3A_317 = tpu.matmul %exp23A, %convert_element_type3A_274, %dot_general3A_316 {dimension_numbers = #tpu.dot_dimension_numbers<[1], [0], [0], [1], [0, 0, 1, 1], [], []>, transpose_lhs_hint = false} : vector<6400x16xf32>, vector<16x16xf32>, vector<6400x16xf32> -> vector<6400x16xf32>
    %div3A_318 = arith.divf %exp23A, %dot_general3A_317 : vector<6400x16xf32>
    %convert_element_type3A_319 = arith.truncf %div3A_318 : vector<6400x16xf32> to vector<6400x16xbf16>
    %transpose3A_320 = tpu.transpose %convert_element_type3A_198, [1, 0] : vector<128x16xbf16> -> vector<16x128xbf16>
    %dot_general3A_321 = arith.constant dense<0.000000e+00> : vector<6400x128xf32>
    %dot_general3A_322 = tpu.matmul %convert_element_type3A_319, %transpose3A_320, %dot_general3A_321 {dimension_numbers = #tpu.dot_dimension_numbers<[1], [0], [0], [1], [0, 0, 1, 1], [], []>, transpose_lhs_hint = false} : vector<6400x16xbf16>, vector<16x128xbf16>, vector<6400x128xf32> -> vector<6400x128xf32>
    %transpose3A_323 = tpu.transpose %convert_element_type3A_199, [1, 0] : vector<128x16xbf16> -> vector<16x128xbf16>
    %dot_general3A_324 = arith.constant dense<0.000000e+00> : vector<6400x128xf32>
    %dot_general3A_325 = tpu.matmul %convert_element_type3A_319, %transpose3A_323, %dot_general3A_324 {dimension_numbers = #tpu.dot_dimension_numbers<[1], [0], [0], [1], [0, 0, 1, 1], [], []>, transpose_lhs_hint = false} : vector<6400x16xbf16>, vector<16x128xbf16>, vector<6400x128xf32> -> vector<6400x128xf32>
    %mul3A_326 = arith.mulf %reshape3A, %dot_general3A_322 : vector<6400x128xf32>
    %reshape3A_327 = vector.shape_cast %mul3A_326 : vector<6400x128xf32> to vector<32x200x128xf32>
    %reduce_sum3A_328 = arith.constant dense<0.000000e+00> : vector<200x128xf32>
    %reduce_sum3A_329 = vector.multi_reduction <add>, %reshape3A_327, %reduce_sum3A_328 [0] : vector<32x200x128xf32> to vector<200x128xf32>
    %add3A_330 = arith.addf %reduce_sum3A_329, %bitcast_convert_type3A_14 : vector<200x128xf32>
    %mul3A_331 = arith.mulf %reshape3A_275, %dot_general3A_325 : vector<6400x128xf32>
    %reshape3A_332 = vector.shape_cast %mul3A_331 : vector<6400x128xf32> to vector<32x200x128xf32>
    %reduce_sum3A_333 = arith.constant dense<0.000000e+00> : vector<200x128xf32>
    %reduce_sum3A_334 = vector.multi_reduction <add>, %reshape3A_332, %reduce_sum3A_333 [0] : vector<32x200x128xf32> to vector<200x128xf32>
    %add3A_335 = arith.addf %reduce_sum3A_334, %bitcast_convert_type3A_18 : vector<200x128xf32>
    %mul3A_336 = arith.mulf %add3A_330, %add3A_330 : vector<200x128xf32>
    %dot_general3A_337 = arith.constant dense<0.000000e+00> : vector<200x16xf32>
    %dot_general3A_338 = tpu.matmul %mul3A_336, %convert_element_type3A_101, %dot_general3A_337 {dimension_numbers = #tpu.dot_dimension_numbers<[1], [0], [0], [1], [0, 0, 1, 1], [], []>, transpose_lhs_hint = false} : vector<200x128xf32>, vector<128x16xf32>, vector<200x16xf32> -> vector<200x16xf32>
    %mul3A_339 = arith.mulf %add3A_335, %add3A_335 : vector<200x128xf32>
    %dot_general3A_340 = arith.constant dense<0.000000e+00> : vector<200x16xf32>
    %dot_general3A_341 = tpu.matmul %mul3A_339, %convert_element_type3A_197, %dot_general3A_340 {dimension_numbers = #tpu.dot_dimension_numbers<[1], [0], [0], [1], [0, 0, 1, 1], [], []>, transpose_lhs_hint = false} : vector<200x128xf32>, vector<128x16xf32>, vector<200x16xf32> -> vector<200x16xf32>
    %add3A_342 = arith.addf %dot_general3A_338, %dot_general3A_341 : vector<200x16xf32>
    %max3A_343 = arith.constant 1.000000e-24 : f32
    %max3A_344 = vector.broadcast %max3A_343 : f32 to vector<200x16xf32>
    %max3A_345 = arith.maximumf %add3A_342, %max3A_344 : vector<200x16xf32>
    %rsqrt3A_346 = math.rsqrt %max3A_345 : vector<200x16xf32>
    %transpose3A_347 = tpu.transpose %convert_element_type3A_101, [1, 0] : vector<128x16xf32> -> vector<16x128xf32>
    %dot_general3A_348 = arith.constant dense<0.000000e+00> : vector<200x128xf32>
    %dot_general3A_349 = tpu.matmul %rsqrt3A_346, %transpose3A_347, %dot_general3A_348 {dimension_numbers = #tpu.dot_dimension_numbers<[1], [0], [0], [1], [0, 0, 1, 1], [], []>, transpose_lhs_hint = false} : vector<200x16xf32>, vector<16x128xf32>, vector<200x128xf32> -> vector<200x128xf32>
    %mul3A_350 = arith.mulf %add3A_330, %dot_general3A_349 : vector<200x128xf32>
    %transpose3A_351 = tpu.transpose %convert_element_type3A_197, [1, 0] : vector<128x16xf32> -> vector<16x128xf32>
    %dot_general3A_352 = arith.constant dense<0.000000e+00> : vector<200x128xf32>
    %dot_general3A_353 = tpu.matmul %rsqrt3A_346, %transpose3A_351, %dot_general3A_352 {dimension_numbers = #tpu.dot_dimension_numbers<[1], [0], [0], [1], [0, 0, 1, 1], [], []>, transpose_lhs_hint = false} : vector<200x16xf32>, vector<16x128xf32>, vector<200x128xf32> -> vector<200x128xf32>
    %mul3A_354 = arith.mulf %add3A_335, %dot_general3A_353 : vector<200x128xf32>
    %broadcast_in_dim3A_355 = vector.shape_cast %mul3A_350 : vector<200x128xf32> to vector<1x200x128xf32>
    %mul3A_356 = vector.broadcast %broadcast_in_dim3A_355 : vector<1x200x128xf32> to vector<32x200x128xf32>
    %mul3A_357 = arith.mulf %bitcast_convert_type3A, %mul3A_356 : vector<32x200x128xf32>
    %reshape3A_358 = vector.shape_cast %mul3A_357 : vector<32x200x128xf32> to vector<6400x128xf32>
    %convert_element_type3A_359 = arith.truncf %reshape3A_358 : vector<6400x128xf32> to vector<6400x128xbf16>
    %broadcast_in_dim3A_360 = vector.shape_cast %mul3A_354 : vector<200x128xf32> to vector<1x200x128xf32>
    %mul3A_361 = vector.broadcast %broadcast_in_dim3A_360 : vector<1x200x128xf32> to vector<32x200x128xf32>
    %mul3A_362 = arith.mulf %bitcast_convert_type3A_10, %mul3A_361 : vector<32x200x128xf32>
    %reshape3A_363 = vector.shape_cast %mul3A_362 : vector<32x200x128xf32> to vector<6400x128xf32>
    %convert_element_type3A_364 = arith.truncf %reshape3A_363 : vector<6400x128xf32> to vector<6400x128xbf16>
    %dot_general3A_365 = arith.constant dense<0.000000e+00> : vector<6400x16xf32>
    %dot_general3A_366 = tpu.matmul %convert_element_type3A_359, %convert_element_type3A_203, %dot_general3A_365 {dimension_numbers = #tpu.dot_dimension_numbers<[1], [0], [0], [1], [0, 0, 1, 1], [], []>, transpose_lhs_hint = false} : vector<6400x128xbf16>, vector<128x16xbf16>, vector<6400x16xf32> -> vector<6400x16xf32>
    %dot_general3A_367 = arith.constant dense<0.000000e+00> : vector<6400x16xf32>
    %dot_general3A_368 = tpu.matmul %convert_element_type3A_364, %convert_element_type3A_207, %dot_general3A_367 {dimension_numbers = #tpu.dot_dimension_numbers<[1], [0], [0], [1], [0, 0, 1, 1], [], []>, transpose_lhs_hint = false} : vector<6400x128xbf16>, vector<128x16xbf16>, vector<6400x16xf32> -> vector<6400x16xf32>
    %add3A_369 = arith.addf %dot_general3A_366, %dot_general3A_368 : vector<6400x16xf32>
    %exp23A_370 = math.exp2 %add3A_369 : vector<6400x16xf32>
    %dot_general3A_371 = arith.constant dense<0.000000e+00> : vector<6400x16xf32>
    %dot_general3A_372 = tpu.matmul %exp23A_370, %convert_element_type3A_274, %dot_general3A_371 {dimension_numbers = #tpu.dot_dimension_numbers<[1], [0], [0], [1], [0, 0, 1, 1], [], []>, transpose_lhs_hint = false} : vector<6400x16xf32>, vector<16x16xf32>, vector<6400x16xf32> -> vector<6400x16xf32>
    %div3A_373 = arith.divf %exp23A_370, %dot_general3A_372 : vector<6400x16xf32>
    %convert_element_type3A_374 = arith.truncf %div3A_373 : vector<6400x16xf32> to vector<6400x16xbf16>
    %transpose3A_375 = tpu.transpose %convert_element_type3A_198, [1, 0] : vector<128x16xbf16> -> vector<16x128xbf16>
    %dot_general3A_376 = arith.constant dense<0.000000e+00> : vector<6400x128xf32>
    %dot_general3A_377 = tpu.matmul %convert_element_type3A_374, %transpose3A_375, %dot_general3A_376 {dimension_numbers = #tpu.dot_dimension_numbers<[1], [0], [0], [1], [0, 0, 1, 1], [], []>, transpose_lhs_hint = false} : vector<6400x16xbf16>, vector<16x128xbf16>, vector<6400x128xf32> -> vector<6400x128xf32>
    %transpose3A_378 = tpu.transpose %convert_element_type3A_199, [1, 0] : vector<128x16xbf16> -> vector<16x128xbf16>
    %dot_general3A_379 = arith.constant dense<0.000000e+00> : vector<6400x128xf32>
    %dot_general3A_380 = tpu.matmul %convert_element_type3A_374, %transpose3A_378, %dot_general3A_379 {dimension_numbers = #tpu.dot_dimension_numbers<[1], [0], [0], [1], [0, 0, 1, 1], [], []>, transpose_lhs_hint = false} : vector<6400x16xbf16>, vector<16x128xbf16>, vector<6400x128xf32> -> vector<6400x128xf32>
    %mul3A_381 = arith.mulf %reshape3A, %dot_general3A_377 : vector<6400x128xf32>
    %reshape3A_382 = vector.shape_cast %mul3A_381 : vector<6400x128xf32> to vector<32x200x128xf32>
    %reduce_sum3A_383 = arith.constant dense<0.000000e+00> : vector<200x128xf32>
    %reduce_sum3A_384 = vector.multi_reduction <add>, %reshape3A_382, %reduce_sum3A_383 [0] : vector<32x200x128xf32> to vector<200x128xf32>
    %add3A_385 = arith.addf %reduce_sum3A_384, %bitcast_convert_type3A_14 : vector<200x128xf32>
    %mul3A_386 = arith.mulf %reshape3A_275, %dot_general3A_380 : vector<6400x128xf32>
    %reshape3A_387 = vector.shape_cast %mul3A_386 : vector<6400x128xf32> to vector<32x200x128xf32>
    %reduce_sum3A_388 = arith.constant dense<0.000000e+00> : vector<200x128xf32>
    %reduce_sum3A_389 = vector.multi_reduction <add>, %reshape3A_387, %reduce_sum3A_388 [0] : vector<32x200x128xf32> to vector<200x128xf32>
    %add3A_390 = arith.addf %reduce_sum3A_389, %bitcast_convert_type3A_18 : vector<200x128xf32>
    %mul3A_391 = arith.mulf %add3A_385, %add3A_385 : vector<200x128xf32>
    %dot_general3A_392 = arith.constant dense<0.000000e+00> : vector<200x16xf32>
    %dot_general3A_393 = tpu.matmul %mul3A_391, %convert_element_type3A_101, %dot_general3A_392 {dimension_numbers = #tpu.dot_dimension_numbers<[1], [0], [0], [1], [0, 0, 1, 1], [], []>, transpose_lhs_hint = false} : vector<200x128xf32>, vector<128x16xf32>, vector<200x16xf32> -> vector<200x16xf32>
    %mul3A_394 = arith.mulf %add3A_390, %add3A_390 : vector<200x128xf32>
    %dot_general3A_395 = arith.constant dense<0.000000e+00> : vector<200x16xf32>
    %dot_general3A_396 = tpu.matmul %mul3A_394, %convert_element_type3A_197, %dot_general3A_395 {dimension_numbers = #tpu.dot_dimension_numbers<[1], [0], [0], [1], [0, 0, 1, 1], [], []>, transpose_lhs_hint = false} : vector<200x128xf32>, vector<128x16xf32>, vector<200x16xf32> -> vector<200x16xf32>
    %add3A_397 = arith.addf %dot_general3A_393, %dot_general3A_396 : vector<200x16xf32>
    %max3A_398 = arith.constant 1.000000e-24 : f32
    %max3A_399 = vector.broadcast %max3A_398 : f32 to vector<200x16xf32>
    %max3A_400 = arith.maximumf %add3A_397, %max3A_399 : vector<200x16xf32>
    %rsqrt3A_401 = math.rsqrt %max3A_400 : vector<200x16xf32>
    %transpose3A_402 = tpu.transpose %convert_element_type3A_101, [1, 0] : vector<128x16xf32> -> vector<16x128xf32>
    %dot_general3A_403 = arith.constant dense<0.000000e+00> : vector<200x128xf32>
    %dot_general3A_404 = tpu.matmul %rsqrt3A_401, %transpose3A_402, %dot_general3A_403 {dimension_numbers = #tpu.dot_dimension_numbers<[1], [0], [0], [1], [0, 0, 1, 1], [], []>, transpose_lhs_hint = false} : vector<200x16xf32>, vector<16x128xf32>, vector<200x128xf32> -> vector<200x128xf32>
    %mul3A_405 = arith.mulf %add3A_385, %dot_general3A_404 : vector<200x128xf32>
    %transpose3A_406 = tpu.transpose %convert_element_type3A_197, [1, 0] : vector<128x16xf32> -> vector<16x128xf32>
    %dot_general3A_407 = arith.constant dense<0.000000e+00> : vector<200x128xf32>
    %dot_general3A_408 = tpu.matmul %rsqrt3A_401, %transpose3A_406, %dot_general3A_407 {dimension_numbers = #tpu.dot_dimension_numbers<[1], [0], [0], [1], [0, 0, 1, 1], [], []>, transpose_lhs_hint = false} : vector<200x16xf32>, vector<16x128xf32>, vector<200x128xf32> -> vector<200x128xf32>
    %mul3A_409 = arith.mulf %add3A_390, %dot_general3A_408 : vector<200x128xf32>
    %broadcast_in_dim3A_410 = vector.shape_cast %mul3A_405 : vector<200x128xf32> to vector<1x200x128xf32>
    %mul3A_411 = vector.broadcast %broadcast_in_dim3A_410 : vector<1x200x128xf32> to vector<32x200x128xf32>
    %mul3A_412 = arith.mulf %bitcast_convert_type3A, %mul3A_411 : vector<32x200x128xf32>
    %reshape3A_413 = vector.shape_cast %mul3A_412 : vector<32x200x128xf32> to vector<6400x128xf32>
    %convert_element_type3A_414 = arith.truncf %reshape3A_413 : vector<6400x128xf32> to vector<6400x128xbf16>
    %broadcast_in_dim3A_415 = vector.shape_cast %mul3A_409 : vector<200x128xf32> to vector<1x200x128xf32>
    %mul3A_416 = vector.broadcast %broadcast_in_dim3A_415 : vector<1x200x128xf32> to vector<32x200x128xf32>
    %mul3A_417 = arith.mulf %bitcast_convert_type3A_10, %mul3A_416 : vector<32x200x128xf32>
    %reshape3A_418 = vector.shape_cast %mul3A_417 : vector<32x200x128xf32> to vector<6400x128xf32>
    %convert_element_type3A_419 = arith.truncf %reshape3A_418 : vector<6400x128xf32> to vector<6400x128xbf16>
    %dot_general3A_420 = arith.constant dense<0.000000e+00> : vector<6400x16xf32>
    %dot_general3A_421 = tpu.matmul %convert_element_type3A_414, %convert_element_type3A_203, %dot_general3A_420 {dimension_numbers = #tpu.dot_dimension_numbers<[1], [0], [0], [1], [0, 0, 1, 1], [], []>, transpose_lhs_hint = false} : vector<6400x128xbf16>, vector<128x16xbf16>, vector<6400x16xf32> -> vector<6400x16xf32>
    %dot_general3A_422 = arith.constant dense<0.000000e+00> : vector<6400x16xf32>
    %dot_general3A_423 = tpu.matmul %convert_element_type3A_419, %convert_element_type3A_207, %dot_general3A_422 {dimension_numbers = #tpu.dot_dimension_numbers<[1], [0], [0], [1], [0, 0, 1, 1], [], []>, transpose_lhs_hint = false} : vector<6400x128xbf16>, vector<128x16xbf16>, vector<6400x16xf32> -> vector<6400x16xf32>
    %add3A_424 = arith.addf %dot_general3A_421, %dot_general3A_423 : vector<6400x16xf32>
    %exp23A_425 = math.exp2 %add3A_424 : vector<6400x16xf32>
    %dot_general3A_426 = arith.constant dense<0.000000e+00> : vector<6400x16xf32>
    %dot_general3A_427 = tpu.matmul %exp23A_425, %convert_element_type3A_274, %dot_general3A_426 {dimension_numbers = #tpu.dot_dimension_numbers<[1], [0], [0], [1], [0, 0, 1, 1], [], []>, transpose_lhs_hint = false} : vector<6400x16xf32>, vector<16x16xf32>, vector<6400x16xf32> -> vector<6400x16xf32>
    %div3A_428 = arith.divf %exp23A_425, %dot_general3A_427 : vector<6400x16xf32>
    %convert_element_type3A_429 = arith.truncf %div3A_428 : vector<6400x16xf32> to vector<6400x16xbf16>
    %transpose3A_430 = tpu.transpose %convert_element_type3A_198, [1, 0] : vector<128x16xbf16> -> vector<16x128xbf16>
    %dot_general3A_431 = arith.constant dense<0.000000e+00> : vector<6400x128xf32>
    %dot_general3A_432 = tpu.matmul %convert_element_type3A_429, %transpose3A_430, %dot_general3A_431 {dimension_numbers = #tpu.dot_dimension_numbers<[1], [0], [0], [1], [0, 0, 1, 1], [], []>, transpose_lhs_hint = false} : vector<6400x16xbf16>, vector<16x128xbf16>, vector<6400x128xf32> -> vector<6400x128xf32>
    %transpose3A_433 = tpu.transpose %convert_element_type3A_199, [1, 0] : vector<128x16xbf16> -> vector<16x128xbf16>
    %dot_general3A_434 = arith.constant dense<0.000000e+00> : vector<6400x128xf32>
    %dot_general3A_435 = tpu.matmul %convert_element_type3A_429, %transpose3A_433, %dot_general3A_434 {dimension_numbers = #tpu.dot_dimension_numbers<[1], [0], [0], [1], [0, 0, 1, 1], [], []>, transpose_lhs_hint = false} : vector<6400x16xbf16>, vector<16x128xbf16>, vector<6400x128xf32> -> vector<6400x128xf32>
    %mul3A_436 = arith.mulf %reshape3A, %dot_general3A_432 : vector<6400x128xf32>
    %reshape3A_437 = vector.shape_cast %mul3A_436 : vector<6400x128xf32> to vector<32x200x128xf32>
    %reduce_sum3A_438 = arith.constant dense<0.000000e+00> : vector<200x128xf32>
    %reduce_sum3A_439 = vector.multi_reduction <add>, %reshape3A_437, %reduce_sum3A_438 [0] : vector<32x200x128xf32> to vector<200x128xf32>
    %add3A_440 = arith.addf %reduce_sum3A_439, %bitcast_convert_type3A_14 : vector<200x128xf32>
    %mul3A_441 = arith.mulf %reshape3A_275, %dot_general3A_435 : vector<6400x128xf32>
    %reshape3A_442 = vector.shape_cast %mul3A_441 : vector<6400x128xf32> to vector<32x200x128xf32>
    %reduce_sum3A_443 = arith.constant dense<0.000000e+00> : vector<200x128xf32>
    %reduce_sum3A_444 = vector.multi_reduction <add>, %reshape3A_442, %reduce_sum3A_443 [0] : vector<32x200x128xf32> to vector<200x128xf32>
    %add3A_445 = arith.addf %reduce_sum3A_444, %bitcast_convert_type3A_18 : vector<200x128xf32>
    %mul3A_446 = arith.mulf %add3A_440, %add3A_440 : vector<200x128xf32>
    %dot_general3A_447 = arith.constant dense<0.000000e+00> : vector<200x16xf32>
    %dot_general3A_448 = tpu.matmul %mul3A_446, %convert_element_type3A_101, %dot_general3A_447 {dimension_numbers = #tpu.dot_dimension_numbers<[1], [0], [0], [1], [0, 0, 1, 1], [], []>, transpose_lhs_hint = false} : vector<200x128xf32>, vector<128x16xf32>, vector<200x16xf32> -> vector<200x16xf32>
    %mul3A_449 = arith.mulf %add3A_445, %add3A_445 : vector<200x128xf32>
    %dot_general3A_450 = arith.constant dense<0.000000e+00> : vector<200x16xf32>
    %dot_general3A_451 = tpu.matmul %mul3A_449, %convert_element_type3A_197, %dot_general3A_450 {dimension_numbers = #tpu.dot_dimension_numbers<[1], [0], [0], [1], [0, 0, 1, 1], [], []>, transpose_lhs_hint = false} : vector<200x128xf32>, vector<128x16xf32>, vector<200x16xf32> -> vector<200x16xf32>
    %add3A_452 = arith.addf %dot_general3A_448, %dot_general3A_451 : vector<200x16xf32>
    %max3A_453 = arith.constant 1.000000e-24 : f32
    %max3A_454 = vector.broadcast %max3A_453 : f32 to vector<200x16xf32>
    %max3A_455 = arith.maximumf %add3A_452, %max3A_454 : vector<200x16xf32>
    %rsqrt3A_456 = math.rsqrt %max3A_455 : vector<200x16xf32>
    %transpose3A_457 = tpu.transpose %convert_element_type3A_101, [1, 0] : vector<128x16xf32> -> vector<16x128xf32>
    %dot_general3A_458 = arith.constant dense<0.000000e+00> : vector<200x128xf32>
    %dot_general3A_459 = tpu.matmul %rsqrt3A_456, %transpose3A_457, %dot_general3A_458 {dimension_numbers = #tpu.dot_dimension_numbers<[1], [0], [0], [1], [0, 0, 1, 1], [], []>, transpose_lhs_hint = false} : vector<200x16xf32>, vector<16x128xf32>, vector<200x128xf32> -> vector<200x128xf32>
    %mul3A_460 = arith.mulf %add3A_440, %dot_general3A_459 : vector<200x128xf32>
    %transpose3A_461 = tpu.transpose %convert_element_type3A_197, [1, 0] : vector<128x16xf32> -> vector<16x128xf32>
    %dot_general3A_462 = arith.constant dense<0.000000e+00> : vector<200x128xf32>
    %dot_general3A_463 = tpu.matmul %rsqrt3A_456, %transpose3A_461, %dot_general3A_462 {dimension_numbers = #tpu.dot_dimension_numbers<[1], [0], [0], [1], [0, 0, 1, 1], [], []>, transpose_lhs_hint = false} : vector<200x16xf32>, vector<16x128xf32>, vector<200x128xf32> -> vector<200x128xf32>
    %mul3A_464 = arith.mulf %add3A_445, %dot_general3A_463 : vector<200x128xf32>
    %broadcast_in_dim3A_465 = vector.shape_cast %mul3A_460 : vector<200x128xf32> to vector<1x200x128xf32>
    %mul3A_466 = vector.broadcast %broadcast_in_dim3A_465 : vector<1x200x128xf32> to vector<32x200x128xf32>
    %mul3A_467 = arith.mulf %bitcast_convert_type3A, %mul3A_466 : vector<32x200x128xf32>
    %reshape3A_468 = vector.shape_cast %mul3A_467 : vector<32x200x128xf32> to vector<6400x128xf32>
    %convert_element_type3A_469 = arith.truncf %reshape3A_468 : vector<6400x128xf32> to vector<6400x128xbf16>
    %broadcast_in_dim3A_470 = vector.shape_cast %mul3A_464 : vector<200x128xf32> to vector<1x200x128xf32>
    %mul3A_471 = vector.broadcast %broadcast_in_dim3A_470 : vector<1x200x128xf32> to vector<32x200x128xf32>
    %mul3A_472 = arith.mulf %bitcast_convert_type3A_10, %mul3A_471 : vector<32x200x128xf32>
    %reshape3A_473 = vector.shape_cast %mul3A_472 : vector<32x200x128xf32> to vector<6400x128xf32>
    %convert_element_type3A_474 = arith.truncf %reshape3A_473 : vector<6400x128xf32> to vector<6400x128xbf16>
    %dot_general3A_475 = arith.constant dense<0.000000e+00> : vector<6400x16xf32>
    %dot_general3A_476 = tpu.matmul %convert_element_type3A_469, %convert_element_type3A_203, %dot_general3A_475 {dimension_numbers = #tpu.dot_dimension_numbers<[1], [0], [0], [1], [0, 0, 1, 1], [], []>, transpose_lhs_hint = false} : vector<6400x128xbf16>, vector<128x16xbf16>, vector<6400x16xf32> -> vector<6400x16xf32>
    %dot_general3A_477 = arith.constant dense<0.000000e+00> : vector<6400x16xf32>
    %dot_general3A_478 = tpu.matmul %convert_element_type3A_474, %convert_element_type3A_207, %dot_general3A_477 {dimension_numbers = #tpu.dot_dimension_numbers<[1], [0], [0], [1], [0, 0, 1, 1], [], []>, transpose_lhs_hint = false} : vector<6400x128xbf16>, vector<128x16xbf16>, vector<6400x16xf32> -> vector<6400x16xf32>
    %add3A_479 = arith.addf %dot_general3A_476, %dot_general3A_478 : vector<6400x16xf32>
    %exp23A_480 = math.exp2 %add3A_479 : vector<6400x16xf32>
    %dot_general3A_481 = arith.constant dense<0.000000e+00> : vector<6400x16xf32>
    %dot_general3A_482 = tpu.matmul %exp23A_480, %convert_element_type3A_274, %dot_general3A_481 {dimension_numbers = #tpu.dot_dimension_numbers<[1], [0], [0], [1], [0, 0, 1, 1], [], []>, transpose_lhs_hint = false} : vector<6400x16xf32>, vector<16x16xf32>, vector<6400x16xf32> -> vector<6400x16xf32>
    %div3A_483 = arith.divf %exp23A_480, %dot_general3A_482 : vector<6400x16xf32>
    %convert_element_type3A_484 = arith.truncf %div3A_483 : vector<6400x16xf32> to vector<6400x16xbf16>
    %transpose3A_485 = tpu.transpose %convert_element_type3A_198, [1, 0] : vector<128x16xbf16> -> vector<16x128xbf16>
    %dot_general3A_486 = arith.constant dense<0.000000e+00> : vector<6400x128xf32>
    %dot_general3A_487 = tpu.matmul %convert_element_type3A_484, %transpose3A_485, %dot_general3A_486 {dimension_numbers = #tpu.dot_dimension_numbers<[1], [0], [0], [1], [0, 0, 1, 1], [], []>, transpose_lhs_hint = false} : vector<6400x16xbf16>, vector<16x128xbf16>, vector<6400x128xf32> -> vector<6400x128xf32>
    %transpose3A_488 = tpu.transpose %convert_element_type3A_199, [1, 0] : vector<128x16xbf16> -> vector<16x128xbf16>
    %dot_general3A_489 = arith.constant dense<0.000000e+00> : vector<6400x128xf32>
    %dot_general3A_490 = tpu.matmul %convert_element_type3A_484, %transpose3A_488, %dot_general3A_489 {dimension_numbers = #tpu.dot_dimension_numbers<[1], [0], [0], [1], [0, 0, 1, 1], [], []>, transpose_lhs_hint = false} : vector<6400x16xbf16>, vector<16x128xbf16>, vector<6400x128xf32> -> vector<6400x128xf32>
    %mul3A_491 = arith.mulf %reshape3A, %dot_general3A_487 : vector<6400x128xf32>
    %reshape3A_492 = vector.shape_cast %mul3A_491 : vector<6400x128xf32> to vector<32x200x128xf32>
    %reduce_sum3A_493 = arith.constant dense<0.000000e+00> : vector<200x128xf32>
    %reduce_sum3A_494 = vector.multi_reduction <add>, %reshape3A_492, %reduce_sum3A_493 [0] : vector<32x200x128xf32> to vector<200x128xf32>
    %add3A_495 = arith.addf %reduce_sum3A_494, %bitcast_convert_type3A_14 : vector<200x128xf32>
    %mul3A_496 = arith.mulf %reshape3A_275, %dot_general3A_490 : vector<6400x128xf32>
    %reshape3A_497 = vector.shape_cast %mul3A_496 : vector<6400x128xf32> to vector<32x200x128xf32>
    %reduce_sum3A_498 = arith.constant dense<0.000000e+00> : vector<200x128xf32>
    %reduce_sum3A_499 = vector.multi_reduction <add>, %reshape3A_497, %reduce_sum3A_498 [0] : vector<32x200x128xf32> to vector<200x128xf32>
    %add3A_500 = arith.addf %reduce_sum3A_499, %bitcast_convert_type3A_18 : vector<200x128xf32>
    %mul3A_501 = arith.mulf %add3A_495, %add3A_495 : vector<200x128xf32>
    %dot_general3A_502 = arith.constant dense<0.000000e+00> : vector<200x16xf32>
    %dot_general3A_503 = tpu.matmul %mul3A_501, %convert_element_type3A_101, %dot_general3A_502 {dimension_numbers = #tpu.dot_dimension_numbers<[1], [0], [0], [1], [0, 0, 1, 1], [], []>, transpose_lhs_hint = false} : vector<200x128xf32>, vector<128x16xf32>, vector<200x16xf32> -> vector<200x16xf32>
    %mul3A_504 = arith.mulf %add3A_500, %add3A_500 : vector<200x128xf32>
    %dot_general3A_505 = arith.constant dense<0.000000e+00> : vector<200x16xf32>
    %dot_general3A_506 = tpu.matmul %mul3A_504, %convert_element_type3A_197, %dot_general3A_505 {dimension_numbers = #tpu.dot_dimension_numbers<[1], [0], [0], [1], [0, 0, 1, 1], [], []>, transpose_lhs_hint = false} : vector<200x128xf32>, vector<128x16xf32>, vector<200x16xf32> -> vector<200x16xf32>
    %add3A_507 = arith.addf %dot_general3A_503, %dot_general3A_506 : vector<200x16xf32>
    %max3A_508 = arith.constant 1.000000e-24 : f32
    %max3A_509 = vector.broadcast %max3A_508 : f32 to vector<200x16xf32>
    %max3A_510 = arith.maximumf %add3A_507, %max3A_509 : vector<200x16xf32>
    %rsqrt3A_511 = math.rsqrt %max3A_510 : vector<200x16xf32>
    %transpose3A_512 = tpu.transpose %convert_element_type3A_101, [1, 0] : vector<128x16xf32> -> vector<16x128xf32>
    %dot_general3A_513 = arith.constant dense<0.000000e+00> : vector<200x128xf32>
    %dot_general3A_514 = tpu.matmul %rsqrt3A_511, %transpose3A_512, %dot_general3A_513 {dimension_numbers = #tpu.dot_dimension_numbers<[1], [0], [0], [1], [0, 0, 1, 1], [], []>, transpose_lhs_hint = false} : vector<200x16xf32>, vector<16x128xf32>, vector<200x128xf32> -> vector<200x128xf32>
    %mul3A_515 = arith.mulf %add3A_495, %dot_general3A_514 : vector<200x128xf32>
    %transpose3A_516 = tpu.transpose %convert_element_type3A_197, [1, 0] : vector<128x16xf32> -> vector<16x128xf32>
    %dot_general3A_517 = arith.constant dense<0.000000e+00> : vector<200x128xf32>
    %dot_general3A_518 = tpu.matmul %rsqrt3A_511, %transpose3A_516, %dot_general3A_517 {dimension_numbers = #tpu.dot_dimension_numbers<[1], [0], [0], [1], [0, 0, 1, 1], [], []>, transpose_lhs_hint = false} : vector<200x16xf32>, vector<16x128xf32>, vector<200x128xf32> -> vector<200x128xf32>
    %mul3A_519 = arith.mulf %add3A_500, %dot_general3A_518 : vector<200x128xf32>
    %broadcast_in_dim3A_520 = vector.shape_cast %mul3A_515 : vector<200x128xf32> to vector<1x200x128xf32>
    %mul3A_521 = vector.broadcast %broadcast_in_dim3A_520 : vector<1x200x128xf32> to vector<32x200x128xf32>
    %mul3A_522 = arith.mulf %bitcast_convert_type3A, %mul3A_521 : vector<32x200x128xf32>
    %reshape3A_523 = vector.shape_cast %mul3A_522 : vector<32x200x128xf32> to vector<6400x128xf32>
    %convert_element_type3A_524 = arith.truncf %reshape3A_523 : vector<6400x128xf32> to vector<6400x128xbf16>
    %broadcast_in_dim3A_525 = vector.shape_cast %mul3A_519 : vector<200x128xf32> to vector<1x200x128xf32>
    %mul3A_526 = vector.broadcast %broadcast_in_dim3A_525 : vector<1x200x128xf32> to vector<32x200x128xf32>
    %mul3A_527 = arith.mulf %bitcast_convert_type3A_10, %mul3A_526 : vector<32x200x128xf32>
    %reshape3A_528 = vector.shape_cast %mul3A_527 : vector<32x200x128xf32> to vector<6400x128xf32>
    %convert_element_type3A_529 = arith.truncf %reshape3A_528 : vector<6400x128xf32> to vector<6400x128xbf16>
    %dot_general3A_530 = arith.constant dense<0.000000e+00> : vector<6400x16xf32>
    %dot_general3A_531 = tpu.matmul %convert_element_type3A_524, %convert_element_type3A_203, %dot_general3A_530 {dimension_numbers = #tpu.dot_dimension_numbers<[1], [0], [0], [1], [0, 0, 1, 1], [], []>, transpose_lhs_hint = false} : vector<6400x128xbf16>, vector<128x16xbf16>, vector<6400x16xf32> -> vector<6400x16xf32>
    %dot_general3A_532 = arith.constant dense<0.000000e+00> : vector<6400x16xf32>
    %dot_general3A_533 = tpu.matmul %convert_element_type3A_529, %convert_element_type3A_207, %dot_general3A_532 {dimension_numbers = #tpu.dot_dimension_numbers<[1], [0], [0], [1], [0, 0, 1, 1], [], []>, transpose_lhs_hint = false} : vector<6400x128xbf16>, vector<128x16xbf16>, vector<6400x16xf32> -> vector<6400x16xf32>
    %add3A_534 = arith.addf %dot_general3A_531, %dot_general3A_533 : vector<6400x16xf32>
    %exp23A_535 = math.exp2 %add3A_534 : vector<6400x16xf32>
    %dot_general3A_536 = arith.constant dense<0.000000e+00> : vector<6400x16xf32>
    %dot_general3A_537 = tpu.matmul %exp23A_535, %convert_element_type3A_274, %dot_general3A_536 {dimension_numbers = #tpu.dot_dimension_numbers<[1], [0], [0], [1], [0, 0, 1, 1], [], []>, transpose_lhs_hint = false} : vector<6400x16xf32>, vector<16x16xf32>, vector<6400x16xf32> -> vector<6400x16xf32>
    %div3A_538 = arith.divf %exp23A_535, %dot_general3A_537 : vector<6400x16xf32>
    %convert_element_type3A_539 = arith.truncf %div3A_538 : vector<6400x16xf32> to vector<6400x16xbf16>
    %transpose3A_540 = tpu.transpose %convert_element_type3A_198, [1, 0] : vector<128x16xbf16> -> vector<16x128xbf16>
    %dot_general3A_541 = arith.constant dense<0.000000e+00> : vector<6400x128xf32>
    %dot_general3A_542 = tpu.matmul %convert_element_type3A_539, %transpose3A_540, %dot_general3A_541 {dimension_numbers = #tpu.dot_dimension_numbers<[1], [0], [0], [1], [0, 0, 1, 1], [], []>, transpose_lhs_hint = false} : vector<6400x16xbf16>, vector<16x128xbf16>, vector<6400x128xf32> -> vector<6400x128xf32>
    %transpose3A_543 = tpu.transpose %convert_element_type3A_199, [1, 0] : vector<128x16xbf16> -> vector<16x128xbf16>
    %dot_general3A_544 = arith.constant dense<0.000000e+00> : vector<6400x128xf32>
    %dot_general3A_545 = tpu.matmul %convert_element_type3A_539, %transpose3A_543, %dot_general3A_544 {dimension_numbers = #tpu.dot_dimension_numbers<[1], [0], [0], [1], [0, 0, 1, 1], [], []>, transpose_lhs_hint = false} : vector<6400x16xbf16>, vector<16x128xbf16>, vector<6400x128xf32> -> vector<6400x128xf32>
    %mul3A_546 = arith.mulf %reshape3A, %dot_general3A_542 : vector<6400x128xf32>
    %reshape3A_547 = vector.shape_cast %mul3A_546 : vector<6400x128xf32> to vector<32x200x128xf32>
    %reduce_sum3A_548 = arith.constant dense<0.000000e+00> : vector<200x128xf32>
    %reduce_sum3A_549 = vector.multi_reduction <add>, %reshape3A_547, %reduce_sum3A_548 [0] : vector<32x200x128xf32> to vector<200x128xf32>
    %add3A_550 = arith.addf %reduce_sum3A_549, %bitcast_convert_type3A_14 : vector<200x128xf32>
    %mul3A_551 = arith.mulf %reshape3A_275, %dot_general3A_545 : vector<6400x128xf32>
    %reshape3A_552 = vector.shape_cast %mul3A_551 : vector<6400x128xf32> to vector<32x200x128xf32>
    %reduce_sum3A_553 = arith.constant dense<0.000000e+00> : vector<200x128xf32>
    %reduce_sum3A_554 = vector.multi_reduction <add>, %reshape3A_552, %reduce_sum3A_553 [0] : vector<32x200x128xf32> to vector<200x128xf32>
    %add3A_555 = arith.addf %reduce_sum3A_554, %bitcast_convert_type3A_18 : vector<200x128xf32>
    %slice3A = vector.extract_strided_slice %add3A_550 {offsets = [0, 0], sizes = [200, 64], strides = [1, 1]} : vector<200x128xf32> to vector<200x64xf32>
    %slice3A_556 = vector.extract_strided_slice %add3A_555 {offsets = [0, 0], sizes = [200, 64], strides = [1, 1]} : vector<200x128xf32> to vector<200x64xf32>
    %slice3A_557 = vector.extract_strided_slice %add3A_550 {offsets = [0, 64], sizes = [200, 64], strides = [1, 1]} : vector<200x128xf32> to vector<200x64xf32>
    %slice3A_558 = vector.extract_strided_slice %add3A_555 {offsets = [0, 64], sizes = [200, 64], strides = [1, 1]} : vector<200x128xf32> to vector<200x64xf32>
    %concatenate3A = tpu.concatenate %slice3A, %slice3A_556, %slice3A_557, %slice3A_558 in 1 : vector<200x64xf32>, vector<200x64xf32>, vector<200x64xf32>, vector<200x64xf32> -> vector<200x256xf32>
    %swap3A = arith.constant 0 : index
    %swap3A_559 = arith.constant 0 : index
    %swap3A_560 = vector.load %arg3[%swap3A, %swap3A_559] : memref<200x256xf32, #tpu.memory_space<vmem>>, vector<200x256xf32>
    tpu.vector_store %arg3[%swap3A, %swap3A_559], %concatenate3A {strides = array<i32>} : memref<200x256xf32, #tpu.memory_space<vmem>>, vector<200x256xf32>,
    return
  }
  func.func @transform_0(%arg0: i32) -> (i32, i32, i32) {
    %c0_i32 = arith.constant 0 : i32
    %c0_i32_0 = arith.constant 0 : i32
    %c0_i32_1 = arith.constant 0 : i32
    return %c0_i32, %arg0, %c0_i32_0 : i32, i32, i32
  }
  func.func @transform_1(%arg0: i32) -> (i32, i32) {
    %c0_i32 = arith.constant 0 : i32
    %c0_i32_0 = arith.constant 0 : i32
    return %arg0, %c0_i32 : i32, i32
  }
  func.func @transform_2(%arg0: i32) -> (i32, i32) {
    %c0_i32 = arith.constant 0 : i32
    %c0_i32_0 = arith.constant 0 : i32
    return %arg0, %c0_i32 : i32, i32
  }
}

module attributes {stable_mosaic.version = 14 : i64} {
  func.func @_routing_body(%arg0: i32, %arg1: memref<32x200x128xi32, #tpu.memory_space<vmem>>, %arg2: memref<200x128xi32, #tpu.memory_space<vmem>>, %arg3: memref<200x256xf32, #tpu.memory_space<vmem>>) attributes {dimension_semantics = [#tpu.dimension_semantics<arbitrary>], iteration_bounds = array<i64: 4>, scalar_prefetch = 0 : i64, scratch_operands = 0 : i64, tpu.core_type = #tpu.core_type<tc>, window_params = [{transform_indices = @transform_0, window_bounds = array<i64: 32, 200, 128>}, {transform_indices = @transform_1, window_bounds = array<i64: 200, 128>}, {transform_indices = @transform_2, window_bounds = array<i64: 200, 256>}]} {
    %get3A = arith.constant 0 : index
    %get3A_0 = arith.constant 0 : index
    %get3A_1 = arith.constant 0 : index
    %get3A_2 = vector.load %arg1[%get3A, %get3A_0, %get3A_1] : memref<32x200x128xi32, #tpu.memory_space<vmem>>, vector<32x200x128xi32>
    %get3A_3 = arith.constant 0 : index
    %get3A_4 = arith.constant 0 : index
    %get3A_5 = vector.load %arg2[%get3A_3, %get3A_4] : memref<200x128xi32, #tpu.memory_space<vmem>>, vector<200x128xi32>
    %shift_left3A = arith.constant 16 : i32
    %shift_left3A_6 = vector.broadcast %shift_left3A : i32 to vector<32x200x128xi32>
    %shift_left3A_7 = arith.shli %get3A_2, %shift_left3A_6 : vector<32x200x128xi32>
    %bitcast_convert_type3A = tpu.bitcast %shift_left3A_7 : vector<32x200x128xi32> -> vector<32x200x128xf32>
    %and3A = arith.constant -65536 : i32
    %and3A_8 = vector.broadcast %and3A : i32 to vector<32x200x128xi32>
    %and3A_9 = arith.andi %get3A_2, %and3A_8 : vector<32x200x128xi32>
    %bitcast_convert_type3A_10 = tpu.bitcast %and3A_9 : vector<32x200x128xi32> -> vector<32x200x128xf32>
    %shift_left3A_11 = arith.constant 16 : i32
    %shift_left3A_12 = vector.broadcast %shift_left3A_11 : i32 to vector<200x128xi32>
    %shift_left3A_13 = arith.shli %get3A_5, %shift_left3A_12 : vector<200x128xi32>
    %bitcast_convert_type3A_14 = tpu.bitcast %shift_left3A_13 : vector<200x128xi32> -> vector<200x128xf32>
    %and3A_15 = arith.constant -65536 : i32
    %and3A_16 = vector.broadcast %and3A_15 : i32 to vector<200x128xi32>
    %and3A_17 = arith.andi %get3A_5, %and3A_16 : vector<200x128xi32>
    %bitcast_convert_type3A_18 = tpu.bitcast %and3A_17 : vector<200x128xi32> -> vector<200x128xf32>
    %iota3A = tpu.iota {dimensions = array<i32: 0>} : vector<128x16xi32>
    %iota3A_19 = tpu.iota {dimensions = array<i32: 1>} : vector<128x16xi32>
    %jit3A = arith.constant 64 : i32
    %eq3A = arith.constant 0 : i32
    %eq3A_20 = arith.cmpi eq, %jit3A, %eq3A : i32
    %jit3A_21 = arith.constant 1 : i32
    %select_n3A = arith.select %eq3A_20, %jit3A_21, %jit3A : i32
    %rem3A = vector.broadcast %select_n3A : i32 to vector<128x16xi32>
    %rem3A_22 = arith.remsi %iota3A, %rem3A : vector<128x16xi32>
    %ne3A = arith.constant 0 : i32
    %ne3A_23 = vector.broadcast %ne3A : i32 to vector<128x16xi32>
    %ne3A_24 = arith.cmpi ne, %rem3A_22, %ne3A_23 : vector<128x16xi32>
    %lt3A = arith.constant 0 : i32
    %lt3A_25 = vector.broadcast %lt3A : i32 to vector<128x16xi32>
    %lt3A_26 = arith.cmpi slt, %rem3A_22, %lt3A_25 : vector<128x16xi32>
    %lt3A_27 = arith.constant 0 : i32
    %lt3A_28 = arith.cmpi slt, %select_n3A, %lt3A_27 : i32
    %ne3A_29 = vector.broadcast %lt3A_28 : i1 to vector<128x16xi1>
    %ne3A_30 = vector.broadcast %ne3A_29 : vector<128x16xi1> to vector<128x16xi1>
    %ne3A_31 = arith.xori %lt3A_26, %ne3A_30 : vector<128x16xi1>
    %and3A_32 = arith.andi %ne3A_31, %ne3A_24 : vector<128x16xi1>
    %add3A = vector.broadcast %select_n3A : i32 to vector<128x16xi32>
    %add3A_33 = arith.addi %rem3A_22, %add3A : vector<128x16xi32>
    %select_n3A_34 = arith.select %and3A_32, %add3A_33, %rem3A_22 : vector<128x16xi1>, vector<128x16xi32>
    %jit3A_35 = arith.constant 16 : i32
    %div3A = vector.broadcast %jit3A_35 : i32 to vector<128x16xi32>
    %div3A_36 = arith.divsi %select_n3A_34, %div3A : vector<128x16xi32>
    %sign3A = arith.constant 0 : i32
    %sign3A_37 = vector.broadcast %sign3A : i32 to vector<128x16xi32>
    %sign3A_38 = arith.cmpi sgt, %select_n3A_34, %sign3A_37 : vector<128x16xi32>
    %sign3A_39 = arith.extui %sign3A_38 : vector<128x16xi1> to vector<128x16xi32>
    %sign3A_40 = arith.constant 0 : i32
    %sign3A_41 = vector.broadcast %sign3A_40 : i32 to vector<128x16xi32>
    %sign3A_42 = arith.cmpi slt, %select_n3A_34, %sign3A_41 : vector<128x16xi32>
    %sign3A_43 = arith.extui %sign3A_42 : vector<128x16xi1> to vector<128x16xi32>
    %sign3A_44 = arith.subi %sign3A_39, %sign3A_43 : vector<128x16xi32>
    %sign3A_45 = arith.constant 0 : i32
    %sign3A_46 = arith.cmpi sgt, %jit3A_35, %sign3A_45 : i32
    %sign3A_47 = arith.extui %sign3A_46 : i1 to i32
    %sign3A_48 = arith.constant 0 : i32
    %sign3A_49 = arith.cmpi slt, %jit3A_35, %sign3A_48 : i32
    %sign3A_50 = arith.extui %sign3A_49 : i1 to i32
    %sign3A_51 = arith.subi %sign3A_47, %sign3A_50 : i32
    %ne3A_52 = vector.broadcast %sign3A_51 : i32 to vector<128x16xi32>
    %ne3A_53 = arith.cmpi ne, %sign3A_44, %ne3A_52 : vector<128x16xi32>
    %rem3A_54 = vector.broadcast %jit3A_35 : i32 to vector<128x16xi32>
    %rem3A_55 = arith.remsi %select_n3A_34, %rem3A_54 : vector<128x16xi32>
    %ne3A_56 = arith.constant 0 : i32
    %ne3A_57 = vector.broadcast %ne3A_56 : i32 to vector<128x16xi32>
    %ne3A_58 = arith.cmpi ne, %rem3A_55, %ne3A_57 : vector<128x16xi32>
    %and3A_59 = arith.andi %ne3A_53, %ne3A_58 : vector<128x16xi1>
    %sub3A = arith.constant 1 : i32
    %sub3A_60 = vector.broadcast %sub3A : i32 to vector<128x16xi32>
    %sub3A_61 = arith.subi %div3A_36, %sub3A_60 : vector<128x16xi32>
    %select_n3A_62 = arith.select %and3A_59, %sub3A_61, %div3A_36 : vector<128x16xi1>, vector<128x16xi32>
    %add3A_63 = arith.constant 0 : i32
    %add3A_64 = vector.broadcast %add3A_63 : i32 to vector<128x16xi32>
    %add3A_65 = arith.addi %select_n3A_62, %add3A_64 : vector<128x16xi32>
    %jit3A_66 = arith.constant 64 : i32
    %div3A_67 = vector.broadcast %jit3A_66 : i32 to vector<128x16xi32>
    %div3A_68 = arith.divsi %iota3A, %div3A_67 : vector<128x16xi32>
    %sign3A_69 = arith.constant 0 : i32
    %sign3A_70 = vector.broadcast %sign3A_69 : i32 to vector<128x16xi32>
    %sign3A_71 = arith.cmpi sgt, %iota3A, %sign3A_70 : vector<128x16xi32>
    %sign3A_72 = arith.extui %sign3A_71 : vector<128x16xi1> to vector<128x16xi32>
    %sign3A_73 = arith.constant 0 : i32
    %sign3A_74 = vector.broadcast %sign3A_73 : i32 to vector<128x16xi32>
    %sign3A_75 = arith.cmpi slt, %iota3A, %sign3A_74 : vector<128x16xi32>
    %sign3A_76 = arith.extui %sign3A_75 : vector<128x16xi1> to vector<128x16xi32>
    %sign3A_77 = arith.subi %sign3A_72, %sign3A_76 : vector<128x16xi32>
    %sign3A_78 = arith.constant 0 : i32
    %sign3A_79 = arith.cmpi sgt, %jit3A_66, %sign3A_78 : i32
    %sign3A_80 = arith.extui %sign3A_79 : i1 to i32
    %sign3A_81 = arith.constant 0 : i32
    %sign3A_82 = arith.cmpi slt, %jit3A_66, %sign3A_81 : i32
    %sign3A_83 = arith.extui %sign3A_82 : i1 to i32
    %sign3A_84 = arith.subi %sign3A_80, %sign3A_83 : i32
    %ne3A_85 = vector.broadcast %sign3A_84 : i32 to vector<128x16xi32>
    %ne3A_86 = arith.cmpi ne, %sign3A_77, %ne3A_85 : vector<128x16xi32>
    %rem3A_87 = vector.broadcast %jit3A_66 : i32 to vector<128x16xi32>
    %rem3A_88 = arith.remsi %iota3A, %rem3A_87 : vector<128x16xi32>
    %ne3A_89 = arith.constant 0 : i32
    %ne3A_90 = vector.broadcast %ne3A_89 : i32 to vector<128x16xi32>
    %ne3A_91 = arith.cmpi ne, %rem3A_88, %ne3A_90 : vector<128x16xi32>
    %and3A_92 = arith.andi %ne3A_86, %ne3A_91 : vector<128x16xi1>
    %sub3A_93 = arith.constant 1 : i32
    %sub3A_94 = vector.broadcast %sub3A_93 : i32 to vector<128x16xi32>
    %sub3A_95 = arith.subi %div3A_68, %sub3A_94 : vector<128x16xi32>
    %select_n3A_96 = arith.select %and3A_92, %sub3A_95, %div3A_68 : vector<128x16xi1>, vector<128x16xi32>
    %mul3A = arith.constant 8 : i32
    %mul3A_97 = vector.broadcast %mul3A : i32 to vector<128x16xi32>
    %mul3A_98 = arith.muli %mul3A_97, %select_n3A_96 : vector<128x16xi32>
    %add3A_99 = arith.addi %add3A_65, %mul3A_98 : vector<128x16xi32>
    %eq3A_100 = arith.cmpi eq, %add3A_99, %iota3A_19 : vector<128x16xi32>
    %convert_element_type3A = arith.extui %eq3A_100 : vector<128x16xi1> to vector<128x16xi32>
    %convert_element_type3A_101 = arith.sitofp %convert_element_type3A : vector<128x16xi32> to vector<128x16xf32>
    %iota3A_102 = tpu.iota {dimensions = array<i32: 0>} : vector<128x16xi32>
    %iota3A_103 = tpu.iota {dimensions = array<i32: 1>} : vector<128x16xi32>
    %jit3A_104 = arith.constant 64 : i32
    %eq3A_105 = arith.constant 0 : i32
    %eq3A_106 = arith.cmpi eq, %jit3A_104, %eq3A_105 : i32
    %jit3A_107 = arith.constant 1 : i32
    %select_n3A_108 = arith.select %eq3A_106, %jit3A_107, %jit3A_104 : i32
    %rem3A_109 = vector.broadcast %select_n3A_108 : i32 to vector<128x16xi32>
    %rem3A_110 = arith.remsi %iota3A_102, %rem3A_109 : vector<128x16xi32>
    %ne3A_111 = arith.constant 0 : i32
    %ne3A_112 = vector.broadcast %ne3A_111 : i32 to vector<128x16xi32>
    %ne3A_113 = arith.cmpi ne, %rem3A_110, %ne3A_112 : vector<128x16xi32>
    %lt3A_114 = arith.constant 0 : i32
    %lt3A_115 = vector.broadcast %lt3A_114 : i32 to vector<128x16xi32>
    %lt3A_116 = arith.cmpi slt, %rem3A_110, %lt3A_115 : vector<128x16xi32>
    %lt3A_117 = arith.constant 0 : i32
    %lt3A_118 = arith.cmpi slt, %select_n3A_108, %lt3A_117 : i32
    %ne3A_119 = vector.broadcast %lt3A_118 : i1 to vector<128x16xi1>
    %ne3A_120 = vector.broadcast %ne3A_119 : vector<128x16xi1> to vector<128x16xi1>
    %ne3A_121 = arith.xori %lt3A_116, %ne3A_120 : vector<128x16xi1>
    %and3A_122 = arith.andi %ne3A_121, %ne3A_113 : vector<128x16xi1>
    %add3A_123 = vector.broadcast %select_n3A_108 : i32 to vector<128x16xi32>
    %add3A_124 = arith.addi %rem3A_110, %add3A_123 : vector<128x16xi32>
    %select_n3A_125 = arith.select %and3A_122, %add3A_124, %rem3A_110 : vector<128x16xi1>, vector<128x16xi32>
    %jit3A_126 = arith.constant 16 : i32
    %div3A_127 = vector.broadcast %jit3A_126 : i32 to vector<128x16xi32>
    %div3A_128 = arith.divsi %select_n3A_125, %div3A_127 : vector<128x16xi32>
    %sign3A_129 = arith.constant 0 : i32
    %sign3A_130 = vector.broadcast %sign3A_129 : i32 to vector<128x16xi32>
    %sign3A_131 = arith.cmpi sgt, %select_n3A_125, %sign3A_130 : vector<128x16xi32>
    %sign3A_132 = arith.extui %sign3A_131 : vector<128x16xi1> to vector<128x16xi32>
    %sign3A_133 = arith.constant 0 : i32
    %sign3A_134 = vector.broadcast %sign3A_133 : i32 to vector<128x16xi32>
    %sign3A_135 = arith.cmpi slt, %select_n3A_125, %sign3A_134 : vector<128x16xi32>
    %sign3A_136 = arith.extui %sign3A_135 : vector<128x16xi1> to vector<128x16xi32>
    %sign3A_137 = arith.subi %sign3A_132, %sign3A_136 : vector<128x16xi32>
    %sign3A_138 = arith.constant 0 : i32
    %sign3A_139 = arith.cmpi sgt, %jit3A_126, %sign3A_138 : i32
    %sign3A_140 = arith.extui %sign3A_139 : i1 to i32
    %sign3A_141 = arith.constant 0 : i32
    %sign3A_142 = arith.cmpi slt, %jit3A_126, %sign3A_141 : i32
    %sign3A_143 = arith.extui %sign3A_142 : i1 to i32
    %sign3A_144 = arith.subi %sign3A_140, %sign3A_143 : i32
    %ne3A_145 = vector.broadcast %sign3A_144 : i32 to vector<128x16xi32>
    %ne3A_146 = arith.cmpi ne, %sign3A_137, %ne3A_145 : vector<128x16xi32>
    %rem3A_147 = vector.broadcast %jit3A_126 : i32 to vector<128x16xi32>
    %rem3A_148 = arith.remsi %select_n3A_125, %rem3A_147 : vector<128x16xi32>
    %ne3A_149 = arith.constant 0 : i32
    %ne3A_150 = vector.broadcast %ne3A_149 : i32 to vector<128x16xi32>
    %ne3A_151 = arith.cmpi ne, %rem3A_148, %ne3A_150 : vector<128x16xi32>
    %and3A_152 = arith.andi %ne3A_146, %ne3A_151 : vector<128x16xi1>
    %sub3A_153 = arith.constant 1 : i32
    %sub3A_154 = vector.broadcast %sub3A_153 : i32 to vector<128x16xi32>
    %sub3A_155 = arith.subi %div3A_128, %sub3A_154 : vector<128x16xi32>
    %select_n3A_156 = arith.select %and3A_152, %sub3A_155, %div3A_128 : vector<128x16xi1>, vector<128x16xi32>
    %add3A_157 = arith.constant 4 : i32
    %add3A_158 = vector.broadcast %add3A_157 : i32 to vector<128x16xi32>
    %add3A_159 = arith.addi %select_n3A_156, %add3A_158 : vector<128x16xi32>
    %jit3A_160 = arith.constant 64 : i32
    %div3A_161 = vector.broadcast %jit3A_160 : i32 to vector<128x16xi32>
    %div3A_162 = arith.divsi %iota3A_102, %div3A_161 : vector<128x16xi32>
    %sign3A_163 = arith.constant 0 : i32
    %sign3A_164 = vector.broadcast %sign3A_163 : i32 to vector<128x16xi32>
    %sign3A_165 = arith.cmpi sgt, %iota3A_102, %sign3A_164 : vector<128x16xi32>
    %sign3A_166 = arith.extui %sign3A_165 : vector<128x16xi1> to vector<128x16xi32>
    %sign3A_167 = arith.constant 0 : i32
    %sign3A_168 = vector.broadcast %sign3A_167 : i32 to vector<128x16xi32>
    %sign3A_169 = arith.cmpi slt, %iota3A_102, %sign3A_168 : vector<128x16xi32>
    %sign3A_170 = arith.extui %sign3A_169 : vector<128x16xi1> to vector<128x16xi32>
    %sign3A_171 = arith.subi %sign3A_166, %sign3A_170 : vector<128x16xi32>
    %sign3A_172 = arith.constant 0 : i32
    %sign3A_173 = arith.cmpi sgt, %jit3A_160, %sign3A_172 : i32
    %sign3A_174 = arith.extui %sign3A_173 : i1 to i32
    %sign3A_175 = arith.constant 0 : i32
    %sign3A_176 = arith.cmpi slt, %jit3A_160, %sign3A_175 : i32
    %sign3A_177 = arith.extui %sign3A_176 : i1 to i32
    %sign3A_178 = arith.subi %sign3A_174, %sign3A_177 : i32
    %ne3A_179 = vector.broadcast %sign3A_178 : i32 to vector<128x16xi32>
    %ne3A_180 = arith.cmpi ne, %sign3A_171, %ne3A_179 : vector<128x16xi32>
    %rem3A_181 = vector.broadcast %jit3A_160 : i32 to vector<128x16xi32>
    %rem3A_182 = arith.remsi %iota3A_102, %rem3A_181 : vector<128x16xi32>
    %ne3A_183 = arith.constant 0 : i32
    %ne3A_184 = vector.broadcast %ne3A_183 : i32 to vector<128x16xi32>
    %ne3A_185 = arith.cmpi ne, %rem3A_182, %ne3A_184 : vector<128x16xi32>
    %and3A_186 = arith.andi %ne3A_180, %ne3A_185 : vector<128x16xi1>
    %sub3A_187 = arith.constant 1 : i32
    %sub3A_188 = vector.broadcast %sub3A_187 : i32 to vector<128x16xi32>
    %sub3A_189 = arith.subi %div3A_162, %sub3A_188 : vector<128x16xi32>
    %select_n3A_190 = arith.select %and3A_186, %sub3A_189, %div3A_162 : vector<128x16xi1>, vector<128x16xi32>
    %mul3A_191 = arith.constant 8 : i32
    %mul3A_192 = vector.broadcast %mul3A_191 : i32 to vector<128x16xi32>
    %mul3A_193 = arith.muli %mul3A_192, %select_n3A_190 : vector<128x16xi32>
    %add3A_194 = arith.addi %add3A_159, %mul3A_193 : vector<128x16xi32>
    %eq3A_195 = arith.cmpi eq, %add3A_194, %iota3A_103 : vector<128x16xi32>
    %convert_element_type3A_196 = arith.extui %eq3A_195 : vector<128x16xi1> to vector<128x16xi32>
    %convert_element_type3A_197 = arith.sitofp %convert_element_type3A_196 : vector<128x16xi32> to vector<128x16xf32>
    %convert_element_type3A_198 = arith.truncf %convert_element_type3A_101 : vector<128x16xf32> to vector<128x16xbf16>
    %convert_element_type3A_199 = arith.truncf %convert_element_type3A_197 : vector<128x16xf32> to vector<128x16xbf16>
    %mul3A_200 = arith.constant 1.44269502 : f32
    %mul3A_201 = vector.broadcast %mul3A_200 : f32 to vector<128x16xf32>
    %mul3A_202 = arith.mulf %convert_element_type3A_101, %mul3A_201 : vector<128x16xf32>
    %convert_element_type3A_203 = arith.truncf %mul3A_202 : vector<128x16xf32> to vector<128x16xbf16>
    %mul3A_204 = arith.constant 1.44269502 : f32
    %mul3A_205 = vector.broadcast %mul3A_204 : f32 to vector<128x16xf32>
    %mul3A_206 = arith.mulf %convert_element_type3A_197, %mul3A_205 : vector<128x16xf32>
    %convert_element_type3A_207 = arith.truncf %mul3A_206 : vector<128x16xf32> to vector<128x16xbf16>
    %iota3A_208 = tpu.iota {dimensions = array<i32: 0>} : vector<16x16xi32>
    %iota3A_209 = tpu.iota {dimensions = array<i32: 1>} : vector<16x16xi32>
    %jit3A_210 = arith.constant 8 : i32
    %div3A_211 = vector.broadcast %jit3A_210 : i32 to vector<16x16xi32>
    %div3A_212 = arith.divsi %iota3A_208, %div3A_211 : vector<16x16xi32>
    %sign3A_213 = arith.constant 0 : i32
    %sign3A_214 = vector.broadcast %sign3A_213 : i32 to vector<16x16xi32>
    %sign3A_215 = arith.cmpi sgt, %iota3A_208, %sign3A_214 : vector<16x16xi32>
    %sign3A_216 = arith.extui %sign3A_215 : vector<16x16xi1> to vector<16x16xi32>
    %sign3A_217 = arith.constant 0 : i32
    %sign3A_218 = vector.broadcast %sign3A_217 : i32 to vector<16x16xi32>
    %sign3A_219 = arith.cmpi slt, %iota3A_208, %sign3A_218 : vector<16x16xi32>
    %sign3A_220 = arith.extui %sign3A_219 : vector<16x16xi1> to vector<16x16xi32>
    %sign3A_221 = arith.subi %sign3A_216, %sign3A_220 : vector<16x16xi32>
    %sign3A_222 = arith.constant 0 : i32
    %sign3A_223 = arith.cmpi sgt, %jit3A_210, %sign3A_222 : i32
    %sign3A_224 = arith.extui %sign3A_223 : i1 to i32
    %sign3A_225 = arith.constant 0 : i32
    %sign3A_226 = arith.cmpi slt, %jit3A_210, %sign3A_225 : i32
    %sign3A_227 = arith.extui %sign3A_226 : i1 to i32
    %sign3A_228 = arith.subi %sign3A_224, %sign3A_227 : i32
    %ne3A_229 = vector.broadcast %sign3A_228 : i32 to vector<16x16xi32>
    %ne3A_230 = arith.cmpi ne, %sign3A_221, %ne3A_229 : vector<16x16xi32>
    %rem3A_231 = vector.broadcast %jit3A_210 : i32 to vector<16x16xi32>
    %rem3A_232 = arith.remsi %iota3A_208, %rem3A_231 : vector<16x16xi32>
    %ne3A_233 = arith.constant 0 : i32
    %ne3A_234 = vector.broadcast %ne3A_233 : i32 to vector<16x16xi32>
    %ne3A_235 = arith.cmpi ne, %rem3A_232, %ne3A_234 : vector<16x16xi32>
    %and3A_236 = arith.andi %ne3A_230, %ne3A_235 : vector<16x16xi1>
    %sub3A_237 = arith.constant 1 : i32
    %sub3A_238 = vector.broadcast %sub3A_237 : i32 to vector<16x16xi32>
    %sub3A_239 = arith.subi %div3A_212, %sub3A_238 : vector<16x16xi32>
    %select_n3A_240 = arith.select %and3A_236, %sub3A_239, %div3A_212 : vector<16x16xi1>, vector<16x16xi32>
    %jit3A_241 = arith.constant 8 : i32
    %div3A_242 = vector.broadcast %jit3A_241 : i32 to vector<16x16xi32>
    %div3A_243 = arith.divsi %iota3A_209, %div3A_242 : vector<16x16xi32>
    %sign3A_244 = arith.constant 0 : i32
    %sign3A_245 = vector.broadcast %sign3A_244 : i32 to vector<16x16xi32>
    %sign3A_246 = arith.cmpi sgt, %iota3A_209, %sign3A_245 : vector<16x16xi32>
    %sign3A_247 = arith.extui %sign3A_246 : vector<16x16xi1> to vector<16x16xi32>
    %sign3A_248 = arith.constant 0 : i32
    %sign3A_249 = vector.broadcast %sign3A_248 : i32 to vector<16x16xi32>
    %sign3A_250 = arith.cmpi slt, %iota3A_209, %sign3A_249 : vector<16x16xi32>
    %sign3A_251 = arith.extui %sign3A_250 : vector<16x16xi1> to vector<16x16xi32>
    %sign3A_252 = arith.subi %sign3A_247, %sign3A_251 : vector<16x16xi32>
    %sign3A_253 = arith.constant 0 : i32
    %sign3A_254 = arith.cmpi sgt, %jit3A_241, %sign3A_253 : i32
    %sign3A_255 = arith.extui %sign3A_254 : i1 to i32
    %sign3A_256 = arith.constant 0 : i32
    %sign3A_257 = arith.cmpi slt, %jit3A_241, %sign3A_256 : i32
    %sign3A_258 = arith.extui %sign3A_257 : i1 to i32
    %sign3A_259 = arith.subi %sign3A_255, %sign3A_258 : i32
    %ne3A_260 = vector.broadcast %sign3A_259 : i32 to vector<16x16xi32>
    %ne3A_261 = arith.cmpi ne, %sign3A_252, %ne3A_260 : vector<16x16xi32>
    %rem3A_262 = vector.broadcast %jit3A_241 : i32 to vector<16x16xi32>
    %rem3A_263 = arith.remsi %iota3A_209, %rem3A_262 : vector<16x16xi32>
    %ne3A_264 = arith.constant 0 : i32
    %ne3A_265 = vector.broadcast %ne3A_264 : i32 to vector<16x16xi32>
    %ne3A_266 = arith.cmpi ne, %rem3A_263, %ne3A_265 : vector<16x16xi32>
    %and3A_267 = arith.andi %ne3A_261, %ne3A_266 : vector<16x16xi1>
    %sub3A_268 = arith.constant 1 : i32
    %sub3A_269 = vector.broadcast %sub3A_268 : i32 to vector<16x16xi32>
    %sub3A_270 = arith.subi %div3A_243, %sub3A_269 : vector<16x16xi32>
    %select_n3A_271 = arith.select %and3A_267, %sub3A_270, %div3A_243 : vector<16x16xi1>, vector<16x16xi32>
    %eq3A_272 = arith.cmpi eq, %select_n3A_240, %select_n3A_271 : vector<16x16xi32>
    %convert_element_type3A_273 = arith.extui %eq3A_272 : vector<16x16xi1> to vector<16x16xi32>
    %convert_element_type3A_274 = arith.sitofp %convert_element_type3A_273 : vector<16x16xi32> to vector<16x16xf32>
    %reshape3A = vector.shape_cast %bitcast_convert_type3A : vector<32x200x128xf32> to vector<6400x128xf32>
    %reshape3A_275 = vector.shape_cast %bitcast_convert_type3A_10 : vector<32x200x128xf32> to vector<6400x128xf32>
    %reduce_sum3A = arith.constant dense<0.000000e+00> : vector<200x128xf32>
    %reduce_sum3A_276 = vector.multi_reduction <add>, %bitcast_convert_type3A, %reduce_sum3A [0] : vector<32x200x128xf32> to vector<200x128xf32>
    %mul3A_277 = arith.constant 1.250000e-01 : f32
    %mul3A_278 = vector.broadcast %mul3A_277 : f32 to vector<200x128xf32>
    %mul3A_279 = arith.mulf %reduce_sum3A_276, %mul3A_278 : vector<200x128xf32>
    %add3A_280 = arith.addf %mul3A_279, %bitcast_convert_type3A_14 : vector<200x128xf32>
    %reduce_sum3A_281 = arith.constant dense<0.000000e+00> : vector<200x128xf32>
    %reduce_sum3A_282 = vector.multi_reduction <add>, %bitcast_convert_type3A_10, %reduce_sum3A_281 [0] : vector<32x200x128xf32> to vector<200x128xf32>
    %mul3A_283 = arith.constant 1.250000e-01 : f32
    %mul3A_284 = vector.broadcast %mul3A_283 : f32 to vector<200x128xf32>
    %mul3A_285 = arith.mulf %reduce_sum3A_282, %mul3A_284 : vector<200x128xf32>
    %add3A_286 = arith.addf %mul3A_285, %bitcast_convert_type3A_18 : vector<200x128xf32>
    %mul3A_287 = arith.mulf %add3A_280, %add3A_280 : vector<200x128xf32>
    %dot_general3A = arith.constant dense<0.000000e+00> : vector<200x16xf32>
    %dot_general3A_288 = tpu.matmul %mul3A_287, %convert_element_type3A_101, %dot_general3A {dimension_numbers = #tpu.dot_dimension_numbers<[1], [0], [0], [1], [0, 0, 1, 1], [], []>, transpose_lhs_hint = false} : vector<200x128xf32>, vector<128x16xf32>, vector<200x16xf32> -> vector<200x16xf32>
    %mul3A_289 = arith.mulf %add3A_286, %add3A_286 : vector<200x128xf32>
    %dot_general3A_290 = arith.constant dense<0.000000e+00> : vector<200x16xf32>
    %dot_general3A_291 = tpu.matmul %mul3A_289, %convert_element_type3A_197, %dot_general3A_290 {dimension_numbers = #tpu.dot_dimension_numbers<[1], [0], [0], [1], [0, 0, 1, 1], [], []>, transpose_lhs_hint = false} : vector<200x128xf32>, vector<128x16xf32>, vector<200x16xf32> -> vector<200x16xf32>
    %add3A_292 = arith.addf %dot_general3A_288, %dot_general3A_291 : vector<200x16xf32>
    %max3A = arith.constant 1.000000e-24 : f32
    %max3A_293 = vector.broadcast %max3A : f32 to vector<200x16xf32>
    %max3A_294 = arith.maximumf %add3A_292, %max3A_293 : vector<200x16xf32>
    %rsqrt3A = math.rsqrt %max3A_294 : vector<200x16xf32>
    %transpose3A = tpu.transpose %convert_element_type3A_101, [1, 0] : vector<128x16xf32> -> vector<16x128xf32>
    %dot_general3A_295 = arith.constant dense<0.000000e+00> : vector<200x128xf32>
    %dot_general3A_296 = tpu.matmul %rsqrt3A, %transpose3A, %dot_general3A_295 {dimension_numbers = #tpu.dot_dimension_numbers<[1], [0], [0], [1], [0, 0, 1, 1], [], []>, transpose_lhs_hint = false} : vector<200x16xf32>, vector<16x128xf32>, vector<200x128xf32> -> vector<200x128xf32>
    %mul3A_297 = arith.mulf %add3A_280, %dot_general3A_296 : vector<200x128xf32>
    %transpose3A_298 = tpu.transpose %convert_element_type3A_197, [1, 0] : vector<128x16xf32> -> vector<16x128xf32>
    %dot_general3A_299 = arith.constant dense<0.000000e+00> : vector<200x128xf32>
    %dot_general3A_300 = tpu.matmul %rsqrt3A, %transpose3A_298, %dot_general3A_299 {dimension_numbers = #tpu.dot_dimension_numbers<[1], [0], [0], [1], [0, 0, 1, 1], [], []>, transpose_lhs_hint = false} : vector<200x16xf32>, vector<16x128xf32>, vector<200x128xf32> -> vector<200x128xf32>
    %mul3A_301 = arith.mulf %add3A_286, %dot_general3A_300 : vector<200x128xf32>
    %broadcast_in_dim3A = vector.shape_cast %mul3A_297 : vector<200x128xf32> to vector<1x200x128xf32>
    %mul3A_302 = vector.broadcast %broadcast_in_dim3A : vector<1x200x128xf32> to vector<32x200x128xf32>
    %mul3A_303 = arith.mulf %bitcast_convert_type3A, %mul3A_302 : vector<32x200x128xf32>
    %reshape3A_304 = vector.shape_cast %mul3A_303 : vector<32x200x128xf32> to vector<6400x128xf32>
    %convert_element_type3A_305 = arith.truncf %reshape3A_304 : vector<6400x128xf32> to vector<6400x128xbf16>
    %broadcast_in_dim3A_306 = vector.shape_cast %mul3A_301 : vector<200x128xf32> to vector<1x200x128xf32>
    %mul3A_307 = vector.broadcast %broadcast_in_dim3A_306 : vector<1x200x128xf32> to vector<32x200x128xf32>
    %mul3A_308 = arith.mulf %bitcast_convert_type3A_10, %mul3A_307 : vector<32x200x128xf32>
    %reshape3A_309 = vector.shape_cast %mul3A_308 : vector<32x200x128xf32> to vector<6400x128xf32>
    %convert_element_type3A_310 = arith.truncf %reshape3A_309 : vector<6400x128xf32> to vector<6400x128xbf16>
    %dot_general3A_311 = arith.constant dense<0.000000e+00> : vector<6400x16xf32>
    %dot_general3A_312 = tpu.matmul %convert_element_type3A_305, %convert_element_type3A_203, %dot_general3A_311 {dimension_numbers = #tpu.dot_dimension_numbers<[1], [0], [0], [1], [0, 0, 1, 1], [], []>, transpose_lhs_hint = false} : vector<6400x128xbf16>, vector<128x16xbf16>, vector<6400x16xf32> -> vector<6400x16xf32>
    %dot_general3A_313 = arith.constant dense<0.000000e+00> : vector<6400x16xf32>
    %dot_general3A_314 = tpu.matmul %convert_element_type3A_310, %convert_element_type3A_207, %dot_general3A_313 {dimension_numbers = #tpu.dot_dimension_numbers<[1], [0], [0], [1], [0, 0, 1, 1], [], []>, transpose_lhs_hint = false} : vector<6400x128xbf16>, vector<128x16xbf16>, vector<6400x16xf32> -> vector<6400x16xf32>
    %add3A_315 = arith.addf %dot_general3A_312, %dot_general3A_314 : vector<6400x16xf32>
    %exp23A = math.exp2 %add3A_315 : vector<6400x16xf32>
    %dot_general3A_316 = arith.constant dense<0.000000e+00> : vector<6400x16xf32>
    %dot_general3A_317 = tpu.matmul %exp23A, %convert_element_type3A_274, %dot_general3A_316 {dimension_numbers = #tpu.dot_dimension_numbers<[1], [0], [0], [1], [0, 0, 1, 1], [], []>, transpose_lhs_hint = false} : vector<6400x16xf32>, vector<16x16xf32>, vector<6400x16xf32> -> vector<6400x16xf32>
    %div3A_318 = arith.divf %exp23A, %dot_general3A_317 : vector<6400x16xf32>
    %convert_element_type3A_319 = arith.truncf %div3A_318 : vector<6400x16xf32> to vector<6400x16xbf16>
    %transpose3A_320 = tpu.transpose %convert_element_type3A_198, [1, 0] : vector<128x16xbf16> -> vector<16x128xbf16>
    %dot_general3A_321 = arith.constant dense<0.000000e+00> : vector<6400x128xf32>
    %dot_general3A_322 = tpu.matmul %convert_element_type3A_319, %transpose3A_320, %dot_general3A_321 {dimension_numbers = #tpu.dot_dimension_numbers<[1], [0], [0], [1], [0, 0, 1, 1], [], []>, transpose_lhs_hint = false} : vector<6400x16xbf16>, vector<16x128xbf16>, vector<6400x128xf32> -> vector<6400x128xf32>
    %transpose3A_323 = tpu.transpose %convert_element_type3A_199, [1, 0] : vector<128x16xbf16> -> vector<16x128xbf16>
    %dot_general3A_324 = arith.constant dense<0.000000e+00> : vector<6400x128xf32>
    %dot_general3A_325 = tpu.matmul %convert_element_type3A_319, %transpose3A_323, %dot_general3A_324 {dimension_numbers = #tpu.dot_dimension_numbers<[1], [0], [0], [1], [0, 0, 1, 1], [], []>, transpose_lhs_hint = false} : vector<6400x16xbf16>, vector<16x128xbf16>, vector<6400x128xf32> -> vector<6400x128xf32>
    %mul3A_326 = arith.mulf %reshape3A, %dot_general3A_322 : vector<6400x128xf32>
    %reshape3A_327 = vector.shape_cast %mul3A_326 : vector<6400x128xf32> to vector<32x200x128xf32>
    %reduce_sum3A_328 = arith.constant dense<0.000000e+00> : vector<200x128xf32>
    %reduce_sum3A_329 = vector.multi_reduction <add>, %reshape3A_327, %reduce_sum3A_328 [0] : vector<32x200x128xf32> to vector<200x128xf32>
    %add3A_330 = arith.addf %reduce_sum3A_329, %bitcast_convert_type3A_14 : vector<200x128xf32>
    %mul3A_331 = arith.mulf %reshape3A_275, %dot_general3A_325 : vector<6400x128xf32>
    %reshape3A_332 = vector.shape_cast %mul3A_331 : vector<6400x128xf32> to vector<32x200x128xf32>
    %reduce_sum3A_333 = arith.constant dense<0.000000e+00> : vector<200x128xf32>
    %reduce_sum3A_334 = vector.multi_reduction <add>, %reshape3A_332, %reduce_sum3A_333 [0] : vector<32x200x128xf32> to vector<200x128xf32>
    %add3A_335 = arith.addf %reduce_sum3A_334, %bitcast_convert_type3A_18 : vector<200x128xf32>
    %mul3A_336 = arith.mulf %add3A_330, %add3A_330 : vector<200x128xf32>
    %dot_general3A_337 = arith.constant dense<0.000000e+00> : vector<200x16xf32>
    %dot_general3A_338 = tpu.matmul %mul3A_336, %convert_element_type3A_101, %dot_general3A_337 {dimension_numbers = #tpu.dot_dimension_numbers<[1], [0], [0], [1], [0, 0, 1, 1], [], []>, transpose_lhs_hint = false} : vector<200x128xf32>, vector<128x16xf32>, vector<200x16xf32> -> vector<200x16xf32>
    %mul3A_339 = arith.mulf %add3A_335, %add3A_335 : vector<200x128xf32>
    %dot_general3A_340 = arith.constant dense<0.000000e+00> : vector<200x16xf32>
    %dot_general3A_341 = tpu.matmul %mul3A_339, %convert_element_type3A_197, %dot_general3A_340 {dimension_numbers = #tpu.dot_dimension_numbers<[1], [0], [0], [1], [0, 0, 1, 1], [], []>, transpose_lhs_hint = false} : vector<200x128xf32>, vector<128x16xf32>, vector<200x16xf32> -> vector<200x16xf32>
    %add3A_342 = arith.addf %dot_general3A_338, %dot_general3A_341 : vector<200x16xf32>
    %max3A_343 = arith.constant 1.000000e-24 : f32
    %max3A_344 = vector.broadcast %max3A_343 : f32 to vector<200x16xf32>
    %max3A_345 = arith.maximumf %add3A_342, %max3A_344 : vector<200x16xf32>
    %rsqrt3A_346 = math.rsqrt %max3A_345 : vector<200x16xf32>
    %transpose3A_347 = tpu.transpose %convert_element_type3A_101, [1, 0] : vector<128x16xf32> -> vector<16x128xf32>
    %dot_general3A_348 = arith.constant dense<0.000000e+00> : vector<200x128xf32>
    %dot_general3A_349 = tpu.matmul %rsqrt3A_346, %transpose3A_347, %dot_general3A_348 {dimension_numbers = #tpu.dot_dimension_numbers<[1], [0], [0], [1], [0, 0, 1, 1], [], []>, transpose_lhs_hint = false} : vector<200x16xf32>, vector<16x128xf32>, vector<200x128xf32> -> vector<200x128xf32>
    %mul3A_350 = arith.mulf %add3A_330, %dot_general3A_349 : vector<200x128xf32>
    %transpose3A_351 = tpu.transpose %convert_element_type3A_197, [1, 0] : vector<128x16xf32> -> vector<16x128xf32>
    %dot_general3A_352 = arith.constant dense<0.000000e+00> : vector<200x128xf32>
    %dot_general3A_353 = tpu.matmul %rsqrt3A_346, %transpose3A_351, %dot_general3A_352 {dimension_numbers = #tpu.dot_dimension_numbers<[1], [0], [0], [1], [0, 0, 1, 1], [], []>, transpose_lhs_hint = false} : vector<200x16xf32>, vector<16x128xf32>, vector<200x128xf32> -> vector<200x128xf32>
    %mul3A_354 = arith.mulf %add3A_335, %dot_general3A_353 : vector<200x128xf32>
    %broadcast_in_dim3A_355 = vector.shape_cast %mul3A_350 : vector<200x128xf32> to vector<1x200x128xf32>
    %mul3A_356 = vector.broadcast %broadcast_in_dim3A_355 : vector<1x200x128xf32> to vector<32x200x128xf32>
    %mul3A_357 = arith.mulf %bitcast_convert_type3A, %mul3A_356 : vector<32x200x128xf32>
    %reshape3A_358 = vector.shape_cast %mul3A_357 : vector<32x200x128xf32> to vector<6400x128xf32>
    %convert_element_type3A_359 = arith.truncf %reshape3A_358 : vector<6400x128xf32> to vector<6400x128xbf16>
    %broadcast_in_dim3A_360 = vector.shape_cast %mul3A_354 : vector<200x128xf32> to vector<1x200x128xf32>
    %mul3A_361 = vector.broadcast %broadcast_in_dim3A_360 : vector<1x200x128xf32> to vector<32x200x128xf32>
    %mul3A_362 = arith.mulf %bitcast_convert_type3A_10, %mul3A_361 : vector<32x200x128xf32>
    %reshape3A_363 = vector.shape_cast %mul3A_362 : vector<32x200x128xf32> to vector<6400x128xf32>
    %convert_element_type3A_364 = arith.truncf %reshape3A_363 : vector<6400x128xf32> to vector<6400x128xbf16>
    %dot_general3A_365 = arith.constant dense<0.000000e+00> : vector<6400x16xf32>
    %dot_general3A_366 = tpu.matmul %convert_element_type3A_359, %convert_element_type3A_203, %dot_general3A_365 {dimension_numbers = #tpu.dot_dimension_numbers<[1], [0], [0], [1], [0, 0, 1, 1], [], []>, transpose_lhs_hint = false} : vector<6400x128xbf16>, vector<128x16xbf16>, vector<6400x16xf32> -> vector<6400x16xf32>
    %dot_general3A_367 = arith.constant dense<0.000000e+00> : vector<6400x16xf32>
    %dot_general3A_368 = tpu.matmul %convert_element_type3A_364, %convert_element_type3A_207, %dot_general3A_367 {dimension_numbers = #tpu.dot_dimension_numbers<[1], [0], [0], [1], [0, 0, 1, 1], [], []>, transpose_lhs_hint = false} : vector<6400x128xbf16>, vector<128x16xbf16>, vector<6400x16xf32> -> vector<6400x16xf32>
    %add3A_369 = arith.addf %dot_general3A_366, %dot_general3A_368 : vector<6400x16xf32>
    %exp23A_370 = math.exp2 %add3A_369 : vector<6400x16xf32>
    %dot_general3A_371 = arith.constant dense<0.000000e+00> : vector<6400x16xf32>
    %dot_general3A_372 = tpu.matmul %exp23A_370, %convert_element_type3A_274, %dot_general3A_371 {dimension_numbers = #tpu.dot_dimension_numbers<[1], [0], [0], [1], [0, 0, 1, 1], [], []>, transpose_lhs_hint = false} : vector<6400x16xf32>, vector<16x16xf32>, vector<6400x16xf32> -> vector<6400x16xf32>
    %div3A_373 = arith.divf %exp23A_370, %dot_general3A_372 : vector<6400x16xf32>
    %convert_element_type3A_374 = arith.truncf %div3A_373 : vector<6400x16xf32> to vector<6400x16xbf16>
    %transpose3A_375 = tpu.transpose %convert_element_type3A_198, [1, 0] : vector<128x16xbf16> -> vector<16x128xbf16>
    %dot_general3A_376 = arith.constant dense<0.000000e+00> : vector<6400x128xf32>
    %dot_general3A_377 = tpu.matmul %convert_element_type3A_374, %transpose3A_375, %dot_general3A_376 {dimension_numbers = #tpu.dot_dimension_numbers<[1], [0], [0], [1], [0, 0, 1, 1], [], []>, transpose_lhs_hint = false} : vector<6400x16xbf16>, vector<16x128xbf16>, vector<6400x128xf32> -> vector<6400x128xf32>
    %transpose3A_378 = tpu.transpose %convert_element_type3A_199, [1, 0] : vector<128x16xbf16> -> vector<16x128xbf16>
    %dot_general3A_379 = arith.constant dense<0.000000e+00> : vector<6400x128xf32>
    %dot_general3A_380 = tpu.matmul %convert_element_type3A_374, %transpose3A_378, %dot_general3A_379 {dimension_numbers = #tpu.dot_dimension_numbers<[1], [0], [0], [1], [0, 0, 1, 1], [], []>, transpose_lhs_hint = false} : vector<6400x16xbf16>, vector<16x128xbf16>, vector<6400x128xf32> -> vector<6400x128xf32>
    %mul3A_381 = arith.mulf %reshape3A, %dot_general3A_377 : vector<6400x128xf32>
    %reshape3A_382 = vector.shape_cast %mul3A_381 : vector<6400x128xf32> to vector<32x200x128xf32>
    %reduce_sum3A_383 = arith.constant dense<0.000000e+00> : vector<200x128xf32>
    %reduce_sum3A_384 = vector.multi_reduction <add>, %reshape3A_382, %reduce_sum3A_383 [0] : vector<32x200x128xf32> to vector<200x128xf32>
    %add3A_385 = arith.addf %reduce_sum3A_384, %bitcast_convert_type3A_14 : vector<200x128xf32>
    %mul3A_386 = arith.mulf %reshape3A_275, %dot_general3A_380 : vector<6400x128xf32>
    %reshape3A_387 = vector.shape_cast %mul3A_386 : vector<6400x128xf32> to vector<32x200x128xf32>
    %reduce_sum3A_388 = arith.constant dense<0.000000e+00> : vector<200x128xf32>
    %reduce_sum3A_389 = vector.multi_reduction <add>, %reshape3A_387, %reduce_sum3A_388 [0] : vector<32x200x128xf32> to vector<200x128xf32>
    %add3A_390 = arith.addf %reduce_sum3A_389, %bitcast_convert_type3A_18 : vector<200x128xf32>
    %mul3A_391 = arith.mulf %add3A_385, %add3A_385 : vector<200x128xf32>
    %dot_general3A_392 = arith.constant dense<0.000000e+00> : vector<200x16xf32>
    %dot_general3A_393 = tpu.matmul %mul3A_391, %convert_element_type3A_101, %dot_general3A_392 {dimension_numbers = #tpu.dot_dimension_numbers<[1], [0], [0], [1], [0, 0, 1, 1], [], []>, transpose_lhs_hint = false} : vector<200x128xf32>, vector<128x16xf32>, vector<200x16xf32> -> vector<200x16xf32>
    %mul3A_394 = arith.mulf %add3A_390, %add3A_390 : vector<200x128xf32>
    %dot_general3A_395 = arith.constant dense<0.000000e+00> : vector<200x16xf32>
    %dot_general3A_396 = tpu.matmul %mul3A_394, %convert_element_type3A_197, %dot_general3A_395 {dimension_numbers = #tpu.dot_dimension_numbers<[1], [0], [0], [1], [0, 0, 1, 1], [], []>, transpose_lhs_hint = false} : vector<200x128xf32>, vector<128x16xf32>, vector<200x16xf32> -> vector<200x16xf32>
    %add3A_397 = arith.addf %dot_general3A_393, %dot_general3A_396 : vector<200x16xf32>
    %max3A_398 = arith.constant 1.000000e-24 : f32
    %max3A_399 = vector.broadcast %max3A_398 : f32 to vector<200x16xf32>
    %max3A_400 = arith.maximumf %add3A_397, %max3A_399 : vector<200x16xf32>
    %rsqrt3A_401 = math.rsqrt %max3A_400 : vector<200x16xf32>
    %transpose3A_402 = tpu.transpose %convert_element_type3A_101, [1, 0] : vector<128x16xf32> -> vector<16x128xf32>
    %dot_general3A_403 = arith.constant dense<0.000000e+00> : vector<200x128xf32>
    %dot_general3A_404 = tpu.matmul %rsqrt3A_401, %transpose3A_402, %dot_general3A_403 {dimension_numbers = #tpu.dot_dimension_numbers<[1], [0], [0], [1], [0, 0, 1, 1], [], []>, transpose_lhs_hint = false} : vector<200x16xf32>, vector<16x128xf32>, vector<200x128xf32> -> vector<200x128xf32>
    %mul3A_405 = arith.mulf %add3A_385, %dot_general3A_404 : vector<200x128xf32>
    %transpose3A_406 = tpu.transpose %convert_element_type3A_197, [1, 0] : vector<128x16xf32> -> vector<16x128xf32>
    %dot_general3A_407 = arith.constant dense<0.000000e+00> : vector<200x128xf32>
    %dot_general3A_408 = tpu.matmul %rsqrt3A_401, %transpose3A_406, %dot_general3A_407 {dimension_numbers = #tpu.dot_dimension_numbers<[1], [0], [0], [1], [0, 0, 1, 1], [], []>, transpose_lhs_hint = false} : vector<200x16xf32>, vector<16x128xf32>, vector<200x128xf32> -> vector<200x128xf32>
    %mul3A_409 = arith.mulf %add3A_390, %dot_general3A_408 : vector<200x128xf32>
    %broadcast_in_dim3A_410 = vector.shape_cast %mul3A_405 : vector<200x128xf32> to vector<1x200x128xf32>
    %mul3A_411 = vector.broadcast %broadcast_in_dim3A_410 : vector<1x200x128xf32> to vector<32x200x128xf32>
    %mul3A_412 = arith.mulf %bitcast_convert_type3A, %mul3A_411 : vector<32x200x128xf32>
    %reshape3A_413 = vector.shape_cast %mul3A_412 : vector<32x200x128xf32> to vector<6400x128xf32>
    %convert_element_type3A_414 = arith.truncf %reshape3A_413 : vector<6400x128xf32> to vector<6400x128xbf16>
    %broadcast_in_dim3A_415 = vector.shape_cast %mul3A_409 : vector<200x128xf32> to vector<1x200x128xf32>
    %mul3A_416 = vector.broadcast %broadcast_in_dim3A_415 : vector<1x200x128xf32> to vector<32x200x128xf32>
    %mul3A_417 = arith.mulf %bitcast_convert_type3A_10, %mul3A_416 : vector<32x200x128xf32>
    %reshape3A_418 = vector.shape_cast %mul3A_417 : vector<32x200x128xf32> to vector<6400x128xf32>
    %convert_element_type3A_419 = arith.truncf %reshape3A_418 : vector<6400x128xf32> to vector<6400x128xbf16>
    %dot_general3A_420 = arith.constant dense<0.000000e+00> : vector<6400x16xf32>
    %dot_general3A_421 = tpu.matmul %convert_element_type3A_414, %convert_element_type3A_203, %dot_general3A_420 {dimension_numbers = #tpu.dot_dimension_numbers<[1], [0], [0], [1], [0, 0, 1, 1], [], []>, transpose_lhs_hint = false} : vector<6400x128xbf16>, vector<128x16xbf16>, vector<6400x16xf32> -> vector<6400x16xf32>
    %dot_general3A_422 = arith.constant dense<0.000000e+00> : vector<6400x16xf32>
    %dot_general3A_423 = tpu.matmul %convert_element_type3A_419, %convert_element_type3A_207, %dot_general3A_422 {dimension_numbers = #tpu.dot_dimension_numbers<[1], [0], [0], [1], [0, 0, 1, 1], [], []>, transpose_lhs_hint = false} : vector<6400x128xbf16>, vector<128x16xbf16>, vector<6400x16xf32> -> vector<6400x16xf32>
    %add3A_424 = arith.addf %dot_general3A_421, %dot_general3A_423 : vector<6400x16xf32>
    %exp23A_425 = math.exp2 %add3A_424 : vector<6400x16xf32>
    %dot_general3A_426 = arith.constant dense<0.000000e+00> : vector<6400x16xf32>
    %dot_general3A_427 = tpu.matmul %exp23A_425, %convert_element_type3A_274, %dot_general3A_426 {dimension_numbers = #tpu.dot_dimension_numbers<[1], [0], [0], [1], [0, 0, 1, 1], [], []>, transpose_lhs_hint = false} : vector<6400x16xf32>, vector<16x16xf32>, vector<6400x16xf32> -> vector<6400x16xf32>
    %div3A_428 = arith.divf %exp23A_425, %dot_general3A_427 : vector<6400x16xf32>
    %convert_element_type3A_429 = arith.truncf %div3A_428 : vector<6400x16xf32> to vector<6400x16xbf16>
    %transpose3A_430 = tpu.transpose %convert_element_type3A_198, [1, 0] : vector<128x16xbf16> -> vector<16x128xbf16>
    %dot_general3A_431 = arith.constant dense<0.000000e+00> : vector<6400x128xf32>
    %dot_general3A_432 = tpu.matmul %convert_element_type3A_429, %transpose3A_430, %dot_general3A_431 {dimension_numbers = #tpu.dot_dimension_numbers<[1], [0], [0], [1], [0, 0, 1, 1], [], []>, transpose_lhs_hint = false} : vector<6400x16xbf16>, vector<16x128xbf16>, vector<6400x128xf32> -> vector<6400x128xf32>
    %transpose3A_433 = tpu.transpose %convert_element_type3A_199, [1, 0] : vector<128x16xbf16> -> vector<16x128xbf16>
    %dot_general3A_434 = arith.constant dense<0.000000e+00> : vector<6400x128xf32>
    %dot_general3A_435 = tpu.matmul %convert_element_type3A_429, %transpose3A_433, %dot_general3A_434 {dimension_numbers = #tpu.dot_dimension_numbers<[1], [0], [0], [1], [0, 0, 1, 1], [], []>, transpose_lhs_hint = false} : vector<6400x16xbf16>, vector<16x128xbf16>, vector<6400x128xf32> -> vector<6400x128xf32>
    %mul3A_436 = arith.mulf %reshape3A, %dot_general3A_432 : vector<6400x128xf32>
    %reshape3A_437 = vector.shape_cast %mul3A_436 : vector<6400x128xf32> to vector<32x200x128xf32>
    %reduce_sum3A_438 = arith.constant dense<0.000000e+00> : vector<200x128xf32>
    %reduce_sum3A_439 = vector.multi_reduction <add>, %reshape3A_437, %reduce_sum3A_438 [0] : vector<32x200x128xf32> to vector<200x128xf32>
    %add3A_440 = arith.addf %reduce_sum3A_439, %bitcast_convert_type3A_14 : vector<200x128xf32>
    %mul3A_441 = arith.mulf %reshape3A_275, %dot_general3A_435 : vector<6400x128xf32>
    %reshape3A_442 = vector.shape_cast %mul3A_441 : vector<6400x128xf32> to vector<32x200x128xf32>
    %reduce_sum3A_443 = arith.constant dense<0.000000e+00> : vector<200x128xf32>
    %reduce_sum3A_444 = vector.multi_reduction <add>, %reshape3A_442, %reduce_sum3A_443 [0] : vector<32x200x128xf32> to vector<200x128xf32>
    %add3A_445 = arith.addf %reduce_sum3A_444, %bitcast_convert_type3A_18 : vector<200x128xf32>
    %mul3A_446 = arith.mulf %add3A_440, %add3A_440 : vector<200x128xf32>
    %dot_general3A_447 = arith.constant dense<0.000000e+00> : vector<200x16xf32>
    %dot_general3A_448 = tpu.matmul %mul3A_446, %convert_element_type3A_101, %dot_general3A_447 {dimension_numbers = #tpu.dot_dimension_numbers<[1], [0], [0], [1], [0, 0, 1, 1], [], []>, transpose_lhs_hint = false} : vector<200x128xf32>, vector<128x16xf32>, vector<200x16xf32> -> vector<200x16xf32>
    %mul3A_449 = arith.mulf %add3A_445, %add3A_445 : vector<200x128xf32>
    %dot_general3A_450 = arith.constant dense<0.000000e+00> : vector<200x16xf32>
    %dot_general3A_451 = tpu.matmul %mul3A_449, %convert_element_type3A_197, %dot_general3A_450 {dimension_numbers = #tpu.dot_dimension_numbers<[1], [0], [0], [1], [0, 0, 1, 1], [], []>, transpose_lhs_hint = false} : vector<200x128xf32>, vector<128x16xf32>, vector<200x16xf32> -> vector<200x16xf32>
    %add3A_452 = arith.addf %dot_general3A_448, %dot_general3A_451 : vector<200x16xf32>
    %max3A_453 = arith.constant 1.000000e-24 : f32
    %max3A_454 = vector.broadcast %max3A_453 : f32 to vector<200x16xf32>
    %max3A_455 = arith.maximumf %add3A_452, %max3A_454 : vector<200x16xf32>
    %rsqrt3A_456 = math.rsqrt %max3A_455 : vector<200x16xf32>
    %transpose3A_457 = tpu.transpose %convert_element_type3A_101, [1, 0] : vector<128x16xf32> -> vector<16x128xf32>
    %dot_general3A_458 = arith.constant dense<0.000000e+00> : vector<200x128xf32>
    %dot_general3A_459 = tpu.matmul %rsqrt3A_456, %transpose3A_457, %dot_general3A_458 {dimension_numbers = #tpu.dot_dimension_numbers<[1], [0], [0], [1], [0, 0, 1, 1], [], []>, transpose_lhs_hint = false} : vector<200x16xf32>, vector<16x128xf32>, vector<200x128xf32> -> vector<200x128xf32>
    %mul3A_460 = arith.mulf %add3A_440, %dot_general3A_459 : vector<200x128xf32>
    %transpose3A_461 = tpu.transpose %convert_element_type3A_197, [1, 0] : vector<128x16xf32> -> vector<16x128xf32>
    %dot_general3A_462 = arith.constant dense<0.000000e+00> : vector<200x128xf32>
    %dot_general3A_463 = tpu.matmul %rsqrt3A_456, %transpose3A_461, %dot_general3A_462 {dimension_numbers = #tpu.dot_dimension_numbers<[1], [0], [0], [1], [0, 0, 1, 1], [], []>, transpose_lhs_hint = false} : vector<200x16xf32>, vector<16x128xf32>, vector<200x128xf32> -> vector<200x128xf32>
    %mul3A_464 = arith.mulf %add3A_445, %dot_general3A_463 : vector<200x128xf32>
    %broadcast_in_dim3A_465 = vector.shape_cast %mul3A_460 : vector<200x128xf32> to vector<1x200x128xf32>
    %mul3A_466 = vector.broadcast %broadcast_in_dim3A_465 : vector<1x200x128xf32> to vector<32x200x128xf32>
    %mul3A_467 = arith.mulf %bitcast_convert_type3A, %mul3A_466 : vector<32x200x128xf32>
    %reshape3A_468 = vector.shape_cast %mul3A_467 : vector<32x200x128xf32> to vector<6400x128xf32>
    %convert_element_type3A_469 = arith.truncf %reshape3A_468 : vector<6400x128xf32> to vector<6400x128xbf16>
    %broadcast_in_dim3A_470 = vector.shape_cast %mul3A_464 : vector<200x128xf32> to vector<1x200x128xf32>
    %mul3A_471 = vector.broadcast %broadcast_in_dim3A_470 : vector<1x200x128xf32> to vector<32x200x128xf32>
    %mul3A_472 = arith.mulf %bitcast_convert_type3A_10, %mul3A_471 : vector<32x200x128xf32>
    %reshape3A_473 = vector.shape_cast %mul3A_472 : vector<32x200x128xf32> to vector<6400x128xf32>
    %convert_element_type3A_474 = arith.truncf %reshape3A_473 : vector<6400x128xf32> to vector<6400x128xbf16>
    %dot_general3A_475 = arith.constant dense<0.000000e+00> : vector<6400x16xf32>
    %dot_general3A_476 = tpu.matmul %convert_element_type3A_469, %convert_element_type3A_203, %dot_general3A_475 {dimension_numbers = #tpu.dot_dimension_numbers<[1], [0], [0], [1], [0, 0, 1, 1], [], []>, transpose_lhs_hint = false} : vector<6400x128xbf16>, vector<128x16xbf16>, vector<6400x16xf32> -> vector<6400x16xf32>
    %dot_general3A_477 = arith.constant dense<0.000000e+00> : vector<6400x16xf32>
    %dot_general3A_478 = tpu.matmul %convert_element_type3A_474, %convert_element_type3A_207, %dot_general3A_477 {dimension_numbers = #tpu.dot_dimension_numbers<[1], [0], [0], [1], [0, 0, 1, 1], [], []>, transpose_lhs_hint = false} : vector<6400x128xbf16>, vector<128x16xbf16>, vector<6400x16xf32> -> vector<6400x16xf32>
    %add3A_479 = arith.addf %dot_general3A_476, %dot_general3A_478 : vector<6400x16xf32>
    %exp23A_480 = math.exp2 %add3A_479 : vector<6400x16xf32>
    %dot_general3A_481 = arith.constant dense<0.000000e+00> : vector<6400x16xf32>
    %dot_general3A_482 = tpu.matmul %exp23A_480, %convert_element_type3A_274, %dot_general3A_481 {dimension_numbers = #tpu.dot_dimension_numbers<[1], [0], [0], [1], [0, 0, 1, 1], [], []>, transpose_lhs_hint = false} : vector<6400x16xf32>, vector<16x16xf32>, vector<6400x16xf32> -> vector<6400x16xf32>
    %div3A_483 = arith.divf %exp23A_480, %dot_general3A_482 : vector<6400x16xf32>
    %convert_element_type3A_484 = arith.truncf %div3A_483 : vector<6400x16xf32> to vector<6400x16xbf16>
    %transpose3A_485 = tpu.transpose %convert_element_type3A_198, [1, 0] : vector<128x16xbf16> -> vector<16x128xbf16>
    %dot_general3A_486 = arith.constant dense<0.000000e+00> : vector<6400x128xf32>
    %dot_general3A_487 = tpu.matmul %convert_element_type3A_484, %transpose3A_485, %dot_general3A_486 {dimension_numbers = #tpu.dot_dimension_numbers<[1], [0], [0], [1], [0, 0, 1, 1], [], []>, transpose_lhs_hint = false} : vector<6400x16xbf16>, vector<16x128xbf16>, vector<6400x128xf32> -> vector<6400x128xf32>
    %transpose3A_488 = tpu.transpose %convert_element_type3A_199, [1, 0] : vector<128x16xbf16> -> vector<16x128xbf16>
    %dot_general3A_489 = arith.constant dense<0.000000e+00> : vector<6400x128xf32>
    %dot_general3A_490 = tpu.matmul %convert_element_type3A_484, %transpose3A_488, %dot_general3A_489 {dimension_numbers = #tpu.dot_dimension_numbers<[1], [0], [0], [1], [0, 0, 1, 1], [], []>, transpose_lhs_hint = false} : vector<6400x16xbf16>, vector<16x128xbf16>, vector<6400x128xf32> -> vector<6400x128xf32>
    %mul3A_491 = arith.mulf %reshape3A, %dot_general3A_487 : vector<6400x128xf32>
    %reshape3A_492 = vector.shape_cast %mul3A_491 : vector<6400x128xf32> to vector<32x200x128xf32>
    %reduce_sum3A_493 = arith.constant dense<0.000000e+00> : vector<200x128xf32>
    %reduce_sum3A_494 = vector.multi_reduction <add>, %reshape3A_492, %reduce_sum3A_493 [0] : vector<32x200x128xf32> to vector<200x128xf32>
    %add3A_495 = arith.addf %reduce_sum3A_494, %bitcast_convert_type3A_14 : vector<200x128xf32>
    %mul3A_496 = arith.mulf %reshape3A_275, %dot_general3A_490 : vector<6400x128xf32>
    %reshape3A_497 = vector.shape_cast %mul3A_496 : vector<6400x128xf32> to vector<32x200x128xf32>
    %reduce_sum3A_498 = arith.constant dense<0.000000e+00> : vector<200x128xf32>
    %reduce_sum3A_499 = vector.multi_reduction <add>, %reshape3A_497, %reduce_sum3A_498 [0] : vector<32x200x128xf32> to vector<200x128xf32>
    %add3A_500 = arith.addf %reduce_sum3A_499, %bitcast_convert_type3A_18 : vector<200x128xf32>
    %mul3A_501 = arith.mulf %add3A_495, %add3A_495 : vector<200x128xf32>
    %dot_general3A_502 = arith.constant dense<0.000000e+00> : vector<200x16xf32>
    %dot_general3A_503 = tpu.matmul %mul3A_501, %convert_element_type3A_101, %dot_general3A_502 {dimension_numbers = #tpu.dot_dimension_numbers<[1], [0], [0], [1], [0, 0, 1, 1], [], []>, transpose_lhs_hint = false} : vector<200x128xf32>, vector<128x16xf32>, vector<200x16xf32> -> vector<200x16xf32>
    %mul3A_504 = arith.mulf %add3A_500, %add3A_500 : vector<200x128xf32>
    %dot_general3A_505 = arith.constant dense<0.000000e+00> : vector<200x16xf32>
    %dot_general3A_506 = tpu.matmul %mul3A_504, %convert_element_type3A_197, %dot_general3A_505 {dimension_numbers = #tpu.dot_dimension_numbers<[1], [0], [0], [1], [0, 0, 1, 1], [], []>, transpose_lhs_hint = false} : vector<200x128xf32>, vector<128x16xf32>, vector<200x16xf32> -> vector<200x16xf32>
    %add3A_507 = arith.addf %dot_general3A_503, %dot_general3A_506 : vector<200x16xf32>
    %max3A_508 = arith.constant 1.000000e-24 : f32
    %max3A_509 = vector.broadcast %max3A_508 : f32 to vector<200x16xf32>
    %max3A_510 = arith.maximumf %add3A_507, %max3A_509 : vector<200x16xf32>
    %rsqrt3A_511 = math.rsqrt %max3A_510 : vector<200x16xf32>
    %transpose3A_512 = tpu.transpose %convert_element_type3A_101, [1, 0] : vector<128x16xf32> -> vector<16x128xf32>
    %dot_general3A_513 = arith.constant dense<0.000000e+00> : vector<200x128xf32>
    %dot_general3A_514 = tpu.matmul %rsqrt3A_511, %transpose3A_512, %dot_general3A_513 {dimension_numbers = #tpu.dot_dimension_numbers<[1], [0], [0], [1], [0, 0, 1, 1], [], []>, transpose_lhs_hint = false} : vector<200x16xf32>, vector<16x128xf32>, vector<200x128xf32> -> vector<200x128xf32>
    %mul3A_515 = arith.mulf %add3A_495, %dot_general3A_514 : vector<200x128xf32>
    %transpose3A_516 = tpu.transpose %convert_element_type3A_197, [1, 0] : vector<128x16xf32> -> vector<16x128xf32>
    %dot_general3A_517 = arith.constant dense<0.000000e+00> : vector<200x128xf32>
    %dot_general3A_518 = tpu.matmul %rsqrt3A_511, %transpose3A_516, %dot_general3A_517 {dimension_numbers = #tpu.dot_dimension_numbers<[1], [0], [0], [1], [0, 0, 1, 1], [], []>, transpose_lhs_hint = false} : vector<200x16xf32>, vector<16x128xf32>, vector<200x128xf32> -> vector<200x128xf32>
    %mul3A_519 = arith.mulf %add3A_500, %dot_general3A_518 : vector<200x128xf32>
    %broadcast_in_dim3A_520 = vector.shape_cast %mul3A_515 : vector<200x128xf32> to vector<1x200x128xf32>
    %mul3A_521 = vector.broadcast %broadcast_in_dim3A_520 : vector<1x200x128xf32> to vector<32x200x128xf32>
    %mul3A_522 = arith.mulf %bitcast_convert_type3A, %mul3A_521 : vector<32x200x128xf32>
    %reshape3A_523 = vector.shape_cast %mul3A_522 : vector<32x200x128xf32> to vector<6400x128xf32>
    %convert_element_type3A_524 = arith.truncf %reshape3A_523 : vector<6400x128xf32> to vector<6400x128xbf16>
    %broadcast_in_dim3A_525 = vector.shape_cast %mul3A_519 : vector<200x128xf32> to vector<1x200x128xf32>
    %mul3A_526 = vector.broadcast %broadcast_in_dim3A_525 : vector<1x200x128xf32> to vector<32x200x128xf32>
    %mul3A_527 = arith.mulf %bitcast_convert_type3A_10, %mul3A_526 : vector<32x200x128xf32>
    %reshape3A_528 = vector.shape_cast %mul3A_527 : vector<32x200x128xf32> to vector<6400x128xf32>
    %convert_element_type3A_529 = arith.truncf %reshape3A_528 : vector<6400x128xf32> to vector<6400x128xbf16>
    %dot_general3A_530 = arith.constant dense<0.000000e+00> : vector<6400x16xf32>
    %dot_general3A_531 = tpu.matmul %convert_element_type3A_524, %convert_element_type3A_203, %dot_general3A_530 {dimension_numbers = #tpu.dot_dimension_numbers<[1], [0], [0], [1], [0, 0, 1, 1], [], []>, transpose_lhs_hint = false} : vector<6400x128xbf16>, vector<128x16xbf16>, vector<6400x16xf32> -> vector<6400x16xf32>
    %dot_general3A_532 = arith.constant dense<0.000000e+00> : vector<6400x16xf32>
    %dot_general3A_533 = tpu.matmul %convert_element_type3A_529, %convert_element_type3A_207, %dot_general3A_532 {dimension_numbers = #tpu.dot_dimension_numbers<[1], [0], [0], [1], [0, 0, 1, 1], [], []>, transpose_lhs_hint = false} : vector<6400x128xbf16>, vector<128x16xbf16>, vector<6400x16xf32> -> vector<6400x16xf32>
    %add3A_534 = arith.addf %dot_general3A_531, %dot_general3A_533 : vector<6400x16xf32>
    %exp23A_535 = math.exp2 %add3A_534 : vector<6400x16xf32>
    %dot_general3A_536 = arith.constant dense<0.000000e+00> : vector<6400x16xf32>
    %dot_general3A_537 = tpu.matmul %exp23A_535, %convert_element_type3A_274, %dot_general3A_536 {dimension_numbers = #tpu.dot_dimension_numbers<[1], [0], [0], [1], [0, 0, 1, 1], [], []>, transpose_lhs_hint = false} : vector<6400x16xf32>, vector<16x16xf32>, vector<6400x16xf32> -> vector<6400x16xf32>
    %div3A_538 = arith.divf %exp23A_535, %dot_general3A_537 : vector<6400x16xf32>
    %convert_element_type3A_539 = arith.truncf %div3A_538 : vector<6400x16xf32> to vector<6400x16xbf16>
    %transpose3A_540 = tpu.transpose %convert_element_type3A_198, [1, 0] : vector<128x16xbf16> -> vector<16x128xbf16>
    %dot_general3A_541 = arith.constant dense<0.000000e+00> : vector<6400x128xf32>
    %dot_general3A_542 = tpu.matmul %convert_element_type3A_539, %transpose3A_540, %dot_general3A_541 {dimension_numbers = #tpu.dot_dimension_numbers<[1], [0], [0], [1], [0, 0, 1, 1], [], []>, transpose_lhs_hint = false} : vector<6400x16xbf16>, vector<16x128xbf16>, vector<6400x128xf32> -> vector<6400x128xf32>
    %transpose3A_543 = tpu.transpose %convert_element_type3A_199, [1, 0] : vector<128x16xbf16> -> vector<16x128xbf16>
    %dot_general3A_544 = arith.constant dense<0.000000e+00> : vector<6400x128xf32>
    %dot_general3A_545 = tpu.matmul %convert_element_type3A_539, %transpose3A_543, %dot_general3A_544 {dimension_numbers = #tpu.dot_dimension_numbers<[1], [0], [0], [1], [0, 0, 1, 1], [], []>, transpose_lhs_hint = false} : vector<6400x16xbf16>, vector<16x128xbf16>, vector<6400x128xf32> -> vector<6400x128xf32>
    %mul3A_546 = arith.mulf %reshape3A, %dot_general3A_542 : vector<6400x128xf32>
    %reshape3A_547 = vector.shape_cast %mul3A_546 : vector<6400x128xf32> to vector<32x200x128xf32>
    %reduce_sum3A_548 = arith.constant dense<0.000000e+00> : vector<200x128xf32>
    %reduce_sum3A_549 = vector.multi_reduction <add>, %reshape3A_547, %reduce_sum3A_548 [0] : vector<32x200x128xf32> to vector<200x128xf32>
    %add3A_550 = arith.addf %reduce_sum3A_549, %bitcast_convert_type3A_14 : vector<200x128xf32>
    %mul3A_551 = arith.mulf %reshape3A_275, %dot_general3A_545 : vector<6400x128xf32>
    %reshape3A_552 = vector.shape_cast %mul3A_551 : vector<6400x128xf32> to vector<32x200x128xf32>
    %reduce_sum3A_553 = arith.constant dense<0.000000e+00> : vector<200x128xf32>
    %reduce_sum3A_554 = vector.multi_reduction <add>, %reshape3A_552, %reduce_sum3A_553 [0] : vector<32x200x128xf32> to vector<200x128xf32>
    %add3A_555 = arith.addf %reduce_sum3A_554, %bitcast_convert_type3A_18 : vector<200x128xf32>
    %slice3A = vector.extract_strided_slice %add3A_550 {offsets = [0, 0], sizes = [200, 64], strides = [1, 1]} : vector<200x128xf32> to vector<200x64xf32>
    %slice3A_556 = vector.extract_strided_slice %add3A_555 {offsets = [0, 0], sizes = [200, 64], strides = [1, 1]} : vector<200x128xf32> to vector<200x64xf32>
    %slice3A_557 = vector.extract_strided_slice %add3A_550 {offsets = [0, 64], sizes = [200, 64], strides = [1, 1]} : vector<200x128xf32> to vector<200x64xf32>
    %slice3A_558 = vector.extract_strided_slice %add3A_555 {offsets = [0, 64], sizes = [200, 64], strides = [1, 1]} : vector<200x128xf32> to vector<200x64xf32>
    %concatenate3A = tpu.concatenate %slice3A, %slice3A_556, %slice3A_557, %slice3A_558 in 1 : vector<200x64xf32>, vector<200x64xf32>, vector<200x64xf32>, vector<200x64xf32> -> vector<200x256xf32>
    %swap3A = arith.constant 0 : index
    %swap3A_559 = arith.constant 0 : index
    %swap3A_560 = vector.load %arg3[%swap3A, %swap3A_559] : memref<200x256xf32, #tpu.memory_space<vmem>>, vector<200x256xf32>
    tpu.vector_store %arg3[%swap3A, %swap3A_559], %concatenate3A {strides = array<i32>} : memref<200x256xf32, #tpu.memory_space<vmem>>, vector<200x256xf32>,
    return
  }
  func.func @transform_0(%arg0: i32) -> (i32, i32, i32) {
    %c0_i32 = arith.constant 0 : i32
    %c0_i32_0 = arith.constant 0 : i32
    %c0_i32_1 = arith.constant 0 : i32
    return %c0_i32, %arg0, %c0_i32_0 : i32, i32, i32
  }
  func.func @transform_1(%arg0: i32) -> (i32, i32) {
    %c0_i32 = arith.constant 0 : i32
    %c0_i32_0 = arith.constant 0 : i32
    return %arg0, %c0_i32 : i32, i32
  }
  func.func @transform_2(%arg0: i32) -> (i32, i32) {
    %c0_i32 = arith.constant 0 : i32
    %c0_i32_0 = arith.constant 0 : i32
    return %arg0, %c0_i32 : i32, i32
  }
}

</mosaic_0001>

<sc_bundles>
// kernel: kernel.10.cloned.1.call-start
scs
__scs_entry_jumppad:
0x0: {  	(pc) =	sbr.rel $0x88, $3  }
0x1: {  	(tag) =	ssettag $0x0;
	lr =	simm.s32 $0x1  }
0x2: {  	[smem:$0x3F9F] =	sst lr;
	_ =	strace $0xD0000000  }
0x3: {  	_ = 	snop  }
0x4: {  	_ = 	snop  }
0x5: {  	_ = 	snop  }
0x6: {  	_ = 	snop  }
0x7: {  	_ = 	snop  }
__scs_overlays_trampoline_lowered:
0x8: {  	[smem:$0x3FAE] =	sst s0  }
0x9: {  	[smem:$0x3FAF] =	sst s1  }
0xa: {  	[smem:$0x3FB0] =	sst s2  }
0xb: {  	[smem:$0x3FB1] =	sst s3  }
0xc: {  	[smem:$0x3FB2] =	sst s4  }
0xd: {  	[smem:$0x3FB3] =	sst s5  }
0xe: {  	[smem:$0x3FB4] =	sst s6  }
0xf: {  	[smem:$0x3FB5] =	sst s7  }
0x10: {  	[smem:$0x3FB6] =	sst s8  }
0x11: {  	[smem:$0x3FB7] =	sst s9;
	s0 =	simm.s32 @!p0 $0x0  }
0x12: {  	s1 =	sld [smem:$0x3F9D];
	s0 =	simm.s32 @p0 $0x1  }
0x13: {  	[smem:$0x3FB8] =	sst s0;
	s0 =	simm.s32 @!p1 $0x0  }
0x14: {  	s2 =	sld [smem:$0x3F9C];
	s0 =	simm.s32 @p1 $0x1  }
0x15: {  	[smem:$0x3FB9] =	sst s0;
	s0 =	simm.s32 @!p2 $0x0  }
0x16: {  	s3 =	sld [smem:$0x3FDB];
	s0 =	simm.s32 @p2 $0x1  }
0x17: {  	s4 =	simm.s32 $0x1BF5;
	[smem:$0x3FBB] =	sst s0  }
0x18: {  	s0 =	sld [smem:$0x3F9E];
	_ =	swait.ge [sflag:s4], $0x0  }
0x19: {  	s7 =	sld [smem:$0x3F9F]  }
0x1a: {  	s8 =	sadd.s32 $0xFFFFE003, lr  }
0x1b: {  	s9 =	sadd.s32 $0xFFFFFEF7, lr;
	s5 =	simm.s32 $0xFFFFFFFF;
	p2 =	slt.u32 s8, $0xFFFFF086  }
0x1c: {  	p1 =	slt.u32 s9, $0xF7A;
	s5 =	simm.s32 @!p2 $0x0  }
0x1d: {  	s5 =	simm.s32 @p1 $0x1;
	p0 =	seq.s32 s7, s2  }
0x1e: {  	s7 =	smul.u32 @!p0 $0xF7A, s2;
	p2 =	seq.s32 @!p0 s5, $0x0  }
0x1f: {  	s9 =	smul.u32 $0xF7A, s1;
	s8 =	simm.s32 @!p0 $0x1BF5;
	p2 =	por !p2, p0  }
0x20: {  	[sflag:s8] =	ssyncset.s32 @!p0 $0xFFFFF086;
	s6 =	sadd.s32 @!p0 s3, s7;
	s7 =	simm.s32 @!p0 $0x108  }
0x21: {  	s3 =	sadd.s32 s3, s9;
	s6 =	sadd.s32 @!p0 $0x88, s6;
	s7 =	simm.s32 @p2 $0x1082  }
0x22: {  	[simem:s7], [sflag:s8] =	dma.local @!p0 [hbm:s6], $0xF7A  }
0x23: {  	s9 =	sor.u32 $0xD0000000, s2;
	s6 =	simm.s32 $0x108;
	_ =	swait.ge @!p0 [sflag:s8], $0x0  }
0x24: {  	s3 =	sadd.s32 $0x88, s3;
	s6 =	simm.s32 @!p1 $0x1082;
	[sflag:s4] =	ssyncset.s32 $0xFFFFF086  }
0x25: {  	[simem:s6], [sflag:s4] =	dma.local [hbm:s3], $0xF7A  }
0x26: {  	[smem:$0x3F9F] =	sst s1;
	(tag) =	ssettag s2;
	_ =	strace s9  }
0x27: {  	s1 =	sld [smem:$0x3FAF]  }
0x28: {  	s2 =	sld [smem:$0x3FB0]  }
0x29: {  	s4 =	sld [smem:$0x3FB2]  }
0x2a: {  	p0 =	seq.s32 s5, $0x0;
	s5 =	sld [smem:$0x3FB3]  }
0x2b: {  	s6 =	sld [smem:$0x3FB4]  }
0x2c: {  	s7 =	sld [smem:$0x3FB5]  }
0x2d: {  	s3 =	simm.s32 $0x108;
	s8 =	sld [smem:$0x3FB6]  }
0x2e: {  	s3 =	simm.s32 @!p0 $0x1082;
	s9 =	sld [smem:$0x3FB7]  }
0x2f: {  	lr =	sadd.s32 s0, s3;
	s0 =	sld [smem:$0x3FAE]  }
0x30: {  	s3 =	sld [smem:$0x3FB1]  }
0x31: {  	[smem:$0x3FBA] =	sst s10  }
0x32: {  	s10 =	sld [smem:$0x3FB8];
	_ =	sdelay $0x3  }
0x33: {  	p0 =	seq.s32 s10, $0x1;
	s10 =	sld [smem:$0x3FBA];
	_ =	sdelay $0x3  }
0x34: {  	[smem:$0x3FBA] =	sst s10  }
0x35: {  	s10 =	sld [smem:$0x3FB9];
	_ =	sdelay $0x3  }
0x36: {  	p1 =	seq.s32 s10, $0x1;
	s10 =	sld [smem:$0x3FBA];
	_ =	sdelay $0x3  }
0x37: {  	[smem:$0x3FBA] =	sst s10  }
0x38: {  	s10 =	sld [smem:$0x3FBB]  }
0x39: {  	_ = 	snop;
	(pc) =	sbr.ind lr, $3  }
0x3a: {  	_ = 	snop  }
0x3b: {  	_ = 	snop  }
0x3c: {  	p2 =	seq.s32 s10, $0x1;
	s10 =	sld [smem:$0x3FBA]  }
0x3d: {  	_ =	shalt  }
0x3e: {  	_ =	shalt  }
0x3f: {  	_ =	shalt  }
0x40: {  	_ =	shalt  }
0x41: {  	_ =	shalt  }
0x42: {  	_ =	shalt  }
0x43: {  	_ =	shalt  }
0x44: {  	_ =	shalt  }
0x45: {  	_ =	shalt  }
0x46: {  	_ =	shalt  }
0x47: {  	_ =	shalt  }
0x48: {  	_ =	shalt  }
0x49: {  	_ =	shalt  }
0x4a: {  	_ =	shalt  }
0x4b: {  	_ =	shalt  }
0x4c: {  	_ =	shalt  }
0x4d: {  	_ =	shalt  }
0x4e: {  	_ =	shalt  }
0x4f: {  	_ =	shalt  }
0x50: {  	_ =	shalt  }
0x51: {  	_ =	shalt  }
0x52: {  	_ =	shalt  }
0x53: {  	_ =	shalt  }
0x54: {  	_ =	shalt  }
0x55: {  	_ =	shalt  }
0x56: {  	_ =	shalt  }
0x57: {  	_ =	shalt  }
0x58: {  	_ =	shalt  }
0x59: {  	_ =	shalt  }
0x5a: {  	_ =	shalt  }
0x5b: {  	_ =	shalt  }
0x5c: {  	_ =	shalt  }
0x5d: {  	_ =	shalt  }
0x5e: {  	_ =	shalt  }
0x5f: {  	_ =	shalt  }
0x60: {  	_ =	shalt  }
0x61: {  	_ =	shalt  }
0x62: {  	_ =	shalt  }
0x63: {  	_ =	shalt  }
0x64: {  	_ =	shalt  }
0x65: {  	_ =	shalt  }
0x66: {  	_ =	shalt  }
0x67: {  	_ =	shalt  }
0x68: {  	_ =	shalt  }
0x69: {  	_ =	shalt  }
0x6a: {  	_ =	shalt  }
0x6b: {  	_ =	shalt  }
0x6c: {  	_ =	shalt  }
0x6d: {  	_ =	shalt  }
0x6e: {  	_ =	shalt  }
0x6f: {  	_ =	shalt  }
0x70: {  	_ =	shalt  }
0x71: {  	_ =	shalt  }
0x72: {  	_ =	shalt  }
0x73: {  	_ =	shalt  }
0x74: {  	_ =	shalt  }
0x75: {  	_ =	shalt  }
0x76: {  	_ =	shalt  }
0x77: {  	_ =	shalt  }
0x78: {  	_ =	shalt  }
0x79: {  	_ =	shalt  }
0x7a: {  	_ =	shalt  }
0x7b: {  	_ =	shalt  }
0x7c: {  	_ =	shalt  }
0x7d: {  	_ =	shalt  }
0x7e: {  	_ =	shalt  }
0x7f: {  	_ =	shalt  }
0x80: {  	_ =	shalt  }
0x81: {  	_ =	shalt  }
0x82: {  	_ =	shalt  }
0x83: {  	_ =	shalt  }
0x84: {  	_ =	shalt  }
0x85: {  	_ =	shalt  }
0x86: {  	_ =	shalt  }
0x87: {  	_ =	shalt  }
.Lfunc_end0:
.L_simem_size_0:
called_computation.1_lowered:
.L_overlay_start_0:
0x88: {  	s2 =	sld [smem:$0x3FD9]  }
0x89: {  	s3 =	sld [smem:$0x3FFE];
	_ =	sdelay $0x1  }
0x8a: {  	s1 =	srdreg.scid  }
0x8b: {  	s0 =	sand.u32 $0x1, s1  }
0x8c: {  	s17 =	sshll.u32 s0, $0xA;
	s2 =	sadd.s32 s3, s2  }
0x8d: {  	s2 =	sadd.s32 s2, s17  }
0x8e: {  	[smem:$0x3FC6] =	sst s2  }
0x8f: {  	_ = 	snop  }
0x90: {  	s18 =	sld [smem:$0x3FD0];
	(tm) =	ssettm $0x1  }
0x91: {  	s19 =	sld [smem:$0x3FFB];
	_ =	sdelay $0x3  }
0x92: {  	_ =	strace s19  }
0x93: {  	s2 =	sld [smem:$0x3FFC];
	_ =	sdelay $0x3  }
0x94: {  	_ =	strace s2  }
0x95: {  	s2 =	sld [smem:$0x3FFD];
	_ =	sdelay $0x3  }
0x96: {  	_ =	strace s2  }
0x97: {  	_ =	strace $0x8FFFFFFF  }
0x98: {  	s20 =	sld [smem:$0x3FDB];
	_ =	sdelay $0x1  }
0x99: {  	s4 =	simm.s32 $_scs_section_size  }
0x9a: {  	s5 =	simm.s32 $_size__tile_overlayer_lowered;
	s6 =	simm.s32 $_tile_overlayer_lowered  }
0x9b: {  	s7 =	simm.s32 $0x1BFF;
	s21 =	sshll.u32 s6, $0x1;
	s4 =	sadd.s32 s4, s20  }
0x9c: {  	s22 =	simm.s32 $0x0;
	s5 =	sshll.u32 s5, $0x1;
	s6 =	sadd.s32 s21, s4  }
0x9d: {  	[timem:s22], [sflag:s7] =	dma.local [hbm:s6], s5  }
0x9e: {  	_ =	swait.ge [sflag:s7], s5  }
0x9f: {  	s5 =	ssub.s32 $0x0, s5;
	[sflag:s7] =	ssyncset.done $0x0  }
0xa0: {  	[sflag:s7] =	ssyncadd.s32 s5;
	_ =	sdelay $0x1  }
0xa1: {  	s23 =	simm.s32 $0x1B8B  }
0xa2: {  	_ =	swait.ge [sflag:s23], $0x1  }
0xa3: {  	[sflag:s23] =	ssyncset.done $0x0  }
0xa4: {  	[sflag:s23] =	ssyncadd.s32 $0xFFFFFFFF  }
0xa5: {  	s5 =	sld [smem:$0x0]  }
0xa6: {  	s6 =	sand.u32 $0xFFFFFFFE, s1  }
0xa7: {  	p0 =	sne.s32 s1, s6  }
0xa8: {  	s6 =	sshll.u32 @p0 s6, $0xE  }
0xa9: {  	s6 =	sadd.s32 @p0 $0x11B8D, s6;
	s7 =	sshll.u32 @p0 s5, $0x11  }
0xaa: {  	s6 =	sor.u32 @p0 s7, s6  }
0xab: {  	[sflag:s6] =	ssyncadd.remote.s32 @p0 $0x1;
	_ =	sdelay $0x1  }
0xac: {  	s6 =	simm.s32 @p0 $0x1B8D  }
0xad: {  	_ =	swait.eq @p0 [sflag:s6], $0x1  }
0xae: {  	[sflag:s6] =	ssyncadd.s32 @p0 $0xFFFFFFFF  }
0xaf: {  	s7 =	sshll.u32 @!p0 s1, $0xE  }
0xb0: {  	s7 =	sor.u32 @!p0 $0x4000, s7;
	s6 =	simm.s32 @!p0 $0x1B8D  }
0xb1: {  	s5 =	sshll.u32 @!p0 s5, $0x11;
	s7 =	sadd.s32 @!p0 $0x11B8D, s7;
	_ =	swait.eq @!p0 [sflag:s6], $0x1  }
0xb2: {  	s5 =	sor.u32 @!p0 s5, s7;
	[sflag:s6] =	ssyncadd.s32 @!p0 $0xFFFFFFFF  }
0xb3: {  	s25 =	simm.s32 $0x1B8E;
	s24 =	sld [smem:$0x3FFE];
	[sflag:s5] =	ssyncadd.remote.s32 @!p0 $0x1  }
0xb4: {  	s26 =	simm.s32 $execute0_lowered;
	[smem:$0x3FD2] =	sst s25  }
0xb5: {  	s6 =	sshll.u32 s26, $0x1;
	_ =	strace $0x80000049;
	[dreg:$0x1] =	wrdreg $0xFFFFFFFF  }
0xb6: {  	s28 =	simm.s32 $_size_execute0_lowered;
	s4 =	sadd.s32 s4, s6;
	[dreg:$0x0] =	wrdreg $0x0  }
0xb7: {  	s6 =	sshll.u32 s28, $0x1;
	[dreg:$0x2] =	wrdreg s4  }
0xb8: {  	[dreg:$0x3] =	wrdreg s6  }
0xb9: {  	[dreg:$0x4] =	wrdreg $0xC0  }
0xba: {  	_ =	task [dreg:s22], $0x5FFFF  }
0xbb: {  	[dreg:$0x1] =	wrdreg $0xFFFFFFFF  }
0xbc: {  	[dreg:$0x0] =	wrdreg $0x60  }
0xbd: {  	[dreg:$0x2] =	wrdreg s18  }
0xbe: {  	[dreg:$0x3] =	wrdreg s24  }
0xbf: {  	[dreg:$0x4] =	wrdreg $0xA  }
0xc0: {  	_ =	task.clear_ibuf [dreg:s22], $0x5FFFF;
	_ =	strace $0x90000049  }
0xc1: {  	s29 =	simm.s32 $0xA;
	_ =	strace $0x8000004B  }
0xc2: {  	_ =	swait.ge [sflag:s29], $0x1  }
0xc3: {  	[sflag:s29] =	ssyncadd.s32 $0xFFFFFFFF  }
0xc4: {  	_ =	strace $0x9000004B  }
0xc5: {  	_ =	sfence  }
0xc6: {  	s30 =	sld [smem:$0x0];
	_ =	sdelay $0x2  }
0xc7: {  	s31 =	sshll.u32 s1, $0xD;
	s1 =	sshrl.u32 s1, $0x2  }
0xc8: {  	s4 =	sand.u32 $0x4000, s31;
	s1 =	sadd.s32 s1, s30  }
0xc9: {  	s0 =	sor.u32 s4, s0;
	s1 =	sshll.u32 s1, $0x11  }
0xca: {  	s0 =	sor.u32 s1, s0  }
0xcb: {  	s0 =	sadd.s32 $0x8F2B, s0  }
0xcc: {  	[sflag:s0] =	ssyncadd.remote.s32 $0x1  }
0xcd: {  	_ =	sfence.sel $0xFFFF  }
0xce: {  	[dreg:$0x0] =	wrdreg $0xFFFFFFFF;
	(pc) =	sbr.abs _section_cstart, $3  }
0xcf: {  	[dreg:$0x1] =	wrdreg $0xFFFFFFFF  }
0xd0: {  	_ =	task.clear_ibuf [dreg:s22], $0x2FFFF;
	_ =	strace $0x9FFFFFFF  }
0xd1: {  	(tm) =	ssettm $0x7FFFFFFF  }
tec
execute0_lowered:
.L_overlay_start_1:
0x0: {  	(tag) =	ssettag $0x1  }
0x1: {  	s1 =	srdreg.scid;
	s0 =	stileid.u32  }
0x2: {  	s30 =	sand.u32 $0x1, s1;
	s26 =	sshll.u32 s0, $0x1  }
0x3: {  	s11 =	sor.u32 s30, s26  }
0x4: {  	s2 =	rddreg [dreg:$0x0];
	s29 =	smul.u32 $0x20D0, s11  }
0x5: {  	s12 =	rddreg [dreg:$0x1];
	s3 =	simm.s32 $0x0  }
0x6: {  	[smem:$0x7FF] =	sst s3;
	s28 =	sadd.s32 $0x66600, s12;
	s4 =	sshrl.u32 s29, $0x3  }
0x7: {  	_ =	strace $0x8000004A;
	s5 =	sadd.s32 s28, s4;
	s4 =	simm.s32 $0x3  }
0x8: {  	[tilespmem:s3], [sflag:$0x3] =	stream.linear.gather [hbm4b:s5+s3], $0x348, $0x38;
	[tilespmem:$0x1AA90] =	vst v63  }
0x9: {  	_ =	swait.ge [sflag:s4], $0x348  }
0xa: {  	s6 =	simm.s32 $0x348;
	s14 =	sadd.s32 $0x348, s29;
	[sflag:s4] =	ssyncset.done $0x0  }
0xb: {  	s7 =	simm.s32 $0x690;
	s8 =	sshrl.u32 s14, $0x3;
	[sflag:s4] =	ssyncadd.s32 $0xFFFFFCB8  }
0xc: {  	[tilespmem:s7], [sflag:$0x1] =	stream.indirect.gather [hbm4b:s2+s6], $0x40, s3, s6, $0xb8;
	[tilespmem:$0x1AA90] =	vst v63  }
0xd: {  	s8 =	sadd.s32 s28, s8  }
0xe: {  	[tilespmem:s6], [sflag:$0x3] =	stream.linear.gather [hbm4b:s8+s3], $0x348, $0x38;
	[tilespmem:$0x1AA90] =	vst v63  }
0xf: {  	_ =	swait.ge [sflag:s4], $0x348  }
0x10: {  	[sflag:s4] =	ssyncset.done $0x0  }
0x11: {  	s9 =	simm.s32 $0xD890;
	s10 =	simm.s32 $0x1;
	[sflag:s4] =	ssyncadd.s32 $0xFFFFFCB8  }
0x12: {  	[tilespmem:s9], [sflag:$0x2] =	stream.indirect.gather [hbm4b:s2+s6], $0x40, s6, s6, $0xb8;
	[tilespmem:$0x1AA90] =	vst v63  }
0x13: {  	s11 =	smul.u32 $0x10680, s11;
	_ =	swait.ge [sflag:s10], $0xD200  }
0x14: {  	s31 =	sadd.s32 $0x6EA00, s12;
	[sflag:s10] =	ssyncset.done $0x0  }
0x15: {  	s11 =	sadd.s32 s31, s11;
	[sflag:s10] =	ssyncadd.s32 $0xFFFF2E00  }
0x16: {  	[hbm4b:s11+s3] =	stream.linear.scatter [tilespmem:s7], [sflag:$0x3], $0xD200, $0x38;
	[tilespmem:$0x1AA90] =	vst v63  }
0x17: {  	s16 =	sadd.s32 $0x690, s29;
	_ =	swait.ge [sflag:s4], $0xD200  }
0x18: {  	s0 =	sshrl.u32 s16, $0x3;
	[sflag:s4] =	ssyncset.done $0x0  }
0x19: {  	s12 =	sadd.s32 s28, s0;
	[sflag:s4] =	ssyncadd.s32 $0xFFFF2E00  }
0x1a: {  	[tilespmem:s3], [sflag:$0x3] =	stream.linear.gather [hbm4b:s12+s3], $0x348, $0x38;
	[tilespmem:$0x1AA90] =	vst v63  }
0x1b: {  	_ =	swait.ge [sflag:s4], $0x348  }
0x1c: {  	[sflag:s4] =	ssyncset.done $0x0  }
0x1d: {  	s13 =	simm.s32 $0x2;
	[sflag:s4] =	ssyncadd.s32 $0xFFFFFCB8  }
0x1e: {  	[tilespmem:s7], [sflag:$0x1] =	stream.indirect.gather [hbm4b:s2+s6], $0x40, s3, s6, $0xb8;
	[tilespmem:$0x1AA90] =	vst v63  }
0x1f: {  	_ =	swait.ge [sflag:s13], $0xD200  }
0x20: {  	s14 =	sshll.u32 s14, $0x3;
	[sflag:s13] =	ssyncset.done $0x0  }
0x21: {  	s14 =	sadd.s32 s31, s14;
	[sflag:s13] =	ssyncadd.s32 $0xFFFF2E00  }
0x22: {  	[hbm4b:s14+s3] =	stream.linear.scatter [tilespmem:s9], [sflag:$0x3], $0xD200, $0x38;
	[tilespmem:$0x1AA90] =	vst v63  }
0x23: {  	s18 =	sadd.s32 $0x9D8, s29;
	_ =	swait.ge [sflag:s4], $0xD200  }
0x24: {  	s15 =	sshrl.u32 s18, $0x3;
	[sflag:s4] =	ssyncset.done $0x0  }
0x25: {  	s15 =	sadd.s32 s28, s15;
	[sflag:s4] =	ssyncadd.s32 $0xFFFF2E00  }
0x26: {  	[tilespmem:s6], [sflag:$0x3] =	stream.linear.gather [hbm4b:s15+s3], $0x348, $0x38;
	[tilespmem:$0x1AA90] =	vst v63  }
0x27: {  	_ =	swait.ge [sflag:s4], $0x348  }
0x28: {  	[sflag:s4] =	ssyncset.done $0x0  }
0x29: {  	[sflag:s4] =	ssyncadd.s32 $0xFFFFFCB8  }
0x2a: {  	[tilespmem:s9], [sflag:$0x2] =	stream.indirect.gather [hbm4b:s2+s6], $0x40, s6, s6, $0xb8;
	[tilespmem:$0x1AA90] =	vst v63  }
0x2b: {  	_ =	swait.ge [sflag:s10], $0xD200  }
0x2c: {  	s16 =	sshll.u32 s16, $0x3;
	[sflag:s10] =	ssyncset.done $0x0  }
0x2d: {  	s16 =	sadd.s32 s31, s16;
	[sflag:s10] =	ssyncadd.s32 $0xFFFF2E00  }
0x2e: {  	[hbm4b:s16+s3] =	stream.linear.scatter [tilespmem:s7], [sflag:$0x3], $0xD200, $0x38;
	[tilespmem:$0x1AA90] =	vst v63  }
0x2f: {  	s20 =	sadd.s32 $0xD20, s29;
	_ =	swait.ge [sflag:s4], $0xD200  }
0x30: {  	s17 =	sshrl.u32 s20, $0x3;
	[sflag:s4] =	ssyncset.done $0x0  }
0x31: {  	s17 =	sadd.s32 s28, s17;
	[sflag:s4] =	ssyncadd.s32 $0xFFFF2E00  }
0x32: {  	[tilespmem:s3], [sflag:$0x3] =	stream.linear.gather [hbm4b:s17+s3], $0x348, $0x38;
	[tilespmem:$0x1AA90] =	vst v63  }
0x33: {  	_ =	swait.ge [sflag:s4], $0x348  }
0x34: {  	[sflag:s4] =	ssyncset.done $0x0  }
0x35: {  	[sflag:s4] =	ssyncadd.s32 $0xFFFFFCB8  }
0x36: {  	[tilespmem:s7], [sflag:$0x1] =	stream.indirect.gather [hbm4b:s2+s6], $0x40, s3, s6, $0xb8;
	[tilespmem:$0x1AA90] =	vst v63  }
0x37: {  	_ =	swait.ge [sflag:s13], $0xD200  }
0x38: {  	s18 =	sshll.u32 s18, $0x3;
	[sflag:s13] =	ssyncset.done $0x0  }
0x39: {  	s18 =	sadd.s32 s31, s18;
	[sflag:s13] =	ssyncadd.s32 $0xFFFF2E00  }
0x3a: {  	[hbm4b:s18+s3] =	stream.linear.scatter [tilespmem:s9], [sflag:$0x3], $0xD200, $0x38;
	[tilespmem:$0x1AA90] =	vst v63  }
0x3b: {  	s22 =	sadd.s32 $0x1068, s29;
	_ =	swait.ge [sflag:s4], $0xD200  }
0x3c: {  	s19 =	sshrl.u32 s22, $0x3;
	[sflag:s4] =	ssyncset.done $0x0  }
0x3d: {  	s19 =	sadd.s32 s28, s19;
	[sflag:s4] =	ssyncadd.s32 $0xFFFF2E00  }
0x3e: {  	[tilespmem:s6], [sflag:$0x3] =	stream.linear.gather [hbm4b:s19+s3], $0x348, $0x38;
	[tilespmem:$0x1AA90] =	vst v63  }
0x3f: {  	_ =	swait.ge [sflag:s4], $0x348  }
0x40: {  	[sflag:s4] =	ssyncset.done $0x0  }
0x41: {  	[sflag:s4] =	ssyncadd.s32 $0xFFFFFCB8  }
0x42: {  	[tilespmem:s9], [sflag:$0x2] =	stream.indirect.gather [hbm4b:s2+s6], $0x40, s6, s6, $0xb8;
	[tilespmem:$0x1AA90] =	vst v63  }
0x43: {  	_ =	swait.ge [sflag:s10], $0xD200  }
0x44: {  	s20 =	sshll.u32 s20, $0x3;
	[sflag:s10] =	ssyncset.done $0x0  }
0x45: {  	s20 =	sadd.s32 s31, s20;
	[sflag:s10] =	ssyncadd.s32 $0xFFFF2E00  }
0x46: {  	[hbm4b:s20+s3] =	stream.linear.scatter [tilespmem:s7], [sflag:$0x3], $0xD200, $0x38;
	[tilespmem:$0x1AA90] =	vst v63  }
0x47: {  	s24 =	sadd.s32 $0x13B0, s29;
	_ =	swait.ge [sflag:s4], $0xD200  }
0x48: {  	s21 =	sshrl.u32 s24, $0x3;
	[sflag:s4] =	ssyncset.done $0x0  }
0x49: {  	s21 =	sadd.s32 s28, s21;
	[sflag:s4] =	ssyncadd.s32 $0xFFFF2E00  }
0x4a: {  	[tilespmem:s3], [sflag:$0x3] =	stream.linear.gather [hbm4b:s21+s3], $0x348, $0x38;
	[tilespmem:$0x1AA90] =	vst v63  }
0x4b: {  	_ =	swait.ge [sflag:s4], $0x348  }
0x4c: {  	[sflag:s4] =	ssyncset.done $0x0  }
0x4d: {  	[sflag:s4] =	ssyncadd.s32 $0xFFFFFCB8  }
0x4e: {  	[tilespmem:s7], [sflag:$0x1] =	stream.indirect.gather [hbm4b:s2+s6], $0x40, s3, s6, $0xb8;
	[tilespmem:$0x1AA90] =	vst v63  }
0x4f: {  	_ =	swait.ge [sflag:s13], $0xD200  }
0x50: {  	s22 =	sshll.u32 s22, $0x3;
	[sflag:s13] =	ssyncset.done $0x0  }
0x51: {  	s22 =	sadd.s32 s31, s22;
	[sflag:s13] =	ssyncadd.s32 $0xFFFF2E00  }
0x52: {  	[hbm4b:s22+s3] =	stream.linear.scatter [tilespmem:s9], [sflag:$0x3], $0xD200, $0x38;
	[tilespmem:$0x1AA90] =	vst v63  }
0x53: {  	s26 =	sadd.s32 $0x16F8, s29;
	_ =	swait.ge [sflag:s4], $0xD200  }
0x54: {  	s23 =	sshrl.u32 s26, $0x3;
	[sflag:s4] =	ssyncset.done $0x0  }
0x55: {  	s23 =	sadd.s32 s28, s23;
	[sflag:s4] =	ssyncadd.s32 $0xFFFF2E00  }
0x56: {  	[tilespmem:s6], [sflag:$0x3] =	stream.linear.gather [hbm4b:s23+s3], $0x348, $0x38;
	[tilespmem:$0x1AA90] =	vst v63  }
0x57: {  	_ =	swait.ge [sflag:s4], $0x348  }
0x58: {  	[sflag:s4] =	ssyncset.done $0x0  }
0x59: {  	[sflag:s4] =	ssyncadd.s32 $0xFFFFFCB8  }
0x5a: {  	[tilespmem:s9], [sflag:$0x2] =	stream.indirect.gather [hbm4b:s2+s6], $0x40, s6, s6, $0xb8;
	[tilespmem:$0x1AA90] =	vst v63  }
0x5b: {  	_ =	swait.ge [sflag:s10], $0xD200  }
0x5c: {  	s24 =	sshll.u32 s24, $0x3;
	[sflag:s10] =	ssyncset.done $0x0  }
0x5d: {  	s24 =	sadd.s32 s31, s24;
	[sflag:s10] =	ssyncadd.s32 $0xFFFF2E00  }
0x5e: {  	[hbm4b:s24+s3] =	stream.linear.scatter [tilespmem:s7], [sflag:$0x3], $0xD200, $0x38;
	[tilespmem:$0x1AA90] =	vst v63  }
0x5f: {  	s1 =	sadd.s32 $0x1A40, s29;
	_ =	swait.ge [sflag:s4], $0xD200  }
0x60: {  	s25 =	sshrl.u32 s1, $0x3;
	[sflag:s4] =	ssyncset.done $0x0  }
0x61: {  	s25 =	sadd.s32 s28, s25;
	[sflag:s4] =	ssyncadd.s32 $0xFFFF2E00  }
0x62: {  	[tilespmem:s3], [sflag:$0x3] =	stream.linear.gather [hbm4b:s25+s3], $0x348, $0x38;
	[tilespmem:$0x1AA90] =	vst v63  }
0x63: {  	_ =	swait.ge [sflag:s4], $0x348  }
0x64: {  	[sflag:s4] =	ssyncset.done $0x0  }
0x65: {  	[sflag:s4] =	ssyncadd.s32 $0xFFFFFCB8  }
0x66: {  	[tilespmem:s7], [sflag:$0x1] =	stream.indirect.gather [hbm4b:s2+s6], $0x40, s3, s6, $0xb8;
	[tilespmem:$0x1AA90] =	vst v63  }
0x67: {  	_ =	swait.ge [sflag:s13], $0xD200  }
0x68: {  	s26 =	sshll.u32 s26, $0x3;
	[sflag:s13] =	ssyncset.done $0x0  }
0x69: {  	s26 =	sadd.s32 s31, s26;
	[sflag:s13] =	ssyncadd.s32 $0xFFFF2E00  }
0x6a: {  	[hbm4b:s26+s3] =	stream.linear.scatter [tilespmem:s9], [sflag:$0x3], $0xD200, $0x38;
	[tilespmem:$0x1AA90] =	vst v63  }
0x6b: {  	s0 =	sadd.s32 $0x1D88, s29;
	_ =	swait.ge [sflag:s4], $0xD200  }
0x6c: {  	s29 =	sshrl.u32 s0, $0x3;
	[sflag:s4] =	ssyncset.done $0x0  }
0x6d: {  	s28 =	sadd.s32 s28, s29;
	[sflag:s4] =	ssyncadd.s32 $0xFFFF2E00  }
0x6e: {  	[tilespmem:s6], [sflag:$0x3] =	stream.linear.gather [hbm4b:s28+s3], $0x348, $0x38;
	[tilespmem:$0x1AA90] =	vst v63  }
0x6f: {  	_ =	swait.ge [sflag:s4], $0x348  }
0x70: {  	[sflag:s4] =	ssyncset.done $0x0  }
0x71: {  	[sflag:s4] =	ssyncadd.s32 $0xFFFFFCB8  }
0x72: {  	[tilespmem:s9], [sflag:$0x2] =	stream.indirect.gather [hbm4b:s2+s6], $0x40, s6, s6, $0xb8;
	[tilespmem:$0x1AA90] =	vst v63  }
0x73: {  	_ =	swait.ge [sflag:s10], $0xD200  }
0x74: {  	s1 =	sshll.u32 s1, $0x3;
	[sflag:s10] =	ssyncset.done $0x0  }
0x75: {  	s29 =	sadd.s32 s31, s1;
	s1 =	ssub.s32 $0x2, s30;
	[sflag:s10] =	ssyncadd.s32 $0xFFFF2E00  }
0x76: {  	[hbm4b:s29+s3] =	stream.linear.scatter [tilespmem:s7], [sflag:$0x3], $0xD200, $0x38;
	[tilespmem:$0x1AA90] =	vst v63  }
0x77: {  	s30 =	sshrl.u32 s1, $0x1;
	_ =	swait.ge [sflag:s4], $0xD200  }
0x78: {  	s1 =	ssub.s32 s1, s30;
	[sflag:s4] =	ssyncset.done $0x0  }
0x79: {  	s1 =	smax.u32 s1, $0x1;
	[sflag:s4] =	ssyncadd.s32 $0xFFFF2E00  }
0x7a: {  	p0 =	sne.s32 s1, $0x1;
	_ =	swait.ge [sflag:s13], $0xD200  }
.Ltmp0:
0x7b: {  	s0 =	sshll.u32 s0, $0x3;
	[sflag:s13] =	ssyncset.done $0x0;
	(pc) =	sbr.rel @!p0 .LBB2_2-.Ltmp0, $4  }
0x7c: {  	s30 =	sadd.s32 s31, s0;
	[sflag:s13] =	ssyncadd.s32 $0xFFFF2E00  }
0x7d: {  	[hbm4b:s30+s3] =	stream.linear.scatter [tilespmem:s9], [sflag:$0x3], $0xD200, $0x38;
	[tilespmem:$0x1AA90] =	vst v63  }
0x7e: {  	_ =	swait.ge [sflag:s4], $0xD200  }
0x7f: {  	s31 =	sadd.s32 $0xFFFFFFFF, s1;
	[sflag:s4] =	ssyncset.done $0x0  }
.LBB2_1:
0x80: {  	p0 =	sne.s32 s31, $0x1;
	s31 =	sadd.s32 $0xFFFFFFFF, s31;
	[sflag:s4] =	ssyncadd.s32 $0xFFFF2E00  }
0x81: {  	[tilespmem:s3], [sflag:$0x3] =	stream.linear.gather [hbm4b:s5+s3], $0x348, $0x38;
	[tilespmem:$0x1AA90] =	vst v63  }
0x82: {  	_ =	swait.ge [sflag:s4], $0x348  }
0x83: {  	[sflag:s4] =	ssyncset.done $0x0  }
0x84: {  	[sflag:s4] =	ssyncadd.s32 $0xFFFFFCB8  }
0x85: {  	[tilespmem:s7], [sflag:$0x1] =	stream.indirect.gather [hbm4b:s2+s6], $0x40, s3, s6, $0xb8;
	[tilespmem:$0x1AA90] =	vst v63  }
0x86: {  	_ = 	snop  }
0x87: {  	[tilespmem:s6], [sflag:$0x3] =	stream.linear.gather [hbm4b:s8+s3], $0x348, $0x38;
	[tilespmem:$0x1AA90] =	vst v63  }
0x88: {  	_ =	swait.ge [sflag:s4], $0x348  }
0x89: {  	[sflag:s4] =	ssyncset.done $0x0  }
0x8a: {  	[sflag:s4] =	ssyncadd.s32 $0xFFFFFCB8  }
0x8b: {  	[tilespmem:s9], [sflag:$0x2] =	stream.indirect.gather [hbm4b:s2+s6], $0x40, s6, s6, $0xb8;
	[tilespmem:$0x1AA90] =	vst v63  }
0x8c: {  	_ =	swait.ge [sflag:s10], $0xD200  }
0x8d: {  	[sflag:s10] =	ssyncset.done $0x0  }
0x8e: {  	[sflag:s10] =	ssyncadd.s32 $0xFFFF2E00  }
0x8f: {  	[hbm4b:s11+s3] =	stream.linear.scatter [tilespmem:s7], [sflag:$0x3], $0xD200, $0x38;
	[tilespmem:$0x1AA90] =	vst v63  }
0x90: {  	_ =	swait.ge [sflag:s4], $0xD200  }
0x91: {  	[sflag:s4] =	ssyncset.done $0x0  }
0x92: {  	[sflag:s4] =	ssyncadd.s32 $0xFFFF2E00  }
0x93: {  	[tilespmem:s3], [sflag:$0x3] =	stream.linear.gather [hbm4b:s12+s3], $0x348, $0x38;
	[tilespmem:$0x1AA90] =	vst v63  }
0x94: {  	_ =	swait.ge [sflag:s4], $0x348  }
0x95: {  	[sflag:s4] =	ssyncset.done $0x0  }
0x96: {  	[sflag:s4] =	ssyncadd.s32 $0xFFFFFCB8  }
0x97: {  	[tilespmem:s7], [sflag:$0x1] =	stream.indirect.gather [hbm4b:s2+s6], $0x40, s3, s6, $0xb8;
	[tilespmem:$0x1AA90] =	vst v63  }
0x98: {  	_ =	swait.ge [sflag:s13], $0xD200  }
0x99: {  	[sflag:s13] =	ssyncset.done $0x0  }
0x9a: {  	[sflag:s13] =	ssyncadd.s32 $0xFFFF2E00  }
0x9b: {  	[hbm4b:s14+s3] =	stream.linear.scatter [tilespmem:s9], [sflag:$0x3], $0xD200, $0x38;
	[tilespmem:$0x1AA90] =	vst v63  }
0x9c: {  	_ =	swait.ge [sflag:s4], $0xD200  }
0x9d: {  	[sflag:s4] =	ssyncset.done $0x0  }
0x9e: {  	[sflag:s4] =	ssyncadd.s32 $0xFFFF2E00  }
0x9f: {  	[tilespmem:s6], [sflag:$0x3] =	stream.linear.gather [hbm4b:s15+s3], $0x348, $0x38;
	[tilespmem:$0x1AA90] =	vst v63  }
0xa0: {  	_ =	swait.ge [sflag:s4], $0x348  }
0xa1: {  	[sflag:s4] =	ssyncset.done $0x0  }
0xa2: {  	[sflag:s4] =	ssyncadd.s32 $0xFFFFFCB8  }
0xa3: {  	[tilespmem:s9], [sflag:$0x2] =	stream.indirect.gather [hbm4b:s2+s6], $0x40, s6, s6, $0xb8;
	[tilespmem:$0x1AA90] =	vst v63  }
0xa4: {  	_ =	swait.ge [sflag:s10], $0xD200  }
0xa5: {  	[sflag:s10] =	ssyncset.done $0x0  }
0xa6: {  	[sflag:s10] =	ssyncadd.s32 $0xFFFF2E00  }
0xa7: {  	[hbm4b:s16+s3] =	stream.linear.scatter [tilespmem:s7], [sflag:$0x3], $0xD200, $0x38;
	[tilespmem:$0x1AA90] =	vst v63  }
0xa8: {  	_ =	swait.ge [sflag:s4], $0xD200  }
0xa9: {  	[sflag:s4] =	ssyncset.done $0x0  }
0xaa: {  	[sflag:s4] =	ssyncadd.s32 $0xFFFF2E00  }
0xab: {  	[tilespmem:s3], [sflag:$0x3] =	stream.linear.gather [hbm4b:s17+s3], $0x348, $0x38;
	[tilespmem:$0x1AA90] =	vst v63  }
0xac: {  	_ =	swait.ge [sflag:s4], $0x348  }
0xad: {  	[sflag:s4] =	ssyncset.done $0x0  }
0xae: {  	[sflag:s4] =	ssyncadd.s32 $0xFFFFFCB8  }
0xaf: {  	[tilespmem:s7], [sflag:$0x1] =	stream.indirect.gather [hbm4b:s2+s6], $0x40, s3, s6, $0xb8;
	[tilespmem:$0x1AA90] =	vst v63  }
0xb0: {  	_ =	swait.ge [sflag:s13], $0xD200  }
0xb1: {  	[sflag:s13] =	ssyncset.done $0x0  }
0xb2: {  	[sflag:s13] =	ssyncadd.s32 $0xFFFF2E00  }
0xb3: {  	[hbm4b:s18+s3] =	stream.linear.scatter [tilespmem:s9], [sflag:$0x3], $0xD200, $0x38;
	[tilespmem:$0x1AA90] =	vst v63  }
0xb4: {  	_ =	swait.ge [sflag:s4], $0xD200  }
0xb5: {  	[sflag:s4] =	ssyncset.done $0x0  }
0xb6: {  	[sflag:s4] =	ssyncadd.s32 $0xFFFF2E00  }
0xb7: {  	[tilespmem:s6], [sflag:$0x3] =	stream.linear.gather [hbm4b:s19+s3], $0x348, $0x38;
	[tilespmem:$0x1AA90] =	vst v63  }
0xb8: {  	_ =	swait.ge [sflag:s4], $0x348  }
0xb9: {  	[sflag:s4] =	ssyncset.done $0x0  }
0xba: {  	[sflag:s4] =	ssyncadd.s32 $0xFFFFFCB8  }
0xbb: {  	[tilespmem:s9], [sflag:$0x2] =	stream.indirect.gather [hbm4b:s2+s6], $0x40, s6, s6, $0xb8;
	[tilespmem:$0x1AA90] =	vst v63  }
0xbc: {  	_ =	swait.ge [sflag:s10], $0xD200  }
0xbd: {  	[sflag:s10] =	ssyncset.done $0x0  }
0xbe: {  	[sflag:s10] =	ssyncadd.s32 $0xFFFF2E00  }
0xbf: {  	[hbm4b:s20+s3] =	stream.linear.scatter [tilespmem:s7], [sflag:$0x3], $0xD200, $0x38;
	[tilespmem:$0x1AA90] =	vst v63  }
0xc0: {  	_ =	swait.ge [sflag:s4], $0xD200  }
0xc1: {  	[sflag:s4] =	ssyncset.done $0x0  }
0xc2: {  	[sflag:s4] =	ssyncadd.s32 $0xFFFF2E00  }
0xc3: {  	[tilespmem:s3], [sflag:$0x3] =	stream.linear.gather [hbm4b:s21+s3], $0x348, $0x38;
	[tilespmem:$0x1AA90] =	vst v63  }
0xc4: {  	_ =	swait.ge [sflag:s4], $0x348  }
0xc5: {  	[sflag:s4] =	ssyncset.done $0x0  }
0xc6: {  	[sflag:s4] =	ssyncadd.s32 $0xFFFFFCB8  }
0xc7: {  	[tilespmem:s7], [sflag:$0x1] =	stream.indirect.gather [hbm4b:s2+s6], $0x40, s3, s6, $0xb8;
	[tilespmem:$0x1AA90] =	vst v63  }
0xc8: {  	_ =	swait.ge [sflag:s13], $0xD200  }
0xc9: {  	[sflag:s13] =	ssyncset.done $0x0  }
0xca: {  	[sflag:s13] =	ssyncadd.s32 $0xFFFF2E00  }
0xcb: {  	[hbm4b:s22+s3] =	stream.linear.scatter [tilespmem:s9], [sflag:$0x3], $0xD200, $0x38;
	[tilespmem:$0x1AA90] =	vst v63  }
0xcc: {  	_ =	swait.ge [sflag:s4], $0xD200  }
0xcd: {  	[sflag:s4] =	ssyncset.done $0x0  }
0xce: {  	[sflag:s4] =	ssyncadd.s32 $0xFFFF2E00  }
0xcf: {  	[tilespmem:s6], [sflag:$0x3] =	stream.linear.gather [hbm4b:s23+s3], $0x348, $0x38;
	[tilespmem:$0x1AA90] =	vst v63  }
0xd0: {  	_ =	swait.ge [sflag:s4], $0x348  }
0xd1: {  	[sflag:s4] =	ssyncset.done $0x0  }
0xd2: {  	[sflag:s4] =	ssyncadd.s32 $0xFFFFFCB8  }
0xd3: {  	[tilespmem:s9], [sflag:$0x2] =	stream.indirect.gather [hbm4b:s2+s6], $0x40, s6, s6, $0xb8;
	[tilespmem:$0x1AA90] =	vst v63  }
0xd4: {  	_ =	swait.ge [sflag:s10], $0xD200  }
0xd5: {  	[sflag:s10] =	ssyncset.done $0x0  }
0xd6: {  	[sflag:s10] =	ssyncadd.s32 $0xFFFF2E00  }
0xd7: {  	[hbm4b:s24+s3] =	stream.linear.scatter [tilespmem:s7], [sflag:$0x3], $0xD200, $0x38;
	[tilespmem:$0x1AA90] =	vst v63  }
0xd8: {  	_ =	swait.ge [sflag:s4], $0xD200  }
0xd9: {  	[sflag:s4] =	ssyncset.done $0x0  }
0xda: {  	[sflag:s4] =	ssyncadd.s32 $0xFFFF2E00  }
0xdb: {  	[tilespmem:s3], [sflag:$0x3] =	stream.linear.gather [hbm4b:s25+s3], $0x348, $0x38;
	[tilespmem:$0x1AA90] =	vst v63  }
0xdc: {  	_ =	swait.ge [sflag:s4], $0x348  }
0xdd: {  	[sflag:s4] =	ssyncset.done $0x0  }
0xde: {  	[sflag:s4] =	ssyncadd.s32 $0xFFFFFCB8  }
0xdf: {  	[tilespmem:s7], [sflag:$0x1] =	stream.indirect.gather [hbm4b:s2+s6], $0x40, s3, s6, $0xb8;
	[tilespmem:$0x1AA90] =	vst v63  }
0xe0: {  	_ =	swait.ge [sflag:s13], $0xD200  }
0xe1: {  	[sflag:s13] =	ssyncset.done $0x0  }
0xe2: {  	[sflag:s13] =	ssyncadd.s32 $0xFFFF2E00  }
0xe3: {  	[hbm4b:s26+s3] =	stream.linear.scatter [tilespmem:s9], [sflag:$0x3], $0xD200, $0x38;
	[tilespmem:$0x1AA90] =	vst v63  }
0xe4: {  	_ =	swait.ge [sflag:s4], $0xD200  }
0xe5: {  	[sflag:s4] =	ssyncset.done $0x0  }
0xe6: {  	[sflag:s4] =	ssyncadd.s32 $0xFFFF2E00  }
0xe7: {  	[tilespmem:s6], [sflag:$0x3] =	stream.linear.gather [hbm4b:s28+s3], $0x348, $0x38;
	[tilespmem:$0x1AA90] =	vst v63  }
0xe8: {  	_ =	swait.ge [sflag:s4], $0x348  }
0xe9: {  	[sflag:s4] =	ssyncset.done $0x0  }
0xea: {  	[sflag:s4] =	ssyncadd.s32 $0xFFFFFCB8  }
0xeb: {  	[tilespmem:s9], [sflag:$0x2] =	stream.indirect.gather [hbm4b:s2+s6], $0x40, s6, s6, $0xb8;
	[tilespmem:$0x1AA90] =	vst v63  }
0xec: {  	_ =	swait.ge [sflag:s10], $0xD200  }
0xed: {  	[sflag:s10] =	ssyncset.done $0x0  }
0xee: {  	[sflag:s10] =	ssyncadd.s32 $0xFFFF2E00  }
0xef: {  	[hbm4b:s29+s3] =	stream.linear.scatter [tilespmem:s7], [sflag:$0x3], $0xD200, $0x38;
	[tilespmem:$0x1AA90] =	vst v63  }
0xf0: {  	_ =	swait.ge [sflag:s4], $0xD200  }
0xf1: {  	[sflag:s4] =	ssyncset.done $0x0  }
0xf2: {  	[sflag:s4] =	ssyncadd.s32 $0xFFFF2E00  }
0xf3: {  	_ =	swait.ge [sflag:s13], $0xD200  }
.Ltmp1:
0xf4: {  	[sflag:s13] =	ssyncset.done $0x0;
	(pc) =	sbr.rel @p0 .LBB2_1-.Ltmp1, $4  }
0xf5: {  	[sflag:s13] =	ssyncadd.s32 $0xFFFF2E00  }
0xf6: {  	[hbm4b:s30+s3] =	stream.linear.scatter [tilespmem:s9], [sflag:$0x3], $0xD200, $0x38;
	[tilespmem:$0x1AA90] =	vst v63  }
0xf7: {  	_ =	swait.ge [sflag:s4], $0xD200  }
0xf8: {  	[sflag:s4] =	ssyncset.done $0x0  }
.LBB2_2:
0xf9: {  	[sflag:s4] =	ssyncadd.s32 $0xFFFF2E00  }
0xfa: {  	_ =	sfence.sel $0x180000  }
0xfb: {  	[bflag:$0x0] =	sbarrier.arrive $0xFFFF  }
0xfc: {  	_ =	strace $0x9000004A  }
0xfd: {  	s0 =	stileid.u32;
	[bflag:$0x2] =	sbarrier.arrive $0xFFFF  }
0xfe: {  	p0 =	sne.s32 s0, $0x0;
	s0 =	rddreg [dreg:$0x2]  }
0xff: {  	s0 =	sadd.s32 @!p0 $0x100000, s0  }
0x100: {  	[sflag:s0] =	ssyncadd.tile.s32 @!p0 $0x1;
	_ =	shalt  }
.Lfunc_end2:
_tile_overlayer_lowered:
.L_overlay_start_2:
0x101: {  	(tag) =	ssettag $0x2  }
0x102: {  	s0 =	rddreg [dreg:$0x0];
	s2 =	stileid.u32  }
0x103: {  	s1 =	rddreg [dreg:$0x1];
	p0 =	sne.s32 s2, $0x0  }
0x104: {  	s3 =	rddreg [dreg:$0x2];
	[bflag:$0x3] =	sbarrier.arrive $0xFFFF;
	s2 =	simm.s32 @!p0 $0x1C03  }
0x105: {  	[timem:s3], [sflag:s2] =	dma.local @!p0 [hbm:s0], s1  }
0x106: {  	s0 =	simm.s32 @!p0 $0x3  }
0x107: {  	_ =	swait.ge @!p0 [sflag:s0], s1  }
0x108: {  	s1 =	ssub.s32 @!p0 $0x0, s1;
	[sflag:s0] =	ssyncset.done @!p0 $0x0  }
0x109: {  	[sflag:s0] =	ssyncadd.s32 @!p0 s1  }
0x10a: {  	[bflag:$0x3] =	sbarrier.arrive $0xFFFF  }
0x10b: {  	_ =	shalt  }

// kernel: kernel.7.cloned.1.call-start
scs
__scs_entry_jumppad:
0x0: {  	(pc) =	sbr.rel $0x88, $3  }
0x1: {  	(tag) =	ssettag $0x0;
	lr =	simm.s32 $0x1  }
0x2: {  	[smem:$0x3F9F] =	sst lr;
	_ =	strace $0xD0000000  }
0x3: {  	_ = 	snop  }
0x4: {  	_ = 	snop  }
0x5: {  	_ = 	snop  }
0x6: {  	_ = 	snop  }
0x7: {  	_ = 	snop  }
__scs_overlays_trampoline_lowered:
0x8: {  	[smem:$0x3FAE] =	sst s0  }
0x9: {  	[smem:$0x3FAF] =	sst s1  }
0xa: {  	[smem:$0x3FB0] =	sst s2  }
0xb: {  	[smem:$0x3FB1] =	sst s3  }
0xc: {  	[smem:$0x3FB2] =	sst s4  }
0xd: {  	[smem:$0x3FB3] =	sst s5  }
0xe: {  	[smem:$0x3FB4] =	sst s6  }
0xf: {  	[smem:$0x3FB5] =	sst s7  }
0x10: {  	[smem:$0x3FB6] =	sst s8  }
0x11: {  	[smem:$0x3FB7] =	sst s9;
	s0 =	simm.s32 @!p0 $0x0  }
0x12: {  	s1 =	sld [smem:$0x3F9D];
	s0 =	simm.s32 @p0 $0x1  }
0x13: {  	[smem:$0x3FB8] =	sst s0;
	s0 =	simm.s32 @!p1 $0x0  }
0x14: {  	s2 =	sld [smem:$0x3F9C];
	s0 =	simm.s32 @p1 $0x1  }
0x15: {  	[smem:$0x3FB9] =	sst s0;
	s0 =	simm.s32 @!p2 $0x0  }
0x16: {  	s3 =	sld [smem:$0x3FDB];
	s0 =	simm.s32 @p2 $0x1  }
0x17: {  	s4 =	simm.s32 $0x1BF5;
	[smem:$0x3FBB] =	sst s0  }
0x18: {  	s0 =	sld [smem:$0x3F9E];
	_ =	swait.ge [sflag:s4], $0x0  }
0x19: {  	s7 =	sld [smem:$0x3F9F]  }
0x1a: {  	s8 =	sadd.s32 $0xFFFFE003, lr  }
0x1b: {  	s9 =	sadd.s32 $0xFFFFFEF7, lr;
	s5 =	simm.s32 $0xFFFFFFFF;
	p2 =	slt.u32 s8, $0xFFFFF086  }
0x1c: {  	p1 =	slt.u32 s9, $0xF7A;
	s5 =	simm.s32 @!p2 $0x0  }
0x1d: {  	s5 =	simm.s32 @p1 $0x1;
	p0 =	seq.s32 s7, s2  }
0x1e: {  	s7 =	smul.u32 @!p0 $0xF7A, s2;
	p2 =	seq.s32 @!p0 s5, $0x0  }
0x1f: {  	s9 =	smul.u32 $0xF7A, s1;
	s8 =	simm.s32 @!p0 $0x1BF5;
	p2 =	por !p2, p0  }
0x20: {  	[sflag:s8] =	ssyncset.s32 @!p0 $0xFFFFF086;
	s6 =	sadd.s32 @!p0 s3, s7;
	s7 =	simm.s32 @!p0 $0x108  }
0x21: {  	s3 =	sadd.s32 s3, s9;
	s6 =	sadd.s32 @!p0 $0x88, s6;
	s7 =	simm.s32 @p2 $0x1082  }
0x22: {  	[simem:s7], [sflag:s8] =	dma.local @!p0 [hbm:s6], $0xF7A  }
0x23: {  	s9 =	sor.u32 $0xD0000000, s2;
	s6 =	simm.s32 $0x108;
	_ =	swait.ge @!p0 [sflag:s8], $0x0  }
0x24: {  	s3 =	sadd.s32 $0x88, s3;
	s6 =	simm.s32 @!p1 $0x1082;
	[sflag:s4] =	ssyncset.s32 $0xFFFFF086  }
0x25: {  	[simem:s6], [sflag:s4] =	dma.local [hbm:s3], $0xF7A  }
0x26: {  	[smem:$0x3F9F] =	sst s1;
	(tag) =	ssettag s2;
	_ =	strace s9  }
0x27: {  	s1 =	sld [smem:$0x3FAF]  }
0x28: {  	s2 =	sld [smem:$0x3FB0]  }
0x29: {  	s4 =	sld [smem:$0x3FB2]  }
0x2a: {  	p0 =	seq.s32 s5, $0x0;
	s5 =	sld [smem:$0x3FB3]  }
0x2b: {  	s6 =	sld [smem:$0x3FB4]  }
0x2c: {  	s7 =	sld [smem:$0x3FB5]  }
0x2d: {  	s3 =	simm.s32 $0x108;
	s8 =	sld [smem:$0x3FB6]  }
0x2e: {  	s3 =	simm.s32 @!p0 $0x1082;
	s9 =	sld [smem:$0x3FB7]  }
0x2f: {  	lr =	sadd.s32 s0, s3;
	s0 =	sld [smem:$0x3FAE]  }
0x30: {  	s3 =	sld [smem:$0x3FB1]  }
0x31: {  	[smem:$0x3FBA] =	sst s10  }
0x32: {  	s10 =	sld [smem:$0x3FB8];
	_ =	sdelay $0x3  }
0x33: {  	p0 =	seq.s32 s10, $0x1;
	s10 =	sld [smem:$0x3FBA];
	_ =	sdelay $0x3  }
0x34: {  	[smem:$0x3FBA] =	sst s10  }
0x35: {  	s10 =	sld [smem:$0x3FB9];
	_ =	sdelay $0x3  }
0x36: {  	p1 =	seq.s32 s10, $0x1;
	s10 =	sld [smem:$0x3FBA];
	_ =	sdelay $0x3  }
0x37: {  	[smem:$0x3FBA] =	sst s10  }
0x38: {  	s10 =	sld [smem:$0x3FBB]  }
0x39: {  	_ = 	snop;
	(pc) =	sbr.ind lr, $3  }
0x3a: {  	_ = 	snop  }
0x3b: {  	_ = 	snop  }
0x3c: {  	p2 =	seq.s32 s10, $0x1;
	s10 =	sld [smem:$0x3FBA]  }
0x3d: {  	_ =	shalt  }
0x3e: {  	_ =	shalt  }
0x3f: {  	_ =	shalt  }
0x40: {  	_ =	shalt  }
0x41: {  	_ =	shalt  }
0x42: {  	_ =	shalt  }
0x43: {  	_ =	shalt  }
0x44: {  	_ =	shalt  }
0x45: {  	_ =	shalt  }
0x46: {  	_ =	shalt  }
0x47: {  	_ =	shalt  }
0x48: {  	_ =	shalt  }
0x49: {  	_ =	shalt  }
0x4a: {  	_ =	shalt  }
0x4b: {  	_ =	shalt  }
0x4c: {  	_ =	shalt  }
0x4d: {  	_ =	shalt  }
0x4e: {  	_ =	shalt  }
0x4f: {  	_ =	shalt  }
0x50: {  	_ =	shalt  }
0x51: {  	_ =	shalt  }
0x52: {  	_ =	shalt  }
0x53: {  	_ =	shalt  }
0x54: {  	_ =	shalt  }
0x55: {  	_ =	shalt  }
0x56: {  	_ =	shalt  }
0x57: {  	_ =	shalt  }
0x58: {  	_ =	shalt  }
0x59: {  	_ =	shalt  }
0x5a: {  	_ =	shalt  }
0x5b: {  	_ =	shalt  }
0x5c: {  	_ =	shalt  }
0x5d: {  	_ =	shalt  }
0x5e: {  	_ =	shalt  }
0x5f: {  	_ =	shalt  }
0x60: {  	_ =	shalt  }
0x61: {  	_ =	shalt  }
0x62: {  	_ =	shalt  }
0x63: {  	_ =	shalt  }
0x64: {  	_ =	shalt  }
0x65: {  	_ =	shalt  }
0x66: {  	_ =	shalt  }
0x67: {  	_ =	shalt  }
0x68: {  	_ =	shalt  }
0x69: {  	_ =	shalt  }
0x6a: {  	_ =	shalt  }
0x6b: {  	_ =	shalt  }
0x6c: {  	_ =	shalt  }
0x6d: {  	_ =	shalt  }
0x6e: {  	_ =	shalt  }
0x6f: {  	_ =	shalt  }
0x70: {  	_ =	shalt  }
0x71: {  	_ =	shalt  }
0x72: {  	_ =	shalt  }
0x73: {  	_ =	shalt  }
0x74: {  	_ =	shalt  }
0x75: {  	_ =	shalt  }
0x76: {  	_ =	shalt  }
0x77: {  	_ =	shalt  }
0x78: {  	_ =	shalt  }
0x79: {  	_ =	shalt  }
0x7a: {  	_ =	shalt  }
0x7b: {  	_ =	shalt  }
0x7c: {  	_ =	shalt  }
0x7d: {  	_ =	shalt  }
0x7e: {  	_ =	shalt  }
0x7f: {  	_ =	shalt  }
0x80: {  	_ =	shalt  }
0x81: {  	_ =	shalt  }
0x82: {  	_ =	shalt  }
0x83: {  	_ =	shalt  }
0x84: {  	_ =	shalt  }
0x85: {  	_ =	shalt  }
0x86: {  	_ =	shalt  }
0x87: {  	_ =	shalt  }
.Lfunc_end0:
.L_simem_size_0:
called_computation_lowered:
.L_overlay_start_0:
0x88: {  	s2 =	sld [smem:$0x3FD9]  }
0x89: {  	s3 =	sld [smem:$0x3FFE];
	_ =	sdelay $0x1  }
0x8a: {  	s1 =	srdreg.scid  }
0x8b: {  	s0 =	sand.u32 $0x1, s1  }
0x8c: {  	s17 =	sshll.u32 s0, $0xA;
	s2 =	sadd.s32 s3, s2  }
0x8d: {  	s2 =	sadd.s32 s2, s17  }
0x8e: {  	[smem:$0x3FC6] =	sst s2  }
0x8f: {  	_ = 	snop  }
0x90: {  	s2 =	sld [smem:$0x3FD0];
	(tm) =	ssettm $0x1  }
0x91: {  	s18 =	sld [smem:$0x3FFB];
	_ =	sdelay $0x3  }
0x92: {  	_ =	strace s18  }
0x93: {  	s3 =	sld [smem:$0x3FFC];
	_ =	sdelay $0x3  }
0x94: {  	_ =	strace s3  }
0x95: {  	s3 =	sld [smem:$0x3FFD];
	_ =	sdelay $0x3  }
0x96: {  	_ =	strace s3  }
0x97: {  	_ =	strace $0x8FFFFFFF  }
0x98: {  	s19 =	sld [smem:$0x3FDB];
	_ =	sdelay $0x1  }
0x99: {  	s4 =	simm.s32 $_scs_section_size  }
0x9a: {  	s5 =	simm.s32 $_size__tile_overlayer_lowered;
	s6 =	simm.s32 $_tile_overlayer_lowered  }
0x9b: {  	s22 =	simm.s32 $0x1BFF;
	s21 =	sshll.u32 s6, $0x1;
	s3 =	sadd.s32 s4, s19  }
0x9c: {  	s7 =	simm.s32 $0x0;
	s20 =	sshll.u32 s5, $0x1;
	s5 =	sadd.s32 s21, s3  }
0x9d: {  	[timem:s7], [sflag:s22] =	dma.local [hbm:s5], s20  }
0x9e: {  	_ =	swait.ge [sflag:s22], s20  }
0x9f: {  	s4 =	ssub.s32 $0x0, s20;
	[sflag:s22] =	ssyncset.done $0x0  }
0xa0: {  	[sflag:s22] =	ssyncadd.s32 s4;
	_ =	sdelay $0x1  }
0xa1: {  	s23 =	simm.s32 $0x1B8B  }
0xa2: {  	_ =	swait.ge [sflag:s23], $0x1  }
0xa3: {  	[sflag:s23] =	ssyncset.done $0x0  }
0xa4: {  	s25 =	simm.s32 $0x1B8E;
	s24 =	sld [smem:$0x3FFE];
	[sflag:s23] =	ssyncadd.s32 $0xFFFFFFFF  }
0xa5: {  	s26 =	simm.s32 $execute0_lowered;
	[smem:$0x3FD2] =	sst s25  }
0xa6: {  	s5 =	sshll.u32 s26, $0x1;
	_ =	strace $0x80000046;
	[dreg:$0x1] =	wrdreg $0xFFFFFFFF  }
0xa7: {  	s28 =	simm.s32 $_size_execute0_lowered;
	s3 =	sadd.s32 s3, s5;
	[dreg:$0x0] =	wrdreg $0x0  }
0xa8: {  	s5 =	sshll.u32 s28, $0x1;
	[dreg:$0x2] =	wrdreg s3  }
0xa9: {  	[dreg:$0x3] =	wrdreg s5  }
0xaa: {  	[dreg:$0x4] =	wrdreg $0xC0  }
0xab: {  	_ =	task [dreg:s7], $0x5FFFF  }
0xac: {  	[dreg:$0x1] =	wrdreg $0xFFFFFFFF  }
0xad: {  	[dreg:$0x0] =	wrdreg $0x60  }
0xae: {  	[dreg:$0x2] =	wrdreg s2  }
0xaf: {  	[dreg:$0x3] =	wrdreg s24  }
0xb0: {  	[dreg:$0x4] =	wrdreg $0x9  }
0xb1: {  	_ =	task.clear_ibuf [dreg:s7], $0x5FFFF;
	_ =	strace $0x90000046  }
0xb2: {  	s29 =	simm.s32 $0x9;
	_ =	strace $0x80000048  }
0xb3: {  	_ =	swait.ge [sflag:s29], $0x1  }
0xb4: {  	[sflag:s29] =	ssyncadd.s32 $0xFFFFFFFF  }
0xb5: {  	_ =	strace $0x90000048  }
0xb6: {  	_ =	sfence  }
0xb7: {  	s30 =	sld [smem:$0x0];
	_ =	sdelay $0x2  }
0xb8: {  	s31 =	sshll.u32 s1, $0xD;
	s1 =	sshrl.u32 s1, $0x2  }
0xb9: {  	s3 =	sand.u32 $0x4000, s31;
	s1 =	sadd.s32 s1, s30  }
0xba: {  	s0 =	sor.u32 s3, s0;
	s1 =	sshll.u32 s1, $0x11  }
0xbb: {  	s0 =	sor.u32 s1, s0  }
0xbc: {  	s0 =	sadd.s32 $0x8F2B, s0  }
0xbd: {  	[sflag:s0] =	ssyncadd.remote.s32 $0x1  }
0xbe: {  	_ =	sfence.sel $0xFFFF  }
0xbf: {  	[dreg:$0x0] =	wrdreg $0xFFFFFFFF;
	(pc) =	sbr.abs _section_cstart, $3  }
0xc0: {  	[dreg:$0x1] =	wrdreg $0xFFFFFFFF  }
0xc1: {  	_ =	task.clear_ibuf [dreg:s7], $0x2FFFF;
	_ =	strace $0x9FFFFFFF  }
0xc2: {  	(tm) =	ssettm $0x7FFFFFFF  }
0xc3: {  	_ =	shalt  }
tec
execute0_lowered:
.L_overlay_start_1:
0x0: {  	(tag) =	ssettag $0x1  }
0x1: {  	s1 =	srdreg.scid;
	s0 =	stileid.u32  }
0x2: {  	s12 =	sand.u32 $0x1, s1;
	s30 =	sshll.u32 s0, $0x1  }
0x3: {  	s2 =	rddreg [dreg:$0x0];
	s11 =	sor.u32 s12, s30  }
0x4: {  	s13 =	rddreg [dreg:$0x1];
	s6 =	smul.u32 $0x640, s11  }
0x5: {  	s3 =	simm.s32 $0x0;
	s1 =	rddreg [dreg:$0x2]  }
0x6: {  	[smem:$0x7FF] =	sst s3;
	s8 =	sadd.s32 $0xC00, s13;
	s4 =	sshrl.u32 s6, $0x3  }
0x7: {  	_ =	strace $0x80000047;
	s5 =	sadd.s32 s8, s4;
	s4 =	simm.s32 $0x3  }
0x8: {  	[tilespmem:s3], [sflag:$0x3] =	stream.linear.gather [hbm4b:s5+s3], $0x320, $0x38;
	[tilespmem:$0x19640] =	vst v63  }
0x9: {  	_ =	swait.ge [sflag:s4], $0x320  }
0xa: {  	s7 =	simm.s32 $0x640;
	s14 =	sadd.s32 $0x320, s6;
	[sflag:s4] =	ssyncset.done $0x0  }
0xb: {  	s6 =	simm.s32 $0x320;
	s9 =	sshrl.u32 s14, $0x3;
	[sflag:s4] =	ssyncadd.s32 $0xFFFFFCE0  }
0xc: {  	[tilespmem:s7], [sflag:$0x1] =	stream.indirect.gather [hbm4b:s2+s6], $0x40, s3, s6, $0xb8;
	[tilespmem:$0x19640] =	vst v63  }
0xd: {  	s8 =	sadd.s32 s8, s9  }
0xe: {  	[tilespmem:s6], [sflag:$0x3] =	stream.linear.gather [hbm4b:s8+s3], $0x320, $0x38;
	[tilespmem:$0x19640] =	vst v63  }
0xf: {  	_ =	swait.ge [sflag:s4], $0x320  }
0x10: {  	[sflag:s4] =	ssyncset.done $0x0  }
0x11: {  	s10 =	simm.s32 $0x1;
	s9 =	simm.s32 $0xCE40;
	[sflag:s4] =	ssyncadd.s32 $0xFFFFFCE0  }
0x12: {  	[tilespmem:s9], [sflag:$0x2] =	stream.indirect.gather [hbm4b:s2+s6], $0x40, s6, s6, $0xb8;
	[tilespmem:$0x19640] =	vst v63  }
0x13: {  	s11 =	smul.u32 $0x3200, s11;
	_ =	swait.ge [sflag:s10], $0xC800  }
0x14: {  	s13 =	sadd.s32 $0x2600, s13;
	[sflag:s10] =	ssyncset.done $0x0  }
0x15: {  	s15 =	ssub.s32 $0x2, s12;
	s11 =	sadd.s32 s13, s11;
	[sflag:s10] =	ssyncadd.s32 $0xFFFF3800  }
0x16: {  	[hbm4b:s11+s3] =	stream.linear.scatter [tilespmem:s7], [sflag:$0x3], $0xC800, $0x38;
	[tilespmem:$0x19640] =	vst v63  }
0x17: {  	s16 =	sshrl.u32 s15, $0x1;
	_ =	swait.ge [sflag:s4], $0xC800  }
0x18: {  	s15 =	ssub.s32 s15, s16;
	[sflag:s4] =	ssyncset.done $0x0  }
0x19: {  	s12 =	simm.s32 $0x2;
	s31 =	smax.u32 s15, $0x1;
	[sflag:s4] =	ssyncadd.s32 $0xFFFF3800  }
0x1a: {  	p0 =	sne.s32 s31, $0x1;
	_ =	swait.ge [sflag:s12], $0xC800  }
.Ltmp0:
0x1b: {  	s14 =	sshll.u32 s14, $0x3;
	[sflag:s12] =	ssyncset.done $0x0;
	(pc) =	sbr.rel @!p0 .LBB2_2-.Ltmp0, $4  }
0x1c: {  	s13 =	sadd.s32 s13, s14;
	[sflag:s12] =	ssyncadd.s32 $0xFFFF3800  }
0x1d: {  	[hbm4b:s13+s3] =	stream.linear.scatter [tilespmem:s9], [sflag:$0x3], $0xC800, $0x38;
	[tilespmem:$0x19640] =	vst v63  }
0x1e: {  	_ =	swait.ge [sflag:s4], $0xC800  }
0x1f: {  	s14 =	sadd.s32 $0xFFFFFFFF, s31;
	[sflag:s4] =	ssyncset.done $0x0  }
.LBB2_1:
0x20: {  	p0 =	sne.s32 s14, $0x1;
	s14 =	sadd.s32 $0xFFFFFFFF, s14;
	[sflag:s4] =	ssyncadd.s32 $0xFFFF3800  }
0x21: {  	[tilespmem:s3], [sflag:$0x3] =	stream.linear.gather [hbm4b:s5+s3], $0x320, $0x38;
	[tilespmem:$0x19640] =	vst v63  }
0x22: {  	_ =	swait.ge [sflag:s4], $0x320  }
0x23: {  	[sflag:s4] =	ssyncset.done $0x0  }
0x24: {  	[sflag:s4] =	ssyncadd.s32 $0xFFFFFCE0  }
0x25: {  	[tilespmem:s7], [sflag:$0x1] =	stream.indirect.gather [hbm4b:s2+s6], $0x40, s3, s6, $0xb8;
	[tilespmem:$0x19640] =	vst v63  }
0x26: {  	_ = 	snop  }
0x27: {  	[tilespmem:s6], [sflag:$0x3] =	stream.linear.gather [hbm4b:s8+s3], $0x320, $0x38;
	[tilespmem:$0x19640] =	vst v63  }
0x28: {  	_ =	swait.ge [sflag:s4], $0x320  }
0x29: {  	[sflag:s4] =	ssyncset.done $0x0  }
0x2a: {  	[sflag:s4] =	ssyncadd.s32 $0xFFFFFCE0  }
0x2b: {  	[tilespmem:s9], [sflag:$0x2] =	stream.indirect.gather [hbm4b:s2+s6], $0x40, s6, s6, $0xb8;
	[tilespmem:$0x19640] =	vst v63  }
0x2c: {  	_ =	swait.ge [sflag:s10], $0xC800  }
0x2d: {  	[sflag:s10] =	ssyncset.done $0x0  }
0x2e: {  	[sflag:s10] =	ssyncadd.s32 $0xFFFF3800  }
0x2f: {  	[hbm4b:s11+s3] =	stream.linear.scatter [tilespmem:s7], [sflag:$0x3], $0xC800, $0x38;
	[tilespmem:$0x19640] =	vst v63  }
0x30: {  	_ =	swait.ge [sflag:s4], $0xC800  }
0x31: {  	[sflag:s4] =	ssyncset.done $0x0  }
0x32: {  	[sflag:s4] =	ssyncadd.s32 $0xFFFF3800  }
0x33: {  	_ =	swait.ge [sflag:s12], $0xC800  }
.Ltmp1:
0x34: {  	[sflag:s12] =	ssyncset.done $0x0;
	(pc) =	sbr.rel @p0 .LBB2_1-.Ltmp1, $4  }
0x35: {  	[sflag:s12] =	ssyncadd.s32 $0xFFFF3800  }
0x36: {  	[hbm4b:s13+s3] =	stream.linear.scatter [tilespmem:s9], [sflag:$0x3], $0xC800, $0x38;
	[tilespmem:$0x19640] =	vst v63  }
0x37: {  	_ =	swait.ge [sflag:s4], $0xC800  }
0x38: {  	[sflag:s4] =	ssyncset.done $0x0  }
.LBB2_2:
0x39: {  	[sflag:s4] =	ssyncadd.s32 $0xFFFF3800  }
0x3a: {  	_ =	sfence.sel $0x180000  }
0x3b: {  	[bflag:$0x0] =	sbarrier.arrive $0xFFFF  }
0x3c: {  	p0 =	sne.s32 s0, $0x0;
	_ =	strace $0x90000047  }
0x3d: {  	s0 =	sadd.s32 @!p0 $0x100000, s1;
	[bflag:$0x2] =	sbarrier.arrive $0xFFFF  }
0x3e: {  	[sflag:s0] =	ssyncadd.tile.s32 @!p0 $0x1;
	_ =	shalt  }
.Lfunc_end2:
_tile_overlayer_lowered:
.L_overlay_start_2:
0x3f: {  	(tag) =	ssettag $0x2  }
0x40: {  	s0 =	rddreg [dreg:$0x0];
	s2 =	stileid.u32  }
0x41: {  	s1 =	rddreg [dreg:$0x1];
	p0 =	sne.s32 s2, $0x0  }
0x42: {  	s3 =	rddreg [dreg:$0x2];
	[bflag:$0x3] =	sbarrier.arrive $0xFFFF;
	s2 =	simm.s32 @!p0 $0x1C03  }
0x43: {  	[timem:s3], [sflag:s2] =	dma.local @!p0 [hbm:s0], s1  }
0x44: {  	s0 =	simm.s32 @!p0 $0x3  }
0x45: {  	_ =	swait.ge @!p0 [sflag:s0], s1  }
0x46: {  	s1 =	ssub.s32 @!p0 $0x0, s1;
	[sflag:s0] =	ssyncset.done @!p0 $0x0  }
0x47: {  	[sflag:s0] =	ssyncadd.s32 @!p0 s1  }
0x48: {  	[bflag:$0x3] =	sbarrier.arrive $0xFFFF  }
0x49: {  	_ =	shalt  }

</sc_bundles>
